<compile_context>
chip_gen: v7x
topology: tpu7x:2x2x1
jax: 0.10.2.dev20260603
libtpu: 0.0.44.dev20260713+nightly
codegen_flags: <defaults>
</compile_context>

<pallas_src>
import functools

import jax
import jax.numpy as jnp
from jax import lax
from jax.experimental import pallas as pl
from jax.experimental.pallas import tpu as pltpu
from jax.experimental.pallas import tpu_sc as plsc

NC, NS = 2, 16
NW = NC * NS
K = 125
KC = 64
G = 64
BLK = 8


def _sc_deg_body(ch, rpt, col2d, out_hbm, degS, colv, onesv, zbuf):
    c = lax.axis_index("c")
    s = lax.axis_index("s")
    wid = s * NC + c
    nz = rpt // KC

    lane = lax.iota(jnp.int32, 16)
    e1 = jnp.where(lane == 0, jnp.float32(1), jnp.float32(0))
    z16 = jnp.zeros((16,), jnp.float32)

    def fill(r, _):
        onesv[r, :] = e1
        return ()
    lax.fori_loop(0, K, fill, ())

    def fillz(r, _):
        zbuf[r, :] = z16
        return ()
    lax.fori_loop(0, KC, fillz, ())

    for i in range(nz):
        pltpu.sync_copy(zbuf, degS.at[pl.ds(s * rpt + i * KC, KC)])
    plsc.subcore_barrier()

    pltpu.sync_copy(col2d.at[pl.ds(wid * ch, ch)], colv)

    def body(j, _):
        pltpu.sync_copy(onesv, degS.at[colv.at[j]], add=True)
        return ()
    lax.fori_loop(0, ch, body, ())
    plsc.subcore_barrier()

    for i in range(nz):
        base = s * rpt + i * KC
        pltpu.sync_copy(degS.at[pl.ds(base, KC)], out_hbm.at[c, pl.ds(base, KC)])


def _sc_agg_body(d, ch, rpt, h2_hbm, row2d, col2d, out_hbm,
                 aggS, rowv, colv, buf0, buf1, gsem0, gsem1):
    c = lax.axis_index("c")
    s = lax.axis_index("s")
    wid = s * NC + c
    nz = rpt // KC
    nblk = ch // BLK

    z16 = jnp.zeros((16,), jnp.float32)
    nv = d // 16

    bufs = (buf0, buf1)
    gsems = (gsem0, gsem1)

    pltpu.sync_copy(row2d.at[pl.ds(wid * ch, BLK)], rowv.at[pl.ds(0, BLK)])
    pltpu.sync_copy(col2d.at[pl.ds(wid * ch, BLK)], colv.at[pl.ds(0, BLK)])
    pltpu.async_copy(h2_hbm.at[rowv.at[0]], buf0, gsem0)

    def zero(i, _):
        buf1[i // nv, pl.ds((i % nv) * 16, 16)] = z16
        return ()
    lax.fori_loop(0, KC * nv, zero, ())

    for i in range(nz):
        pltpu.sync_copy(buf1.at[pl.ds(0, KC)],
                        aggS.at[pl.ds(s * rpt + i * KC, KC)])
    plsc.subcore_barrier()


    def blk_body(blk, _):
        nb = blk + 1
        half = (blk % 3) * BLK
        nhalf = (nb % 3) * BLK

        @pl.when(nb < nblk)
        def _():
            base = wid * ch + nb * BLK
            pltpu.sync_copy(row2d.at[pl.ds(base, BLK)],
                            rowv.at[pl.ds(nhalf, BLK)])
            pltpu.sync_copy(col2d.at[pl.ds(base, BLK)],
                            colv.at[pl.ds(nhalf, BLK)])

        for t in range(BLK):
            p = t % 2
            q = 1 - p
            if t < BLK - 1:
                pltpu.async_copy(h2_hbm.at[rowv.at[half + t + 1]],
                                 bufs[q], gsems[q])
            else:
                @pl.when(nb < nblk)
                def _():
                    pltpu.async_copy(h2_hbm.at[rowv.at[nhalf]],
                                     bufs[q], gsems[q])
            pltpu.make_async_copy(h2_hbm.at[rowv.at[half + t]],
                                  bufs[p], gsems[p]).wait()
            pltpu.sync_copy(bufs[p], aggS.at[colv.at[half + t]], add=True)
        return ()
    lax.fori_loop(0, nblk, blk_body, ())
    plsc.subcore_barrier()

    for i in range(nz):
        base = s * rpt + i * KC
        pltpu.sync_copy(aggS.at[pl.ds(base, KC)], out_hbm.at[c, pl.ds(base, KC)])


def _tc_prep_body(x, wt, d0, d1, h2o, dinvo):
    t = d0[...] + d1[...]
    n = h2o.shape[0]
    deg = jnp.sum(t[:n], axis=1, keepdims=True) + 1.0
    dinv = lax.rsqrt(deg)
    h = jnp.dot(x[...], wt[...], preferred_element_type=jnp.float32)
    h2o[...] = h * dinv
    dinvo[...] = dinv


def _tc_final_body(n, g, p0, p1, h2, dinv, b, gam, bet, batr, fcwt, fcb, o):
    agg = (p0[...][:n] + p1[...][:n] + h2[...]) * dinv[...] + b[...]
    mean = jnp.mean(agg, axis=0, keepdims=True)
    var = jnp.mean((agg - mean) ** 2, axis=0, keepdims=True)
    hn = (agg - mean) * lax.rsqrt(var + 1e-5) * gam[...] + bet[...]
    hr = jnp.maximum(hn, 0.0)
    gid = lax.broadcasted_iota(jnp.int32, (g, 1), 0)
    oh = (gid == batr[...]).astype(jnp.float32)
    sums = jnp.dot(oh, hr, preferred_element_type=jnp.float32)
    cnt = jnp.sum(oh, axis=1, keepdims=True)
    pooled = sums / jnp.maximum(cnt, 1.0)
    logits = jnp.dot(pooled, fcwt[...],
                     preferred_element_type=jnp.float32) + fcb[...]
    m = jnp.max(logits, axis=1, keepdims=True)
    ls = jnp.log(jnp.sum(jnp.exp(logits - m), axis=1, keepdims=True)) + m
    o[...] = logits - ls


def kernel(x, edge_index, batch, W, b, bn_gamma, bn_beta, fc_W, fc_b):
    n, d = x.shape
    e = edge_index.shape[1]
    cdim = fc_W.shape[0]
    epw = e // NW
    ch = epw // K
    npad = -(-n // (NS * KC)) * (NS * KC)
    rpt = npad // NS
    assert e == NW * ch * K and d % 16 == 0 and ch % BLK == 0

    mesh = plsc.VectorSubcoreMesh(core_axis_name="c", subcore_axis_name="s")

    sc_deg = pl.kernel(
        functools.partial(_sc_deg_body, ch, rpt),
        out_type=jax.ShapeDtypeStruct((NC, npad, 16), jnp.float32),
        mesh=mesh,
        scratch_types=[
            pltpu.VMEM_SHARED((npad, 16), jnp.float32),
            pltpu.VMEM((ch, K), jnp.int32),
            pltpu.VMEM((K, 16), jnp.float32),
            pltpu.VMEM((KC, 16), jnp.float32),
        ],
    )

    sc_agg = pl.kernel(
        functools.partial(_sc_agg_body, d, ch, rpt),
        out_type=jax.ShapeDtypeStruct((NC, npad, d), jnp.float32),
        mesh=mesh,
        scratch_types=[
            pltpu.VMEM_SHARED((npad, d), jnp.float32),
            pltpu.VMEM((3 * BLK, K), jnp.int32),
            pltpu.VMEM((3 * BLK, K), jnp.int32),
            pltpu.VMEM((K, d), jnp.float32),
            pltpu.VMEM((K, d), jnp.float32),
            pltpu.SemaphoreType.DMA,
            pltpu.SemaphoreType.DMA,
        ],
    )

    tc_prep = pl.pallas_call(
        _tc_prep_body,
        out_shape=(jax.ShapeDtypeStruct((n, d), jnp.float32),
                   jax.ShapeDtypeStruct((n, 1), jnp.float32)),
    )
    tc_final = pl.pallas_call(
        functools.partial(_tc_final_body, n, G),
        out_shape=jax.ShapeDtypeStruct((G, cdim), jnp.float32),
    )

    row2d = edge_index[0].reshape(e // K, K)
    col2d = edge_index[1].reshape(e // K, K)

    degp = sc_deg(col2d)
    h2, dinv = tc_prep(x, W.T, degp[0], degp[1])
    parts = sc_agg(h2, row2d, col2d)
    return tc_final(parts[0], parts[1], h2, dinv,
                    b.reshape(1, d), bn_gamma.reshape(1, d),
                    bn_beta.reshape(1, d), batch.reshape(1, n),
                    fc_W.T, fc_b.reshape(1, cdim))

# --- scband reference (transcript-rebuilt; emitter-appended) ---
"""Pipeline reference for scband-gcnconv-fc-23510650978598 (READ-ONLY COPY).

The authoritative reference and input builder live on the scoring server;
editing this copy changes nothing except your own understanding.
"""

import jax, jax.numpy as jnp
import numpy as np

N, D, C, E, G = 10000, 128, 10, 320000, 64

def setup_inputs(seed: int = 0) -> dict:
    key = jax.random.key(seed)
    ks = jax.random.split(key, 8)
    x = jax.random.normal(ks[0], (N, D), dtype=jnp.float32)
    edge_index = jax.random.randint(ks[1], (2, E), 0, N, dtype=jnp.int32)
    batch = jnp.sort(jax.random.randint(ks[2], (N,), 0, G, dtype=jnp.int32))
    W = jax.random.normal(ks[3], (D, D), dtype=jnp.float32) * 0.05
    b = jnp.zeros((D,), dtype=jnp.float32)
    bn_gamma = jnp.ones((D,), dtype=jnp.float32)
    bn_beta = jnp.zeros((D,), dtype=jnp.float32)
    fc_W = jax.random.normal(ks[4], (C, D), dtype=jnp.float32) * 0.05
    fc_b = jnp.zeros((C,), dtype=jnp.float32)
    return {"x": x, "edge_index": edge_index, "batch": batch, "W": W, "b": b,
            "bn_gamma": bn_gamma, "bn_beta": bn_beta, "fc_W": fc_W, "fc_b": fc_b}

def reference(x, edge_index, batch, W, b, bn_gamma, bn_beta, fc_W, fc_b):
    n = x.shape[0]
    # GCNConv: add self-loops, symmetric normalization (PyG gcn_norm)
    loop = jnp.arange(n, dtype=edge_index.dtype)
    row = jnp.concatenate([edge_index[0], loop])
    col = jnp.concatenate([edge_index[1], loop])
    deg = jnp.zeros((n,), x.dtype).at[col].add(1.0)
    dinv = jnp.where(deg > 0, 1.0 / jnp.sqrt(deg), 0.0)
    norm = dinv[row] * dinv[col]
    h = x @ W.T
    msg = h[row] * norm[:, None]
    agg = jnp.zeros((n, h.shape[1]), x.dtype).at[col].add(msg) + b
    # BatchNorm1d (training-mode batch stats, biased var) + ReLU
    mean = jnp.mean(agg, axis=0)
    var = jnp.mean((agg - mean) ** 2, axis=0)
    hn = (agg - mean) / jnp.sqrt(var + 1e-5) * bn_gamma + bn_beta
    hr = jax.nn.relu(hn)
    # GlobalMeanPool over batch assignment
    sums = jax.ops.segment_sum(hr, batch, num_segments=G)
    cnt = jax.ops.segment_sum(jnp.ones((n,), x.dtype), batch, num_segments=G)
    pooled = sums / jnp.clip(cnt, 1.0)[:, None]
    # Dropout is identity in eval mode; Linear + LogSoftmax
    logits = pooled @ fc_W.T + fc_b
    return jax.nn.log_softmax(logits, axis=1)

if __name__ == "__main__":
    import jax
    _d = setup_inputs()
    print(jax.jit(kernel)(*tuple(_d.values())))

</pallas_src>

<mosaic_0001>
#map = affine_map<(d0, d1) -> (0, 0)>
#map1 = affine_map<(d0, d1) -> (0, 0, 0)>
module attributes {stable_mosaic.version = 14 : i64} {
  func.func @_sc_agg_body(%arg0: i32, %arg1: i32, %arg2: memref<10000x128xf32, #tpu.memory_space<hbm>>, %arg3: memref<2560x125xi32, #tpu.memory_space<hbm>>, %arg4: memref<2560x125xi32, #tpu.memory_space<hbm>>, %arg5: memref<2x10240x128xf32, #tpu.memory_space<hbm>>, %arg6: memref<10240x128xf32, #tpu.memory_space<vmem_shared>>, %arg7: memref<24x125xi32, #tpu.memory_space<vmem>>, %arg8: memref<24x125xi32, #tpu.memory_space<vmem>>, %arg9: memref<125x128xf32, #tpu.memory_space<vmem>>, %arg10: memref<125x128xf32, #tpu.memory_space<vmem>>, %arg11: memref<!tpu.dma_semaphore, #tpu.memory_space<semaphore_mem>>, %arg12: memref<!tpu.dma_semaphore, #tpu.memory_space<semaphore_mem>>) attributes {dimension_semantics = [#tpu.dimension_semantics<core_parallel>, #tpu.dimension_semantics<subcore_parallel>], iteration_bounds = array<i64: 2, 16>, scalar_prefetch = 0 : i64, scratch_operands = 7 : i64, tpu.core_type = #tpu.core_type<sc_vector_subcore>, window_params = [{transform_indices = #map}, {transform_indices = #map}, {transform_indices = #map}, {transform_indices = #map1}]} {
    %mul3A = arith.constant 2 : i32
    %mul3A_0 = arith.muli %arg1, %mul3A : i32
    %add3A = arith.addi %mul3A_0, %arg0 : i32
    %broadcast_in_dim3A = arith.constant 0.000000e+00 : f32
    %broadcast_in_dim3A_1 = vector.broadcast %broadcast_in_dim3A : f32 to vector<16xf32>
    %mul3A_2 = arith.constant 80 : i32
    %mul3A_3 = arith.muli %add3A, %mul3A_2 : i32
    "tpu.region"() ({
      %run_scoped3A = tpu.sem_alloc : memref<!tpu.dma_semaphore, #tpu.memory_space<semaphore_mem>>
      %dma_start3A_102 = arith.constant 0 : i32
      %dma_start3A_103 = arith.constant 0 : i32
      %dma_start3A_104 = tpu.memref_slice %arg7[%dma_start3A_102, %dma_start3A_103] : memref<24x125xi32, #tpu.memory_space<vmem>> -> memref<8x125xi32, #tpu.memory_space<vmem>>
      %dma_start3A_105 = arith.constant 0 : i32
      %dma_start3A_106 = tpu.memref_slice %arg3[%mul3A_3, %dma_start3A_105] : memref<2560x125xi32, #tpu.memory_space<hbm>> -> memref<8x125xi32, #tpu.memory_space<hbm>>
      %dma_start3A_107 = arith.constant 0 : i32
      %dma_start3A_108 = arith.constant 0 : i32
      %dma_start3A_109 = tpu.memref_slice %arg7[%dma_start3A_107, %dma_start3A_108] : memref<24x125xi32, #tpu.memory_space<vmem>> -> memref<8x125xi32, #tpu.memory_space<vmem>>
      %dma_start3A_110 = arith.constant 0 : i32
      %dma_start3A_111 = tpu.memref_slice %arg3[%mul3A_3, %dma_start3A_110] : memref<2560x125xi32, #tpu.memory_space<hbm>> -> memref<8x125xi32, #tpu.memory_space<hbm>>
      tpu.enqueue_dma source(%dma_start3A_111 : memref<8x125xi32, #tpu.memory_space<hbm>>) target(%dma_start3A_109 : memref<8x125xi32, #tpu.memory_space<vmem>>) target_semaphore(%run_scoped3A : memref<!tpu.dma_semaphore, #tpu.memory_space<semaphore_mem>>)
      %dma_wait3A = arith.constant 0 : i32
      %dma_wait3A_112 = arith.constant 0 : i32
      %dma_wait3A_113 = tpu.memref_slice %arg7[%dma_wait3A, %dma_wait3A_112] : memref<24x125xi32, #tpu.memory_space<vmem>> -> memref<8x125xi32, #tpu.memory_space<vmem>>
      %dma_wait3A_114 = arith.constant 0 : i32
      %dma_wait3A_115 = tpu.memref_slice %arg3[%mul3A_3, %dma_wait3A_114] : memref<2560x125xi32, #tpu.memory_space<hbm>> -> memref<8x125xi32, #tpu.memory_space<hbm>>
      %dma_wait3A_116 = arith.constant 0 : i32
      %dma_wait3A_117 = arith.constant 0 : i32
      %dma_wait3A_118 = tpu.memref_slice %arg7[%dma_wait3A_116, %dma_wait3A_117] : memref<24x125xi32, #tpu.memory_space<vmem>> -> memref<8x125xi32, #tpu.memory_space<vmem>>
      %dma_wait3A_119 = arith.constant 0 : i32
      %dma_wait3A_120 = tpu.memref_slice %arg3[%mul3A_3, %dma_wait3A_119] : memref<2560x125xi32, #tpu.memory_space<hbm>> -> memref<8x125xi32, #tpu.memory_space<hbm>>
      tpu.wait_dma2 semaphore(%run_scoped3A : memref<!tpu.dma_semaphore, #tpu.memory_space<semaphore_mem>>) src(%dma_wait3A_120 : memref<8x125xi32, #tpu.memory_space<hbm>>) dst(%dma_wait3A_118 : memref<8x125xi32, #tpu.memory_space<vmem>>)
      tpu.yield
    }) : () -> ()
    %mul3A_4 = arith.constant 80 : i32
    %mul3A_5 = arith.muli %add3A, %mul3A_4 : i32
    "tpu.region"() ({
      %run_scoped3A = tpu.sem_alloc : memref<!tpu.dma_semaphore, #tpu.memory_space<semaphore_mem>>
      %dma_start3A_102 = arith.constant 0 : i32
      %dma_start3A_103 = arith.constant 0 : i32
      %dma_start3A_104 = tpu.memref_slice %arg8[%dma_start3A_102, %dma_start3A_103] : memref<24x125xi32, #tpu.memory_space<vmem>> -> memref<8x125xi32, #tpu.memory_space<vmem>>
      %dma_start3A_105 = arith.constant 0 : i32
      %dma_start3A_106 = tpu.memref_slice %arg4[%mul3A_5, %dma_start3A_105] : memref<2560x125xi32, #tpu.memory_space<hbm>> -> memref<8x125xi32, #tpu.memory_space<hbm>>
      %dma_start3A_107 = arith.constant 0 : i32
      %dma_start3A_108 = arith.constant 0 : i32
      %dma_start3A_109 = tpu.memref_slice %arg8[%dma_start3A_107, %dma_start3A_108] : memref<24x125xi32, #tpu.memory_space<vmem>> -> memref<8x125xi32, #tpu.memory_space<vmem>>
      %dma_start3A_110 = arith.constant 0 : i32
      %dma_start3A_111 = tpu.memref_slice %arg4[%mul3A_5, %dma_start3A_110] : memref<2560x125xi32, #tpu.memory_space<hbm>> -> memref<8x125xi32, #tpu.memory_space<hbm>>
      tpu.enqueue_dma source(%dma_start3A_111 : memref<8x125xi32, #tpu.memory_space<hbm>>) target(%dma_start3A_109 : memref<8x125xi32, #tpu.memory_space<vmem>>) target_semaphore(%run_scoped3A : memref<!tpu.dma_semaphore, #tpu.memory_space<semaphore_mem>>)
      %dma_wait3A = arith.constant 0 : i32
      %dma_wait3A_112 = arith.constant 0 : i32
      %dma_wait3A_113 = tpu.memref_slice %arg8[%dma_wait3A, %dma_wait3A_112] : memref<24x125xi32, #tpu.memory_space<vmem>> -> memref<8x125xi32, #tpu.memory_space<vmem>>
      %dma_wait3A_114 = arith.constant 0 : i32
      %dma_wait3A_115 = tpu.memref_slice %arg4[%mul3A_5, %dma_wait3A_114] : memref<2560x125xi32, #tpu.memory_space<hbm>> -> memref<8x125xi32, #tpu.memory_space<hbm>>
      %dma_wait3A_116 = arith.constant 0 : i32
      %dma_wait3A_117 = arith.constant 0 : i32
      %dma_wait3A_118 = tpu.memref_slice %arg8[%dma_wait3A_116, %dma_wait3A_117] : memref<24x125xi32, #tpu.memory_space<vmem>> -> memref<8x125xi32, #tpu.memory_space<vmem>>
      %dma_wait3A_119 = arith.constant 0 : i32
      %dma_wait3A_120 = tpu.memref_slice %arg4[%mul3A_5, %dma_wait3A_119] : memref<2560x125xi32, #tpu.memory_space<hbm>> -> memref<8x125xi32, #tpu.memory_space<hbm>>
      tpu.wait_dma2 semaphore(%run_scoped3A : memref<!tpu.dma_semaphore, #tpu.memory_space<semaphore_mem>>) src(%dma_wait3A_120 : memref<8x125xi32, #tpu.memory_space<hbm>>) dst(%dma_wait3A_118 : memref<8x125xi32, #tpu.memory_space<vmem>>)
      tpu.yield
    }) : () -> ()
    %dma_start3A = arith.constant 0 : i32
    %dma_start3A_6 = arith.constant 0 : i32
    %dma_start3A_7 = tpu.memref_slice %arg7[%dma_start3A, %dma_start3A_6] : memref<24x125xi32, #tpu.memory_space<vmem>> -> memref<1x125xi32, #tpu.memory_space<vmem>>
    %dma_start3A_8 = tpu.memref_squeeze %dma_start3A_7 : memref<1x125xi32, #tpu.memory_space<vmem>> -> memref<125xi32, #tpu.memory_space<vmem>>
    %dma_start3A_9 = arith.constant 0 : i32
    %dma_start3A_10 = arith.constant 0 : i32
    %dma_start3A_11 = tpu.memref_slice %arg2[%dma_start3A_9, %dma_start3A_10] : memref<10000x128xf32, #tpu.memory_space<hbm>> -> memref<10000x128xf32, #tpu.memory_space<hbm>>
    tpu.enqueue_indirect_dma source(%dma_start3A_11 : memref<10000x128xf32, #tpu.memory_space<hbm>>) target(%arg9 : memref<125x128xf32, #tpu.memory_space<vmem>>) offsets(%dma_start3A_8 : memref<125xi32, #tpu.memory_space<vmem>>) semaphore(%arg11 : memref<!tpu.dma_semaphore, #tpu.memory_space<semaphore_mem>>)
    %scan3A = arith.constant 0 : i32
    %scan3A_12 = arith.constant 512 : i32
    %scan3A_13 = arith.addi %scan3A, %scan3A_12 : i32
    %scan3A_14 = arith.constant 1 : i32
    scf.for %scan3A_102 = %scan3A to %scan3A_13 step %scan3A_14  : i32 {
      %jit3A = arith.constant 8 : i32
      %div3A = arith.divsi %scan3A_102, %jit3A : i32
      %sign3A = arith.constant 0 : i32
      %sign3A_103 = arith.cmpi sgt, %scan3A_102, %sign3A : i32
      %sign3A_104 = arith.extui %sign3A_103 : i1 to i32
      %sign3A_105 = arith.constant 0 : i32
      %sign3A_106 = arith.cmpi slt, %scan3A_102, %sign3A_105 : i32
      %sign3A_107 = arith.extui %sign3A_106 : i1 to i32
      %sign3A_108 = arith.subi %sign3A_104, %sign3A_107 : i32
      %sign3A_109 = arith.constant 0 : i32
      %sign3A_110 = arith.cmpi sgt, %jit3A, %sign3A_109 : i32
      %sign3A_111 = arith.extui %sign3A_110 : i1 to i32
      %sign3A_112 = arith.constant 0 : i32
      %sign3A_113 = arith.cmpi slt, %jit3A, %sign3A_112 : i32
      %sign3A_114 = arith.extui %sign3A_113 : i1 to i32
      %sign3A_115 = arith.subi %sign3A_111, %sign3A_114 : i32
      %ne3A = arith.cmpi ne, %sign3A_108, %sign3A_115 : i32
      %rem3A = arith.remsi %scan3A_102, %jit3A : i32
      %ne3A_116 = arith.constant 0 : i32
      %ne3A_117 = arith.cmpi ne, %rem3A, %ne3A_116 : i32
      %and3A = arith.andi %ne3A, %ne3A_117 : i1
      %sub3A = arith.constant 1 : i32
      %sub3A_118 = arith.subi %div3A, %sub3A : i32
      %select_n3A = arith.select %and3A, %sub3A_118, %div3A : i32
      %jit3A_119 = arith.constant 8 : i32
      %eq3A = arith.constant 0 : i32
      %eq3A_120 = arith.cmpi eq, %jit3A_119, %eq3A : i32
      %jit3A_121 = arith.constant 1 : i32
      %select_n3A_122 = arith.select %eq3A_120, %jit3A_121, %jit3A_119 : i32
      %rem3A_123 = arith.remsi %scan3A_102, %select_n3A_122 : i32
      %ne3A_124 = arith.constant 0 : i32
      %ne3A_125 = arith.cmpi ne, %rem3A_123, %ne3A_124 : i32
      %lt3A = arith.constant 0 : i32
      %lt3A_126 = arith.cmpi slt, %rem3A_123, %lt3A : i32
      %lt3A_127 = arith.constant 0 : i32
      %lt3A_128 = arith.cmpi slt, %select_n3A_122, %lt3A_127 : i32
      %ne3A_129 = arith.xori %lt3A_126, %lt3A_128 : i1
      %and3A_130 = arith.andi %ne3A_129, %ne3A_125 : i1
      %add3A_131 = arith.addi %rem3A_123, %select_n3A_122 : i32
      %select_n3A_132 = arith.select %and3A_130, %add3A_131, %rem3A_123 : i32
      %mul3A_133 = arith.constant 16 : i32
      %mul3A_134 = arith.muli %select_n3A_132, %mul3A_133 : i32
      %swap3A = arith.index_cast %select_n3A : i32 to index
      %swap3A_135 = arith.index_cast %mul3A_134 : i32 to index
      %swap3A_136 = tpu.vector_load %arg10[%swap3A, %swap3A_135] {strides = array<i32>} : memref<125x128xf32, #tpu.memory_space<vmem>>, vector<1x16xf32>,
      %swap3A_137 = vector.shape_cast %swap3A_136 : vector<1x16xf32> to vector<16xf32>
      %swap3A_138 = vector.shape_cast %broadcast_in_dim3A_1 : vector<16xf32> to vector<1x16xf32>
      tpu.vector_store %arg10[%swap3A, %swap3A_135], %swap3A_138 {strides = array<i32>} : memref<125x128xf32, #tpu.memory_space<vmem>>, vector<1x16xf32>,
    }
    %scan3A_15 = arith.constant 512 : i32
    %mul3A_16 = arith.constant 640 : i32
    %mul3A_17 = arith.muli %arg1, %mul3A_16 : i32
    %add3A_18 = arith.constant 0 : i32
    %add3A_19 = arith.addi %mul3A_17, %add3A_18 : i32
    "tpu.region"() ({
      %run_scoped3A = tpu.sem_alloc : memref<!tpu.dma_semaphore, #tpu.memory_space<semaphore_mem>>
      %dma_start3A_102 = arith.constant 0 : i32
      %dma_start3A_103 = arith.constant 0 : i32
      %dma_start3A_104 = tpu.memref_slice %arg10[%dma_start3A_102, %dma_start3A_103] : memref<125x128xf32, #tpu.memory_space<vmem>> -> memref<64x128xf32, #tpu.memory_space<vmem>>
      %dma_start3A_105 = arith.constant 0 : i32
      %dma_start3A_106 = tpu.memref_slice %arg6[%add3A_19, %dma_start3A_105] : memref<10240x128xf32, #tpu.memory_space<vmem_shared>> -> memref<64x128xf32, #tpu.memory_space<vmem_shared>>
      %dma_start3A_107 = arith.constant 0 : i32
      %dma_start3A_108 = tpu.memref_slice %arg6[%add3A_19, %dma_start3A_107] : memref<10240x128xf32, #tpu.memory_space<vmem_shared>> -> memref<64x128xf32, #tpu.memory_space<vmem_shared>>
      %dma_start3A_109 = arith.constant 0 : i32
      %dma_start3A_110 = arith.constant 0 : i32
      %dma_start3A_111 = tpu.memref_slice %arg10[%dma_start3A_109, %dma_start3A_110] : memref<125x128xf32, #tpu.memory_space<vmem>> -> memref<64x128xf32, #tpu.memory_space<vmem>>
      tpu.enqueue_dma source(%dma_start3A_111 : memref<64x128xf32, #tpu.memory_space<vmem>>) target(%dma_start3A_108 : memref<64x128xf32, #tpu.memory_space<vmem_shared>>) target_semaphore(%run_scoped3A : memref<!tpu.dma_semaphore, #tpu.memory_space<semaphore_mem>>)
      %dma_wait3A = arith.constant 0 : i32
      %dma_wait3A_112 = arith.constant 0 : i32
      %dma_wait3A_113 = tpu.memref_slice %arg10[%dma_wait3A, %dma_wait3A_112] : memref<125x128xf32, #tpu.memory_space<vmem>> -> memref<64x128xf32, #tpu.memory_space<vmem>>
      %dma_wait3A_114 = arith.constant 0 : i32
      %dma_wait3A_115 = tpu.memref_slice %arg6[%add3A_19, %dma_wait3A_114] : memref<10240x128xf32, #tpu.memory_space<vmem_shared>> -> memref<64x128xf32, #tpu.memory_space<vmem_shared>>
      %dma_wait3A_116 = arith.constant 0 : i32
      %dma_wait3A_117 = tpu.memref_slice %arg6[%add3A_19, %dma_wait3A_116] : memref<10240x128xf32, #tpu.memory_space<vmem_shared>> -> memref<64x128xf32, #tpu.memory_space<vmem_shared>>
      %dma_wait3A_118 = arith.constant 0 : i32
      %dma_wait3A_119 = arith.constant 0 : i32
      %dma_wait3A_120 = tpu.memref_slice %arg10[%dma_wait3A_118, %dma_wait3A_119] : memref<125x128xf32, #tpu.memory_space<vmem>> -> memref<64x128xf32, #tpu.memory_space<vmem>>
      tpu.wait_dma2 semaphore(%run_scoped3A : memref<!tpu.dma_semaphore, #tpu.memory_space<semaphore_mem>>) src(%dma_wait3A_120 : memref<64x128xf32, #tpu.memory_space<vmem>>) dst(%dma_wait3A_117 : memref<64x128xf32, #tpu.memory_space<vmem_shared>>)
      tpu.yield
    }) : () -> ()
    %mul3A_20 = arith.constant 640 : i32
    %mul3A_21 = arith.muli %arg1, %mul3A_20 : i32
    %add3A_22 = arith.constant 64 : i32
    %add3A_23 = arith.addi %mul3A_21, %add3A_22 : i32
    "tpu.region"() ({
      %run_scoped3A = tpu.sem_alloc : memref<!tpu.dma_semaphore, #tpu.memory_space<semaphore_mem>>
      %dma_start3A_102 = arith.constant 0 : i32
      %dma_start3A_103 = arith.constant 0 : i32
      %dma_start3A_104 = tpu.memref_slice %arg10[%dma_start3A_102, %dma_start3A_103] : memref<125x128xf32, #tpu.memory_space<vmem>> -> memref<64x128xf32, #tpu.memory_space<vmem>>
      %dma_start3A_105 = arith.constant 0 : i32
      %dma_start3A_106 = tpu.memref_slice %arg6[%add3A_23, %dma_start3A_105] : memref<10240x128xf32, #tpu.memory_space<vmem_shared>> -> memref<64x128xf32, #tpu.memory_space<vmem_shared>>
      %dma_start3A_107 = arith.constant 0 : i32
      %dma_start3A_108 = tpu.memref_slice %arg6[%add3A_23, %dma_start3A_107] : memref<10240x128xf32, #tpu.memory_space<vmem_shared>> -> memref<64x128xf32, #tpu.memory_space<vmem_shared>>
      %dma_start3A_109 = arith.constant 0 : i32
      %dma_start3A_110 = arith.constant 0 : i32
      %dma_start3A_111 = tpu.memref_slice %arg10[%dma_start3A_109, %dma_start3A_110] : memref<125x128xf32, #tpu.memory_space<vmem>> -> memref<64x128xf32, #tpu.memory_space<vmem>>
      tpu.enqueue_dma source(%dma_start3A_111 : memref<64x128xf32, #tpu.memory_space<vmem>>) target(%dma_start3A_108 : memref<64x128xf32, #tpu.memory_space<vmem_shared>>) target_semaphore(%run_scoped3A : memref<!tpu.dma_semaphore, #tpu.memory_space<semaphore_mem>>)
      %dma_wait3A = arith.constant 0 : i32
      %dma_wait3A_112 = arith.constant 0 : i32
      %dma_wait3A_113 = tpu.memref_slice %arg10[%dma_wait3A, %dma_wait3A_112] : memref<125x128xf32, #tpu.memory_space<vmem>> -> memref<64x128xf32, #tpu.memory_space<vmem>>
      %dma_wait3A_114 = arith.constant 0 : i32
      %dma_wait3A_115 = tpu.memref_slice %arg6[%add3A_23, %dma_wait3A_114] : memref<10240x128xf32, #tpu.memory_space<vmem_shared>> -> memref<64x128xf32, #tpu.memory_space<vmem_shared>>
      %dma_wait3A_116 = arith.constant 0 : i32
      %dma_wait3A_117 = tpu.memref_slice %arg6[%add3A_23, %dma_wait3A_116] : memref<10240x128xf32, #tpu.memory_space<vmem_shared>> -> memref<64x128xf32, #tpu.memory_space<vmem_shared>>
      %dma_wait3A_118 = arith.constant 0 : i32
      %dma_wait3A_119 = arith.constant 0 : i32
      %dma_wait3A_120 = tpu.memref_slice %arg10[%dma_wait3A_118, %dma_wait3A_119] : memref<125x128xf32, #tpu.memory_space<vmem>> -> memref<64x128xf32, #tpu.memory_space<vmem>>
      tpu.wait_dma2 semaphore(%run_scoped3A : memref<!tpu.dma_semaphore, #tpu.memory_space<semaphore_mem>>) src(%dma_wait3A_120 : memref<64x128xf32, #tpu.memory_space<vmem>>) dst(%dma_wait3A_117 : memref<64x128xf32, #tpu.memory_space<vmem_shared>>)
      tpu.yield
    }) : () -> ()
    %mul3A_24 = arith.constant 640 : i32
    %mul3A_25 = arith.muli %arg1, %mul3A_24 : i32
    %add3A_26 = arith.constant 128 : i32
    %add3A_27 = arith.addi %mul3A_25, %add3A_26 : i32
    "tpu.region"() ({
      %run_scoped3A = tpu.sem_alloc : memref<!tpu.dma_semaphore, #tpu.memory_space<semaphore_mem>>
      %dma_start3A_102 = arith.constant 0 : i32
      %dma_start3A_103 = arith.constant 0 : i32
      %dma_start3A_104 = tpu.memref_slice %arg10[%dma_start3A_102, %dma_start3A_103] : memref<125x128xf32, #tpu.memory_space<vmem>> -> memref<64x128xf32, #tpu.memory_space<vmem>>
      %dma_start3A_105 = arith.constant 0 : i32
      %dma_start3A_106 = tpu.memref_slice %arg6[%add3A_27, %dma_start3A_105] : memref<10240x128xf32, #tpu.memory_space<vmem_shared>> -> memref<64x128xf32, #tpu.memory_space<vmem_shared>>
      %dma_start3A_107 = arith.constant 0 : i32
      %dma_start3A_108 = tpu.memref_slice %arg6[%add3A_27, %dma_start3A_107] : memref<10240x128xf32, #tpu.memory_space<vmem_shared>> -> memref<64x128xf32, #tpu.memory_space<vmem_shared>>
      %dma_start3A_109 = arith.constant 0 : i32
      %dma_start3A_110 = arith.constant 0 : i32
      %dma_start3A_111 = tpu.memref_slice %arg10[%dma_start3A_109, %dma_start3A_110] : memref<125x128xf32, #tpu.memory_space<vmem>> -> memref<64x128xf32, #tpu.memory_space<vmem>>
      tpu.enqueue_dma source(%dma_start3A_111 : memref<64x128xf32, #tpu.memory_space<vmem>>) target(%dma_start3A_108 : memref<64x128xf32, #tpu.memory_space<vmem_shared>>) target_semaphore(%run_scoped3A : memref<!tpu.dma_semaphore, #tpu.memory_space<semaphore_mem>>)
      %dma_wait3A = arith.constant 0 : i32
      %dma_wait3A_112 = arith.constant 0 : i32
      %dma_wait3A_113 = tpu.memref_slice %arg10[%dma_wait3A, %dma_wait3A_112] : memref<125x128xf32, #tpu.memory_space<vmem>> -> memref<64x128xf32, #tpu.memory_space<vmem>>
      %dma_wait3A_114 = arith.constant 0 : i32
      %dma_wait3A_115 = tpu.memref_slice %arg6[%add3A_27, %dma_wait3A_114] : memref<10240x128xf32, #tpu.memory_space<vmem_shared>> -> memref<64x128xf32, #tpu.memory_space<vmem_shared>>
      %dma_wait3A_116 = arith.constant 0 : i32
      %dma_wait3A_117 = tpu.memref_slice %arg6[%add3A_27, %dma_wait3A_116] : memref<10240x128xf32, #tpu.memory_space<vmem_shared>> -> memref<64x128xf32, #tpu.memory_space<vmem_shared>>
      %dma_wait3A_118 = arith.constant 0 : i32
      %dma_wait3A_119 = arith.constant 0 : i32
      %dma_wait3A_120 = tpu.memref_slice %arg10[%dma_wait3A_118, %dma_wait3A_119] : memref<125x128xf32, #tpu.memory_space<vmem>> -> memref<64x128xf32, #tpu.memory_space<vmem>>
      tpu.wait_dma2 semaphore(%run_scoped3A : memref<!tpu.dma_semaphore, #tpu.memory_space<semaphore_mem>>) src(%dma_wait3A_120 : memref<64x128xf32, #tpu.memory_space<vmem>>) dst(%dma_wait3A_117 : memref<64x128xf32, #tpu.memory_space<vmem_shared>>)
      tpu.yield
    }) : () -> ()
    %mul3A_28 = arith.constant 640 : i32
    %mul3A_29 = arith.muli %arg1, %mul3A_28 : i32
    %add3A_30 = arith.constant 192 : i32
    %add3A_31 = arith.addi %mul3A_29, %add3A_30 : i32
    "tpu.region"() ({
      %run_scoped3A = tpu.sem_alloc : memref<!tpu.dma_semaphore, #tpu.memory_space<semaphore_mem>>
      %dma_start3A_102 = arith.constant 0 : i32
      %dma_start3A_103 = arith.constant 0 : i32
      %dma_start3A_104 = tpu.memref_slice %arg10[%dma_start3A_102, %dma_start3A_103] : memref<125x128xf32, #tpu.memory_space<vmem>> -> memref<64x128xf32, #tpu.memory_space<vmem>>
      %dma_start3A_105 = arith.constant 0 : i32
      %dma_start3A_106 = tpu.memref_slice %arg6[%add3A_31, %dma_start3A_105] : memref<10240x128xf32, #tpu.memory_space<vmem_shared>> -> memref<64x128xf32, #tpu.memory_space<vmem_shared>>
      %dma_start3A_107 = arith.constant 0 : i32
      %dma_start3A_108 = tpu.memref_slice %arg6[%add3A_31, %dma_start3A_107] : memref<10240x128xf32, #tpu.memory_space<vmem_shared>> -> memref<64x128xf32, #tpu.memory_space<vmem_shared>>
      %dma_start3A_109 = arith.constant 0 : i32
      %dma_start3A_110 = arith.constant 0 : i32
      %dma_start3A_111 = tpu.memref_slice %arg10[%dma_start3A_109, %dma_start3A_110] : memref<125x128xf32, #tpu.memory_space<vmem>> -> memref<64x128xf32, #tpu.memory_space<vmem>>
      tpu.enqueue_dma source(%dma_start3A_111 : memref<64x128xf32, #tpu.memory_space<vmem>>) target(%dma_start3A_108 : memref<64x128xf32, #tpu.memory_space<vmem_shared>>) target_semaphore(%run_scoped3A : memref<!tpu.dma_semaphore, #tpu.memory_space<semaphore_mem>>)
      %dma_wait3A = arith.constant 0 : i32
      %dma_wait3A_112 = arith.constant 0 : i32
      %dma_wait3A_113 = tpu.memref_slice %arg10[%dma_wait3A, %dma_wait3A_112] : memref<125x128xf32, #tpu.memory_space<vmem>> -> memref<64x128xf32, #tpu.memory_space<vmem>>
      %dma_wait3A_114 = arith.constant 0 : i32
      %dma_wait3A_115 = tpu.memref_slice %arg6[%add3A_31, %dma_wait3A_114] : memref<10240x128xf32, #tpu.memory_space<vmem_shared>> -> memref<64x128xf32, #tpu.memory_space<vmem_shared>>
      %dma_wait3A_116 = arith.constant 0 : i32
      %dma_wait3A_117 = tpu.memref_slice %arg6[%add3A_31, %dma_wait3A_116] : memref<10240x128xf32, #tpu.memory_space<vmem_shared>> -> memref<64x128xf32, #tpu.memory_space<vmem_shared>>
      %dma_wait3A_118 = arith.constant 0 : i32
      %dma_wait3A_119 = arith.constant 0 : i32
      %dma_wait3A_120 = tpu.memref_slice %arg10[%dma_wait3A_118, %dma_wait3A_119] : memref<125x128xf32, #tpu.memory_space<vmem>> -> memref<64x128xf32, #tpu.memory_space<vmem>>
      tpu.wait_dma2 semaphore(%run_scoped3A : memref<!tpu.dma_semaphore, #tpu.memory_space<semaphore_mem>>) src(%dma_wait3A_120 : memref<64x128xf32, #tpu.memory_space<vmem>>) dst(%dma_wait3A_117 : memref<64x128xf32, #tpu.memory_space<vmem_shared>>)
      tpu.yield
    }) : () -> ()
    %mul3A_32 = arith.constant 640 : i32
    %mul3A_33 = arith.muli %arg1, %mul3A_32 : i32
    %add3A_34 = arith.constant 256 : i32
    %add3A_35 = arith.addi %mul3A_33, %add3A_34 : i32
    "tpu.region"() ({
      %run_scoped3A = tpu.sem_alloc : memref<!tpu.dma_semaphore, #tpu.memory_space<semaphore_mem>>
      %dma_start3A_102 = arith.constant 0 : i32
      %dma_start3A_103 = arith.constant 0 : i32
      %dma_start3A_104 = tpu.memref_slice %arg10[%dma_start3A_102, %dma_start3A_103] : memref<125x128xf32, #tpu.memory_space<vmem>> -> memref<64x128xf32, #tpu.memory_space<vmem>>
      %dma_start3A_105 = arith.constant 0 : i32
      %dma_start3A_106 = tpu.memref_slice %arg6[%add3A_35, %dma_start3A_105] : memref<10240x128xf32, #tpu.memory_space<vmem_shared>> -> memref<64x128xf32, #tpu.memory_space<vmem_shared>>
      %dma_start3A_107 = arith.constant 0 : i32
      %dma_start3A_108 = tpu.memref_slice %arg6[%add3A_35, %dma_start3A_107] : memref<10240x128xf32, #tpu.memory_space<vmem_shared>> -> memref<64x128xf32, #tpu.memory_space<vmem_shared>>
      %dma_start3A_109 = arith.constant 0 : i32
      %dma_start3A_110 = arith.constant 0 : i32
      %dma_start3A_111 = tpu.memref_slice %arg10[%dma_start3A_109, %dma_start3A_110] : memref<125x128xf32, #tpu.memory_space<vmem>> -> memref<64x128xf32, #tpu.memory_space<vmem>>
      tpu.enqueue_dma source(%dma_start3A_111 : memref<64x128xf32, #tpu.memory_space<vmem>>) target(%dma_start3A_108 : memref<64x128xf32, #tpu.memory_space<vmem_shared>>) target_semaphore(%run_scoped3A : memref<!tpu.dma_semaphore, #tpu.memory_space<semaphore_mem>>)
      %dma_wait3A = arith.constant 0 : i32
      %dma_wait3A_112 = arith.constant 0 : i32
      %dma_wait3A_113 = tpu.memref_slice %arg10[%dma_wait3A, %dma_wait3A_112] : memref<125x128xf32, #tpu.memory_space<vmem>> -> memref<64x128xf32, #tpu.memory_space<vmem>>
      %dma_wait3A_114 = arith.constant 0 : i32
      %dma_wait3A_115 = tpu.memref_slice %arg6[%add3A_35, %dma_wait3A_114] : memref<10240x128xf32, #tpu.memory_space<vmem_shared>> -> memref<64x128xf32, #tpu.memory_space<vmem_shared>>
      %dma_wait3A_116 = arith.constant 0 : i32
      %dma_wait3A_117 = tpu.memref_slice %arg6[%add3A_35, %dma_wait3A_116] : memref<10240x128xf32, #tpu.memory_space<vmem_shared>> -> memref<64x128xf32, #tpu.memory_space<vmem_shared>>
      %dma_wait3A_118 = arith.constant 0 : i32
      %dma_wait3A_119 = arith.constant 0 : i32
      %dma_wait3A_120 = tpu.memref_slice %arg10[%dma_wait3A_118, %dma_wait3A_119] : memref<125x128xf32, #tpu.memory_space<vmem>> -> memref<64x128xf32, #tpu.memory_space<vmem>>
      tpu.wait_dma2 semaphore(%run_scoped3A : memref<!tpu.dma_semaphore, #tpu.memory_space<semaphore_mem>>) src(%dma_wait3A_120 : memref<64x128xf32, #tpu.memory_space<vmem>>) dst(%dma_wait3A_117 : memref<64x128xf32, #tpu.memory_space<vmem_shared>>)
      tpu.yield
    }) : () -> ()
    %mul3A_36 = arith.constant 640 : i32
    %mul3A_37 = arith.muli %arg1, %mul3A_36 : i32
    %add3A_38 = arith.constant 320 : i32
    %add3A_39 = arith.addi %mul3A_37, %add3A_38 : i32
    "tpu.region"() ({
      %run_scoped3A = tpu.sem_alloc : memref<!tpu.dma_semaphore, #tpu.memory_space<semaphore_mem>>
      %dma_start3A_102 = arith.constant 0 : i32
      %dma_start3A_103 = arith.constant 0 : i32
      %dma_start3A_104 = tpu.memref_slice %arg10[%dma_start3A_102, %dma_start3A_103] : memref<125x128xf32, #tpu.memory_space<vmem>> -> memref<64x128xf32, #tpu.memory_space<vmem>>
      %dma_start3A_105 = arith.constant 0 : i32
      %dma_start3A_106 = tpu.memref_slice %arg6[%add3A_39, %dma_start3A_105] : memref<10240x128xf32, #tpu.memory_space<vmem_shared>> -> memref<64x128xf32, #tpu.memory_space<vmem_shared>>
      %dma_start3A_107 = arith.constant 0 : i32
      %dma_start3A_108 = tpu.memref_slice %arg6[%add3A_39, %dma_start3A_107] : memref<10240x128xf32, #tpu.memory_space<vmem_shared>> -> memref<64x128xf32, #tpu.memory_space<vmem_shared>>
      %dma_start3A_109 = arith.constant 0 : i32
      %dma_start3A_110 = arith.constant 0 : i32
      %dma_start3A_111 = tpu.memref_slice %arg10[%dma_start3A_109, %dma_start3A_110] : memref<125x128xf32, #tpu.memory_space<vmem>> -> memref<64x128xf32, #tpu.memory_space<vmem>>
      tpu.enqueue_dma source(%dma_start3A_111 : memref<64x128xf32, #tpu.memory_space<vmem>>) target(%dma_start3A_108 : memref<64x128xf32, #tpu.memory_space<vmem_shared>>) target_semaphore(%run_scoped3A : memref<!tpu.dma_semaphore, #tpu.memory_space<semaphore_mem>>)
      %dma_wait3A = arith.constant 0 : i32
      %dma_wait3A_112 = arith.constant 0 : i32
      %dma_wait3A_113 = tpu.memref_slice %arg10[%dma_wait3A, %dma_wait3A_112] : memref<125x128xf32, #tpu.memory_space<vmem>> -> memref<64x128xf32, #tpu.memory_space<vmem>>
      %dma_wait3A_114 = arith.constant 0 : i32
      %dma_wait3A_115 = tpu.memref_slice %arg6[%add3A_39, %dma_wait3A_114] : memref<10240x128xf32, #tpu.memory_space<vmem_shared>> -> memref<64x128xf32, #tpu.memory_space<vmem_shared>>
      %dma_wait3A_116 = arith.constant 0 : i32
      %dma_wait3A_117 = tpu.memref_slice %arg6[%add3A_39, %dma_wait3A_116] : memref<10240x128xf32, #tpu.memory_space<vmem_shared>> -> memref<64x128xf32, #tpu.memory_space<vmem_shared>>
      %dma_wait3A_118 = arith.constant 0 : i32
      %dma_wait3A_119 = arith.constant 0 : i32
      %dma_wait3A_120 = tpu.memref_slice %arg10[%dma_wait3A_118, %dma_wait3A_119] : memref<125x128xf32, #tpu.memory_space<vmem>> -> memref<64x128xf32, #tpu.memory_space<vmem>>
      tpu.wait_dma2 semaphore(%run_scoped3A : memref<!tpu.dma_semaphore, #tpu.memory_space<semaphore_mem>>) src(%dma_wait3A_120 : memref<64x128xf32, #tpu.memory_space<vmem>>) dst(%dma_wait3A_117 : memref<64x128xf32, #tpu.memory_space<vmem_shared>>)
      tpu.yield
    }) : () -> ()
    %mul3A_40 = arith.constant 640 : i32
    %mul3A_41 = arith.muli %arg1, %mul3A_40 : i32
    %add3A_42 = arith.constant 384 : i32
    %add3A_43 = arith.addi %mul3A_41, %add3A_42 : i32
    "tpu.region"() ({
      %run_scoped3A = tpu.sem_alloc : memref<!tpu.dma_semaphore, #tpu.memory_space<semaphore_mem>>
      %dma_start3A_102 = arith.constant 0 : i32
      %dma_start3A_103 = arith.constant 0 : i32
      %dma_start3A_104 = tpu.memref_slice %arg10[%dma_start3A_102, %dma_start3A_103] : memref<125x128xf32, #tpu.memory_space<vmem>> -> memref<64x128xf32, #tpu.memory_space<vmem>>
      %dma_start3A_105 = arith.constant 0 : i32
      %dma_start3A_106 = tpu.memref_slice %arg6[%add3A_43, %dma_start3A_105] : memref<10240x128xf32, #tpu.memory_space<vmem_shared>> -> memref<64x128xf32, #tpu.memory_space<vmem_shared>>
      %dma_start3A_107 = arith.constant 0 : i32
      %dma_start3A_108 = tpu.memref_slice %arg6[%add3A_43, %dma_start3A_107] : memref<10240x128xf32, #tpu.memory_space<vmem_shared>> -> memref<64x128xf32, #tpu.memory_space<vmem_shared>>
      %dma_start3A_109 = arith.constant 0 : i32
      %dma_start3A_110 = arith.constant 0 : i32
      %dma_start3A_111 = tpu.memref_slice %arg10[%dma_start3A_109, %dma_start3A_110] : memref<125x128xf32, #tpu.memory_space<vmem>> -> memref<64x128xf32, #tpu.memory_space<vmem>>
      tpu.enqueue_dma source(%dma_start3A_111 : memref<64x128xf32, #tpu.memory_space<vmem>>) target(%dma_start3A_108 : memref<64x128xf32, #tpu.memory_space<vmem_shared>>) target_semaphore(%run_scoped3A : memref<!tpu.dma_semaphore, #tpu.memory_space<semaphore_mem>>)
      %dma_wait3A = arith.constant 0 : i32
      %dma_wait3A_112 = arith.constant 0 : i32
      %dma_wait3A_113 = tpu.memref_slice %arg10[%dma_wait3A, %dma_wait3A_112] : memref<125x128xf32, #tpu.memory_space<vmem>> -> memref<64x128xf32, #tpu.memory_space<vmem>>
      %dma_wait3A_114 = arith.constant 0 : i32
      %dma_wait3A_115 = tpu.memref_slice %arg6[%add3A_43, %dma_wait3A_114] : memref<10240x128xf32, #tpu.memory_space<vmem_shared>> -> memref<64x128xf32, #tpu.memory_space<vmem_shared>>
      %dma_wait3A_116 = arith.constant 0 : i32
      %dma_wait3A_117 = tpu.memref_slice %arg6[%add3A_43, %dma_wait3A_116] : memref<10240x128xf32, #tpu.memory_space<vmem_shared>> -> memref<64x128xf32, #tpu.memory_space<vmem_shared>>
      %dma_wait3A_118 = arith.constant 0 : i32
      %dma_wait3A_119 = arith.constant 0 : i32
      %dma_wait3A_120 = tpu.memref_slice %arg10[%dma_wait3A_118, %dma_wait3A_119] : memref<125x128xf32, #tpu.memory_space<vmem>> -> memref<64x128xf32, #tpu.memory_space<vmem>>
      tpu.wait_dma2 semaphore(%run_scoped3A : memref<!tpu.dma_semaphore, #tpu.memory_space<semaphore_mem>>) src(%dma_wait3A_120 : memref<64x128xf32, #tpu.memory_space<vmem>>) dst(%dma_wait3A_117 : memref<64x128xf32, #tpu.memory_space<vmem_shared>>)
      tpu.yield
    }) : () -> ()
    %mul3A_44 = arith.constant 640 : i32
    %mul3A_45 = arith.muli %arg1, %mul3A_44 : i32
    %add3A_46 = arith.constant 448 : i32
    %add3A_47 = arith.addi %mul3A_45, %add3A_46 : i32
    "tpu.region"() ({
      %run_scoped3A = tpu.sem_alloc : memref<!tpu.dma_semaphore, #tpu.memory_space<semaphore_mem>>
      %dma_start3A_102 = arith.constant 0 : i32
      %dma_start3A_103 = arith.constant 0 : i32
      %dma_start3A_104 = tpu.memref_slice %arg10[%dma_start3A_102, %dma_start3A_103] : memref<125x128xf32, #tpu.memory_space<vmem>> -> memref<64x128xf32, #tpu.memory_space<vmem>>
      %dma_start3A_105 = arith.constant 0 : i32
      %dma_start3A_106 = tpu.memref_slice %arg6[%add3A_47, %dma_start3A_105] : memref<10240x128xf32, #tpu.memory_space<vmem_shared>> -> memref<64x128xf32, #tpu.memory_space<vmem_shared>>
      %dma_start3A_107 = arith.constant 0 : i32
      %dma_start3A_108 = tpu.memref_slice %arg6[%add3A_47, %dma_start3A_107] : memref<10240x128xf32, #tpu.memory_space<vmem_shared>> -> memref<64x128xf32, #tpu.memory_space<vmem_shared>>
      %dma_start3A_109 = arith.constant 0 : i32
      %dma_start3A_110 = arith.constant 0 : i32
      %dma_start3A_111 = tpu.memref_slice %arg10[%dma_start3A_109, %dma_start3A_110] : memref<125x128xf32, #tpu.memory_space<vmem>> -> memref<64x128xf32, #tpu.memory_space<vmem>>
      tpu.enqueue_dma source(%dma_start3A_111 : memref<64x128xf32, #tpu.memory_space<vmem>>) target(%dma_start3A_108 : memref<64x128xf32, #tpu.memory_space<vmem_shared>>) target_semaphore(%run_scoped3A : memref<!tpu.dma_semaphore, #tpu.memory_space<semaphore_mem>>)
      %dma_wait3A = arith.constant 0 : i32
      %dma_wait3A_112 = arith.constant 0 : i32
      %dma_wait3A_113 = tpu.memref_slice %arg10[%dma_wait3A, %dma_wait3A_112] : memref<125x128xf32, #tpu.memory_space<vmem>> -> memref<64x128xf32, #tpu.memory_space<vmem>>
      %dma_wait3A_114 = arith.constant 0 : i32
      %dma_wait3A_115 = tpu.memref_slice %arg6[%add3A_47, %dma_wait3A_114] : memref<10240x128xf32, #tpu.memory_space<vmem_shared>> -> memref<64x128xf32, #tpu.memory_space<vmem_shared>>
      %dma_wait3A_116 = arith.constant 0 : i32
      %dma_wait3A_117 = tpu.memref_slice %arg6[%add3A_47, %dma_wait3A_116] : memref<10240x128xf32, #tpu.memory_space<vmem_shared>> -> memref<64x128xf32, #tpu.memory_space<vmem_shared>>
      %dma_wait3A_118 = arith.constant 0 : i32
      %dma_wait3A_119 = arith.constant 0 : i32
      %dma_wait3A_120 = tpu.memref_slice %arg10[%dma_wait3A_118, %dma_wait3A_119] : memref<125x128xf32, #tpu.memory_space<vmem>> -> memref<64x128xf32, #tpu.memory_space<vmem>>
      tpu.wait_dma2 semaphore(%run_scoped3A : memref<!tpu.dma_semaphore, #tpu.memory_space<semaphore_mem>>) src(%dma_wait3A_120 : memref<64x128xf32, #tpu.memory_space<vmem>>) dst(%dma_wait3A_117 : memref<64x128xf32, #tpu.memory_space<vmem_shared>>)
      tpu.yield
    }) : () -> ()
    %mul3A_48 = arith.constant 640 : i32
    %mul3A_49 = arith.muli %arg1, %mul3A_48 : i32
    %add3A_50 = arith.constant 512 : i32
    %add3A_51 = arith.addi %mul3A_49, %add3A_50 : i32
    "tpu.region"() ({
      %run_scoped3A = tpu.sem_alloc : memref<!tpu.dma_semaphore, #tpu.memory_space<semaphore_mem>>
      %dma_start3A_102 = arith.constant 0 : i32
      %dma_start3A_103 = arith.constant 0 : i32
      %dma_start3A_104 = tpu.memref_slice %arg10[%dma_start3A_102, %dma_start3A_103] : memref<125x128xf32, #tpu.memory_space<vmem>> -> memref<64x128xf32, #tpu.memory_space<vmem>>
      %dma_start3A_105 = arith.constant 0 : i32
      %dma_start3A_106 = tpu.memref_slice %arg6[%add3A_51, %dma_start3A_105] : memref<10240x128xf32, #tpu.memory_space<vmem_shared>> -> memref<64x128xf32, #tpu.memory_space<vmem_shared>>
      %dma_start3A_107 = arith.constant 0 : i32
      %dma_start3A_108 = tpu.memref_slice %arg6[%add3A_51, %dma_start3A_107] : memref<10240x128xf32, #tpu.memory_space<vmem_shared>> -> memref<64x128xf32, #tpu.memory_space<vmem_shared>>
      %dma_start3A_109 = arith.constant 0 : i32
      %dma_start3A_110 = arith.constant 0 : i32
      %dma_start3A_111 = tpu.memref_slice %arg10[%dma_start3A_109, %dma_start3A_110] : memref<125x128xf32, #tpu.memory_space<vmem>> -> memref<64x128xf32, #tpu.memory_space<vmem>>
      tpu.enqueue_dma source(%dma_start3A_111 : memref<64x128xf32, #tpu.memory_space<vmem>>) target(%dma_start3A_108 : memref<64x128xf32, #tpu.memory_space<vmem_shared>>) target_semaphore(%run_scoped3A : memref<!tpu.dma_semaphore, #tpu.memory_space<semaphore_mem>>)
      %dma_wait3A = arith.constant 0 : i32
      %dma_wait3A_112 = arith.constant 0 : i32
      %dma_wait3A_113 = tpu.memref_slice %arg10[%dma_wait3A, %dma_wait3A_112] : memref<125x128xf32, #tpu.memory_space<vmem>> -> memref<64x128xf32, #tpu.memory_space<vmem>>
      %dma_wait3A_114 = arith.constant 0 : i32
      %dma_wait3A_115 = tpu.memref_slice %arg6[%add3A_51, %dma_wait3A_114] : memref<10240x128xf32, #tpu.memory_space<vmem_shared>> -> memref<64x128xf32, #tpu.memory_space<vmem_shared>>
      %dma_wait3A_116 = arith.constant 0 : i32
      %dma_wait3A_117 = tpu.memref_slice %arg6[%add3A_51, %dma_wait3A_116] : memref<10240x128xf32, #tpu.memory_space<vmem_shared>> -> memref<64x128xf32, #tpu.memory_space<vmem_shared>>
      %dma_wait3A_118 = arith.constant 0 : i32
      %dma_wait3A_119 = arith.constant 0 : i32
      %dma_wait3A_120 = tpu.memref_slice %arg10[%dma_wait3A_118, %dma_wait3A_119] : memref<125x128xf32, #tpu.memory_space<vmem>> -> memref<64x128xf32, #tpu.memory_space<vmem>>
      tpu.wait_dma2 semaphore(%run_scoped3A : memref<!tpu.dma_semaphore, #tpu.memory_space<semaphore_mem>>) src(%dma_wait3A_120 : memref<64x128xf32, #tpu.memory_space<vmem>>) dst(%dma_wait3A_117 : memref<64x128xf32, #tpu.memory_space<vmem_shared>>)
      tpu.yield
    }) : () -> ()
    %mul3A_52 = arith.constant 640 : i32
    %mul3A_53 = arith.muli %arg1, %mul3A_52 : i32
    %add3A_54 = arith.constant 576 : i32
    %add3A_55 = arith.addi %mul3A_53, %add3A_54 : i32
    "tpu.region"() ({
      %run_scoped3A = tpu.sem_alloc : memref<!tpu.dma_semaphore, #tpu.memory_space<semaphore_mem>>
      %dma_start3A_102 = arith.constant 0 : i32
      %dma_start3A_103 = arith.constant 0 : i32
      %dma_start3A_104 = tpu.memref_slice %arg10[%dma_start3A_102, %dma_start3A_103] : memref<125x128xf32, #tpu.memory_space<vmem>> -> memref<64x128xf32, #tpu.memory_space<vmem>>
      %dma_start3A_105 = arith.constant 0 : i32
      %dma_start3A_106 = tpu.memref_slice %arg6[%add3A_55, %dma_start3A_105] : memref<10240x128xf32, #tpu.memory_space<vmem_shared>> -> memref<64x128xf32, #tpu.memory_space<vmem_shared>>
      %dma_start3A_107 = arith.constant 0 : i32
      %dma_start3A_108 = tpu.memref_slice %arg6[%add3A_55, %dma_start3A_107] : memref<10240x128xf32, #tpu.memory_space<vmem_shared>> -> memref<64x128xf32, #tpu.memory_space<vmem_shared>>
      %dma_start3A_109 = arith.constant 0 : i32
      %dma_start3A_110 = arith.constant 0 : i32
      %dma_start3A_111 = tpu.memref_slice %arg10[%dma_start3A_109, %dma_start3A_110] : memref<125x128xf32, #tpu.memory_space<vmem>> -> memref<64x128xf32, #tpu.memory_space<vmem>>
      tpu.enqueue_dma source(%dma_start3A_111 : memref<64x128xf32, #tpu.memory_space<vmem>>) target(%dma_start3A_108 : memref<64x128xf32, #tpu.memory_space<vmem_shared>>) target_semaphore(%run_scoped3A : memref<!tpu.dma_semaphore, #tpu.memory_space<semaphore_mem>>)
      %dma_wait3A = arith.constant 0 : i32
      %dma_wait3A_112 = arith.constant 0 : i32
      %dma_wait3A_113 = tpu.memref_slice %arg10[%dma_wait3A, %dma_wait3A_112] : memref<125x128xf32, #tpu.memory_space<vmem>> -> memref<64x128xf32, #tpu.memory_space<vmem>>
      %dma_wait3A_114 = arith.constant 0 : i32
      %dma_wait3A_115 = tpu.memref_slice %arg6[%add3A_55, %dma_wait3A_114] : memref<10240x128xf32, #tpu.memory_space<vmem_shared>> -> memref<64x128xf32, #tpu.memory_space<vmem_shared>>
      %dma_wait3A_116 = arith.constant 0 : i32
      %dma_wait3A_117 = tpu.memref_slice %arg6[%add3A_55, %dma_wait3A_116] : memref<10240x128xf32, #tpu.memory_space<vmem_shared>> -> memref<64x128xf32, #tpu.memory_space<vmem_shared>>
      %dma_wait3A_118 = arith.constant 0 : i32
      %dma_wait3A_119 = arith.constant 0 : i32
      %dma_wait3A_120 = tpu.memref_slice %arg10[%dma_wait3A_118, %dma_wait3A_119] : memref<125x128xf32, #tpu.memory_space<vmem>> -> memref<64x128xf32, #tpu.memory_space<vmem>>
      tpu.wait_dma2 semaphore(%run_scoped3A : memref<!tpu.dma_semaphore, #tpu.memory_space<semaphore_mem>>) src(%dma_wait3A_120 : memref<64x128xf32, #tpu.memory_space<vmem>>) dst(%dma_wait3A_117 : memref<64x128xf32, #tpu.memory_space<vmem_shared>>)
      tpu.yield
    }) : () -> ()
    %barrier3A = arith.constant 0 : index
    tpu.barrier barrier_id(%barrier3A)
    %scan3A_56 = arith.constant 0 : i32
    %scan3A_57 = arith.constant 10 : i32
    %scan3A_58 = arith.addi %scan3A_56, %scan3A_57 : i32
    %scan3A_59 = arith.constant 1 : i32
    scf.for %scan3A_102 = %scan3A_56 to %scan3A_58 step %scan3A_59  : i32 {
      %add3A_103 = arith.constant 1 : i32
      %add3A_104 = arith.addi %scan3A_102, %add3A_103 : i32
      %jit3A = arith.constant 3 : i32
      %eq3A = arith.constant 0 : i32
      %eq3A_105 = arith.cmpi eq, %jit3A, %eq3A : i32
      %jit3A_106 = arith.constant 1 : i32
      %select_n3A = arith.select %eq3A_105, %jit3A_106, %jit3A : i32
      %rem3A = arith.remsi %scan3A_102, %select_n3A : i32
      %ne3A = arith.constant 0 : i32
      %ne3A_107 = arith.cmpi ne, %rem3A, %ne3A : i32
      %lt3A = arith.constant 0 : i32
      %lt3A_108 = arith.cmpi slt, %rem3A, %lt3A : i32
      %lt3A_109 = arith.constant 0 : i32
      %lt3A_110 = arith.cmpi slt, %select_n3A, %lt3A_109 : i32
      %ne3A_111 = arith.xori %lt3A_108, %lt3A_110 : i1
      %and3A = arith.andi %ne3A_111, %ne3A_107 : i1
      %add3A_112 = arith.addi %rem3A, %select_n3A : i32
      %select_n3A_113 = arith.select %and3A, %add3A_112, %rem3A : i32
      %mul3A_114 = arith.constant 8 : i32
      %mul3A_115 = arith.muli %select_n3A_113, %mul3A_114 : i32
      %jit3A_116 = arith.constant 3 : i32
      %eq3A_117 = arith.constant 0 : i32
      %eq3A_118 = arith.cmpi eq, %jit3A_116, %eq3A_117 : i32
      %jit3A_119 = arith.constant 1 : i32
      %select_n3A_120 = arith.select %eq3A_118, %jit3A_119, %jit3A_116 : i32
      %rem3A_121 = arith.remsi %add3A_104, %select_n3A_120 : i32
      %ne3A_122 = arith.constant 0 : i32
      %ne3A_123 = arith.cmpi ne, %rem3A_121, %ne3A_122 : i32
      %lt3A_124 = arith.constant 0 : i32
      %lt3A_125 = arith.cmpi slt, %rem3A_121, %lt3A_124 : i32
      %lt3A_126 = arith.constant 0 : i32
      %lt3A_127 = arith.cmpi slt, %select_n3A_120, %lt3A_126 : i32
      %ne3A_128 = arith.xori %lt3A_125, %lt3A_127 : i1
      %and3A_129 = arith.andi %ne3A_128, %ne3A_123 : i1
      %add3A_130 = arith.addi %rem3A_121, %select_n3A_120 : i32
      %select_n3A_131 = arith.select %and3A_129, %add3A_130, %rem3A_121 : i32
      %mul3A_132 = arith.constant 8 : i32
      %mul3A_133 = arith.muli %select_n3A_131, %mul3A_132 : i32
      %lt3A_134 = arith.constant 10 : i32
      %lt3A_135 = arith.cmpi slt, %add3A_104, %lt3A_134 : i32
      %convert_element_type3A = arith.extui %lt3A_135 : i1 to i32
      %cond3A = arith.constant 0 : i32
      %cond3A_136 = arith.cmpi ne, %convert_element_type3A, %cond3A : i32
      scf.if %cond3A_136 {
        %mul3A_291 = arith.constant 80 : i32
        %mul3A_292 = arith.muli %add3A, %mul3A_291 : i32
        %mul3A_293 = arith.constant 8 : i32
        %mul3A_294 = arith.muli %add3A_104, %mul3A_293 : i32
        %add3A_295 = arith.addi %mul3A_292, %mul3A_294 : i32
        "tpu.region"() ({
          %run_scoped3A = tpu.sem_alloc : memref<!tpu.dma_semaphore, #tpu.memory_space<semaphore_mem>>
          %dma_start3A_296 = arith.constant 0 : i32
          %dma_start3A_297 = tpu.memref_slice %arg7[%mul3A_133, %dma_start3A_296] : memref<24x125xi32, #tpu.memory_space<vmem>> -> memref<8x125xi32, #tpu.memory_space<vmem>>
          %dma_start3A_298 = arith.constant 0 : i32
          %dma_start3A_299 = tpu.memref_slice %arg3[%add3A_295, %dma_start3A_298] : memref<2560x125xi32, #tpu.memory_space<hbm>> -> memref<8x125xi32, #tpu.memory_space<hbm>>
          %dma_start3A_300 = arith.constant 0 : i32
          %dma_start3A_301 = tpu.memref_slice %arg7[%mul3A_133, %dma_start3A_300] : memref<24x125xi32, #tpu.memory_space<vmem>> -> memref<8x125xi32, #tpu.memory_space<vmem>>
          %dma_start3A_302 = arith.constant 0 : i32
          %dma_start3A_303 = tpu.memref_slice %arg3[%add3A_295, %dma_start3A_302] : memref<2560x125xi32, #tpu.memory_space<hbm>> -> memref<8x125xi32, #tpu.memory_space<hbm>>
          tpu.enqueue_dma source(%dma_start3A_303 : memref<8x125xi32, #tpu.memory_space<hbm>>) target(%dma_start3A_301 : memref<8x125xi32, #tpu.memory_space<vmem>>) target_semaphore(%run_scoped3A : memref<!tpu.dma_semaphore, #tpu.memory_space<semaphore_mem>>)
          %dma_wait3A_304 = arith.constant 0 : i32
          %dma_wait3A_305 = tpu.memref_slice %arg7[%mul3A_133, %dma_wait3A_304] : memref<24x125xi32, #tpu.memory_space<vmem>> -> memref<8x125xi32, #tpu.memory_space<vmem>>
          %dma_wait3A_306 = arith.constant 0 : i32
          %dma_wait3A_307 = tpu.memref_slice %arg3[%add3A_295, %dma_wait3A_306] : memref<2560x125xi32, #tpu.memory_space<hbm>> -> memref<8x125xi32, #tpu.memory_space<hbm>>
          %dma_wait3A_308 = arith.constant 0 : i32
          %dma_wait3A_309 = tpu.memref_slice %arg7[%mul3A_133, %dma_wait3A_308] : memref<24x125xi32, #tpu.memory_space<vmem>> -> memref<8x125xi32, #tpu.memory_space<vmem>>
          %dma_wait3A_310 = arith.constant 0 : i32
          %dma_wait3A_311 = tpu.memref_slice %arg3[%add3A_295, %dma_wait3A_310] : memref<2560x125xi32, #tpu.memory_space<hbm>> -> memref<8x125xi32, #tpu.memory_space<hbm>>
          tpu.wait_dma2 semaphore(%run_scoped3A : memref<!tpu.dma_semaphore, #tpu.memory_space<semaphore_mem>>) src(%dma_wait3A_311 : memref<8x125xi32, #tpu.memory_space<hbm>>) dst(%dma_wait3A_309 : memref<8x125xi32, #tpu.memory_space<vmem>>)
          tpu.yield
        }) : () -> ()
        "tpu.region"() ({
          %run_scoped3A = tpu.sem_alloc : memref<!tpu.dma_semaphore, #tpu.memory_space<semaphore_mem>>
          %dma_start3A_296 = arith.constant 0 : i32
          %dma_start3A_297 = tpu.memref_slice %arg8[%mul3A_133, %dma_start3A_296] : memref<24x125xi32, #tpu.memory_space<vmem>> -> memref<8x125xi32, #tpu.memory_space<vmem>>
          %dma_start3A_298 = arith.constant 0 : i32
          %dma_start3A_299 = tpu.memref_slice %arg4[%add3A_295, %dma_start3A_298] : memref<2560x125xi32, #tpu.memory_space<hbm>> -> memref<8x125xi32, #tpu.memory_space<hbm>>
          %dma_start3A_300 = arith.constant 0 : i32
          %dma_start3A_301 = tpu.memref_slice %arg8[%mul3A_133, %dma_start3A_300] : memref<24x125xi32, #tpu.memory_space<vmem>> -> memref<8x125xi32, #tpu.memory_space<vmem>>
          %dma_start3A_302 = arith.constant 0 : i32
          %dma_start3A_303 = tpu.memref_slice %arg4[%add3A_295, %dma_start3A_302] : memref<2560x125xi32, #tpu.memory_space<hbm>> -> memref<8x125xi32, #tpu.memory_space<hbm>>
          tpu.enqueue_dma source(%dma_start3A_303 : memref<8x125xi32, #tpu.memory_space<hbm>>) target(%dma_start3A_301 : memref<8x125xi32, #tpu.memory_space<vmem>>) target_semaphore(%run_scoped3A : memref<!tpu.dma_semaphore, #tpu.memory_space<semaphore_mem>>)
          %dma_wait3A_304 = arith.constant 0 : i32
          %dma_wait3A_305 = tpu.memref_slice %arg8[%mul3A_133, %dma_wait3A_304] : memref<24x125xi32, #tpu.memory_space<vmem>> -> memref<8x125xi32, #tpu.memory_space<vmem>>
          %dma_wait3A_306 = arith.constant 0 : i32
          %dma_wait3A_307 = tpu.memref_slice %arg4[%add3A_295, %dma_wait3A_306] : memref<2560x125xi32, #tpu.memory_space<hbm>> -> memref<8x125xi32, #tpu.memory_space<hbm>>
          %dma_wait3A_308 = arith.constant 0 : i32
          %dma_wait3A_309 = tpu.memref_slice %arg8[%mul3A_133, %dma_wait3A_308] : memref<24x125xi32, #tpu.memory_space<vmem>> -> memref<8x125xi32, #tpu.memory_space<vmem>>
          %dma_wait3A_310 = arith.constant 0 : i32
          %dma_wait3A_311 = tpu.memref_slice %arg4[%add3A_295, %dma_wait3A_310] : memref<2560x125xi32, #tpu.memory_space<hbm>> -> memref<8x125xi32, #tpu.memory_space<hbm>>
          tpu.wait_dma2 semaphore(%run_scoped3A : memref<!tpu.dma_semaphore, #tpu.memory_space<semaphore_mem>>) src(%dma_wait3A_311 : memref<8x125xi32, #tpu.memory_space<hbm>>) dst(%dma_wait3A_309 : memref<8x125xi32, #tpu.memory_space<vmem>>)
          tpu.yield
        }) : () -> ()
      } else {
      }
      %add3A_137 = arith.constant 0 : i32
      %add3A_138 = arith.addi %mul3A_115, %add3A_137 : i32
      %add3A_139 = arith.constant 1 : i32
      %add3A_140 = arith.addi %add3A_138, %add3A_139 : i32
      %dma_start3A_141 = arith.constant 0 : i32
      %dma_start3A_142 = tpu.memref_slice %arg7[%add3A_140, %dma_start3A_141] : memref<24x125xi32, #tpu.memory_space<vmem>> -> memref<1x125xi32, #tpu.memory_space<vmem>>
      %dma_start3A_143 = tpu.memref_squeeze %dma_start3A_142 : memref<1x125xi32, #tpu.memory_space<vmem>> -> memref<125xi32, #tpu.memory_space<vmem>>
      %dma_start3A_144 = arith.constant 0 : i32
      %dma_start3A_145 = arith.constant 0 : i32
      %dma_start3A_146 = tpu.memref_slice %arg2[%dma_start3A_144, %dma_start3A_145] : memref<10000x128xf32, #tpu.memory_space<hbm>> -> memref<10000x128xf32, #tpu.memory_space<hbm>>
      tpu.enqueue_indirect_dma source(%dma_start3A_146 : memref<10000x128xf32, #tpu.memory_space<hbm>>) target(%arg10 : memref<125x128xf32, #tpu.memory_space<vmem>>) offsets(%dma_start3A_143 : memref<125xi32, #tpu.memory_space<vmem>>) semaphore(%arg12 : memref<!tpu.dma_semaphore, #tpu.memory_space<semaphore_mem>>)
      %add3A_147 = arith.constant 0 : i32
      %add3A_148 = arith.addi %mul3A_115, %add3A_147 : i32
      %dma_wait3A = arith.constant 0 : i32
      %dma_wait3A_149 = tpu.memref_slice %arg7[%add3A_148, %dma_wait3A] : memref<24x125xi32, #tpu.memory_space<vmem>> -> memref<1x125xi32, #tpu.memory_space<vmem>>
      %dma_wait3A_150 = tpu.memref_squeeze %dma_wait3A_149 : memref<1x125xi32, #tpu.memory_space<vmem>> -> memref<125xi32, #tpu.memory_space<vmem>>
      %dma_wait3A_151 = arith.constant 0 : i32
      %dma_wait3A_152 = arith.constant 0 : i32
      %dma_wait3A_153 = tpu.memref_slice %arg2[%dma_wait3A_151, %dma_wait3A_152] : memref<10000x128xf32, #tpu.memory_space<hbm>> -> memref<10000x128xf32, #tpu.memory_space<hbm>>
      tpu.wait_indirect_dma semaphore(%arg11 : memref<!tpu.dma_semaphore, #tpu.memory_space<semaphore_mem>>) src(%dma_wait3A_153 : memref<10000x128xf32, #tpu.memory_space<hbm>>) dst(%arg9 : memref<125x128xf32, #tpu.memory_space<vmem>>)
      %add3A_154 = arith.constant 0 : i32
      %add3A_155 = arith.addi %mul3A_115, %add3A_154 : i32
      "tpu.region"() ({
        %run_scoped3A = tpu.sem_alloc : memref<!tpu.dma_semaphore, #tpu.memory_space<semaphore_mem>>
        %dma_start3A_291 = arith.constant 0 : i32
        %dma_start3A_292 = tpu.memref_slice %arg8[%add3A_155, %dma_start3A_291] : memref<24x125xi32, #tpu.memory_space<vmem>> -> memref<1x125xi32, #tpu.memory_space<vmem>>
        %dma_start3A_293 = tpu.memref_squeeze %dma_start3A_292 : memref<1x125xi32, #tpu.memory_space<vmem>> -> memref<125xi32, #tpu.memory_space<vmem>>
        %dma_start3A_294 = arith.constant 0 : i32
        %dma_start3A_295 = arith.constant 0 : i32
        %dma_start3A_296 = tpu.memref_slice %arg6[%dma_start3A_294, %dma_start3A_295] : memref<10240x128xf32, #tpu.memory_space<vmem_shared>> -> memref<10240x128xf32, #tpu.memory_space<vmem_shared>>
        tpu.enqueue_indirect_dma source(%arg9 : memref<125x128xf32, #tpu.memory_space<vmem>>) target(%dma_start3A_296 : memref<10240x128xf32, #tpu.memory_space<vmem_shared>>) offsets(%dma_start3A_293 : memref<125xi32, #tpu.memory_space<vmem>>) semaphore(%run_scoped3A : memref<!tpu.dma_semaphore, #tpu.memory_space<semaphore_mem>>) {add = true}
        %dma_wait3A_297 = arith.constant 0 : i32
        %dma_wait3A_298 = tpu.memref_slice %arg8[%add3A_155, %dma_wait3A_297] : memref<24x125xi32, #tpu.memory_space<vmem>> -> memref<1x125xi32, #tpu.memory_space<vmem>>
        %dma_wait3A_299 = tpu.memref_squeeze %dma_wait3A_298 : memref<1x125xi32, #tpu.memory_space<vmem>> -> memref<125xi32, #tpu.memory_space<vmem>>
        %dma_wait3A_300 = arith.constant 0 : i32
        %dma_wait3A_301 = arith.constant 0 : i32
        %dma_wait3A_302 = tpu.memref_slice %arg6[%dma_wait3A_300, %dma_wait3A_301] : memref<10240x128xf32, #tpu.memory_space<vmem_shared>> -> memref<10240x128xf32, #tpu.memory_space<vmem_shared>>
        tpu.wait_indirect_dma semaphore(%run_scoped3A : memref<!tpu.dma_semaphore, #tpu.memory_space<semaphore_mem>>) src(%arg9 : memref<125x128xf32, #tpu.memory_space<vmem>>) dst(%dma_wait3A_302 : memref<10240x128xf32, #tpu.memory_space<vmem_shared>>)
        tpu.yield
      }) : () -> ()
      %add3A_156 = arith.constant 1 : i32
      %add3A_157 = arith.addi %mul3A_115, %add3A_156 : i32
      %add3A_158 = arith.constant 1 : i32
      %add3A_159 = arith.addi %add3A_157, %add3A_158 : i32
      %dma_start3A_160 = arith.constant 0 : i32
      %dma_start3A_161 = tpu.memref_slice %arg7[%add3A_159, %dma_start3A_160] : memref<24x125xi32, #tpu.memory_space<vmem>> -> memref<1x125xi32, #tpu.memory_space<vmem>>
      %dma_start3A_162 = tpu.memref_squeeze %dma_start3A_161 : memref<1x125xi32, #tpu.memory_space<vmem>> -> memref<125xi32, #tpu.memory_space<vmem>>
      %dma_start3A_163 = arith.constant 0 : i32
      %dma_start3A_164 = arith.constant 0 : i32
      %dma_start3A_165 = tpu.memref_slice %arg2[%dma_start3A_163, %dma_start3A_164] : memref<10000x128xf32, #tpu.memory_space<hbm>> -> memref<10000x128xf32, #tpu.memory_space<hbm>>
      tpu.enqueue_indirect_dma source(%dma_start3A_165 : memref<10000x128xf32, #tpu.memory_space<hbm>>) target(%arg9 : memref<125x128xf32, #tpu.memory_space<vmem>>) offsets(%dma_start3A_162 : memref<125xi32, #tpu.memory_space<vmem>>) semaphore(%arg11 : memref<!tpu.dma_semaphore, #tpu.memory_space<semaphore_mem>>)
      %add3A_166 = arith.constant 1 : i32
      %add3A_167 = arith.addi %mul3A_115, %add3A_166 : i32
      %dma_wait3A_168 = arith.constant 0 : i32
      %dma_wait3A_169 = tpu.memref_slice %arg7[%add3A_167, %dma_wait3A_168] : memref<24x125xi32, #tpu.memory_space<vmem>> -> memref<1x125xi32, #tpu.memory_space<vmem>>
      %dma_wait3A_170 = tpu.memref_squeeze %dma_wait3A_169 : memref<1x125xi32, #tpu.memory_space<vmem>> -> memref<125xi32, #tpu.memory_space<vmem>>
      %dma_wait3A_171 = arith.constant 0 : i32
      %dma_wait3A_172 = arith.constant 0 : i32
      %dma_wait3A_173 = tpu.memref_slice %arg2[%dma_wait3A_171, %dma_wait3A_172] : memref<10000x128xf32, #tpu.memory_space<hbm>> -> memref<10000x128xf32, #tpu.memory_space<hbm>>
      tpu.wait_indirect_dma semaphore(%arg12 : memref<!tpu.dma_semaphore, #tpu.memory_space<semaphore_mem>>) src(%dma_wait3A_173 : memref<10000x128xf32, #tpu.memory_space<hbm>>) dst(%arg10 : memref<125x128xf32, #tpu.memory_space<vmem>>)
      %add3A_174 = arith.constant 1 : i32
      %add3A_175 = arith.addi %mul3A_115, %add3A_174 : i32
      "tpu.region"() ({
        %run_scoped3A = tpu.sem_alloc : memref<!tpu.dma_semaphore, #tpu.memory_space<semaphore_mem>>
        %dma_start3A_291 = arith.constant 0 : i32
        %dma_start3A_292 = tpu.memref_slice %arg8[%add3A_175, %dma_start3A_291] : memref<24x125xi32, #tpu.memory_space<vmem>> -> memref<1x125xi32, #tpu.memory_space<vmem>>
        %dma_start3A_293 = tpu.memref_squeeze %dma_start3A_292 : memref<1x125xi32, #tpu.memory_space<vmem>> -> memref<125xi32, #tpu.memory_space<vmem>>
        %dma_start3A_294 = arith.constant 0 : i32
        %dma_start3A_295 = arith.constant 0 : i32
        %dma_start3A_296 = tpu.memref_slice %arg6[%dma_start3A_294, %dma_start3A_295] : memref<10240x128xf32, #tpu.memory_space<vmem_shared>> -> memref<10240x128xf32, #tpu.memory_space<vmem_shared>>
        tpu.enqueue_indirect_dma source(%arg10 : memref<125x128xf32, #tpu.memory_space<vmem>>) target(%dma_start3A_296 : memref<10240x128xf32, #tpu.memory_space<vmem_shared>>) offsets(%dma_start3A_293 : memref<125xi32, #tpu.memory_space<vmem>>) semaphore(%run_scoped3A : memref<!tpu.dma_semaphore, #tpu.memory_space<semaphore_mem>>) {add = true}
        %dma_wait3A_297 = arith.constant 0 : i32
        %dma_wait3A_298 = tpu.memref_slice %arg8[%add3A_175, %dma_wait3A_297] : memref<24x125xi32, #tpu.memory_space<vmem>> -> memref<1x125xi32, #tpu.memory_space<vmem>>
        %dma_wait3A_299 = tpu.memref_squeeze %dma_wait3A_298 : memref<1x125xi32, #tpu.memory_space<vmem>> -> memref<125xi32, #tpu.memory_space<vmem>>
        %dma_wait3A_300 = arith.constant 0 : i32
        %dma_wait3A_301 = arith.constant 0 : i32
        %dma_wait3A_302 = tpu.memref_slice %arg6[%dma_wait3A_300, %dma_wait3A_301] : memref<10240x128xf32, #tpu.memory_space<vmem_shared>> -> memref<10240x128xf32, #tpu.memory_space<vmem_shared>>
        tpu.wait_indirect_dma semaphore(%run_scoped3A : memref<!tpu.dma_semaphore, #tpu.memory_space<semaphore_mem>>) src(%arg10 : memref<125x128xf32, #tpu.memory_space<vmem>>) dst(%dma_wait3A_302 : memref<10240x128xf32, #tpu.memory_space<vmem_shared>>)
        tpu.yield
      }) : () -> ()
      %add3A_176 = arith.constant 2 : i32
      %add3A_177 = arith.addi %mul3A_115, %add3A_176 : i32
      %add3A_178 = arith.constant 1 : i32
      %add3A_179 = arith.addi %add3A_177, %add3A_178 : i32
      %dma_start3A_180 = arith.constant 0 : i32
      %dma_start3A_181 = tpu.memref_slice %arg7[%add3A_179, %dma_start3A_180] : memref<24x125xi32, #tpu.memory_space<vmem>> -> memref<1x125xi32, #tpu.memory_space<vmem>>
      %dma_start3A_182 = tpu.memref_squeeze %dma_start3A_181 : memref<1x125xi32, #tpu.memory_space<vmem>> -> memref<125xi32, #tpu.memory_space<vmem>>
      %dma_start3A_183 = arith.constant 0 : i32
      %dma_start3A_184 = arith.constant 0 : i32
      %dma_start3A_185 = tpu.memref_slice %arg2[%dma_start3A_183, %dma_start3A_184] : memref<10000x128xf32, #tpu.memory_space<hbm>> -> memref<10000x128xf32, #tpu.memory_space<hbm>>
      tpu.enqueue_indirect_dma source(%dma_start3A_185 : memref<10000x128xf32, #tpu.memory_space<hbm>>) target(%arg10 : memref<125x128xf32, #tpu.memory_space<vmem>>) offsets(%dma_start3A_182 : memref<125xi32, #tpu.memory_space<vmem>>) semaphore(%arg12 : memref<!tpu.dma_semaphore, #tpu.memory_space<semaphore_mem>>)
      %add3A_186 = arith.constant 2 : i32
      %add3A_187 = arith.addi %mul3A_115, %add3A_186 : i32
      %dma_wait3A_188 = arith.constant 0 : i32
      %dma_wait3A_189 = tpu.memref_slice %arg7[%add3A_187, %dma_wait3A_188] : memref<24x125xi32, #tpu.memory_space<vmem>> -> memref<1x125xi32, #tpu.memory_space<vmem>>
      %dma_wait3A_190 = tpu.memref_squeeze %dma_wait3A_189 : memref<1x125xi32, #tpu.memory_space<vmem>> -> memref<125xi32, #tpu.memory_space<vmem>>
      %dma_wait3A_191 = arith.constant 0 : i32
      %dma_wait3A_192 = arith.constant 0 : i32
      %dma_wait3A_193 = tpu.memref_slice %arg2[%dma_wait3A_191, %dma_wait3A_192] : memref<10000x128xf32, #tpu.memory_space<hbm>> -> memref<10000x128xf32, #tpu.memory_space<hbm>>
      tpu.wait_indirect_dma semaphore(%arg11 : memref<!tpu.dma_semaphore, #tpu.memory_space<semaphore_mem>>) src(%dma_wait3A_193 : memref<10000x128xf32, #tpu.memory_space<hbm>>) dst(%arg9 : memref<125x128xf32, #tpu.memory_space<vmem>>)
      %add3A_194 = arith.constant 2 : i32
      %add3A_195 = arith.addi %mul3A_115, %add3A_194 : i32
      "tpu.region"() ({
        %run_scoped3A = tpu.sem_alloc : memref<!tpu.dma_semaphore, #tpu.memory_space<semaphore_mem>>
        %dma_start3A_291 = arith.constant 0 : i32
        %dma_start3A_292 = tpu.memref_slice %arg8[%add3A_195, %dma_start3A_291] : memref<24x125xi32, #tpu.memory_space<vmem>> -> memref<1x125xi32, #tpu.memory_space<vmem>>
        %dma_start3A_293 = tpu.memref_squeeze %dma_start3A_292 : memref<1x125xi32, #tpu.memory_space<vmem>> -> memref<125xi32, #tpu.memory_space<vmem>>
        %dma_start3A_294 = arith.constant 0 : i32
        %dma_start3A_295 = arith.constant 0 : i32
        %dma_start3A_296 = tpu.memref_slice %arg6[%dma_start3A_294, %dma_start3A_295] : memref<10240x128xf32, #tpu.memory_space<vmem_shared>> -> memref<10240x128xf32, #tpu.memory_space<vmem_shared>>
        tpu.enqueue_indirect_dma source(%arg9 : memref<125x128xf32, #tpu.memory_space<vmem>>) target(%dma_start3A_296 : memref<10240x128xf32, #tpu.memory_space<vmem_shared>>) offsets(%dma_start3A_293 : memref<125xi32, #tpu.memory_space<vmem>>) semaphore(%run_scoped3A : memref<!tpu.dma_semaphore, #tpu.memory_space<semaphore_mem>>) {add = true}
        %dma_wait3A_297 = arith.constant 0 : i32
        %dma_wait3A_298 = tpu.memref_slice %arg8[%add3A_195, %dma_wait3A_297] : memref<24x125xi32, #tpu.memory_space<vmem>> -> memref<1x125xi32, #tpu.memory_space<vmem>>
        %dma_wait3A_299 = tpu.memref_squeeze %dma_wait3A_298 : memref<1x125xi32, #tpu.memory_space<vmem>> -> memref<125xi32, #tpu.memory_space<vmem>>
        %dma_wait3A_300 = arith.constant 0 : i32
        %dma_wait3A_301 = arith.constant 0 : i32
        %dma_wait3A_302 = tpu.memref_slice %arg6[%dma_wait3A_300, %dma_wait3A_301] : memref<10240x128xf32, #tpu.memory_space<vmem_shared>> -> memref<10240x128xf32, #tpu.memory_space<vmem_shared>>
        tpu.wait_indirect_dma semaphore(%run_scoped3A : memref<!tpu.dma_semaphore, #tpu.memory_space<semaphore_mem>>) src(%arg9 : memref<125x128xf32, #tpu.memory_space<vmem>>) dst(%dma_wait3A_302 : memref<10240x128xf32, #tpu.memory_space<vmem_shared>>)
        tpu.yield
      }) : () -> ()
      %add3A_196 = arith.constant 3 : i32
      %add3A_197 = arith.addi %mul3A_115, %add3A_196 : i32
      %add3A_198 = arith.constant 1 : i32
      %add3A_199 = arith.addi %add3A_197, %add3A_198 : i32
      %dma_start3A_200 = arith.constant 0 : i32
      %dma_start3A_201 = tpu.memref_slice %arg7[%add3A_199, %dma_start3A_200] : memref<24x125xi32, #tpu.memory_space<vmem>> -> memref<1x125xi32, #tpu.memory_space<vmem>>
      %dma_start3A_202 = tpu.memref_squeeze %dma_start3A_201 : memref<1x125xi32, #tpu.memory_space<vmem>> -> memref<125xi32, #tpu.memory_space<vmem>>
      %dma_start3A_203 = arith.constant 0 : i32
      %dma_start3A_204 = arith.constant 0 : i32
      %dma_start3A_205 = tpu.memref_slice %arg2[%dma_start3A_203, %dma_start3A_204] : memref<10000x128xf32, #tpu.memory_space<hbm>> -> memref<10000x128xf32, #tpu.memory_space<hbm>>
      tpu.enqueue_indirect_dma source(%dma_start3A_205 : memref<10000x128xf32, #tpu.memory_space<hbm>>) target(%arg9 : memref<125x128xf32, #tpu.memory_space<vmem>>) offsets(%dma_start3A_202 : memref<125xi32, #tpu.memory_space<vmem>>) semaphore(%arg11 : memref<!tpu.dma_semaphore, #tpu.memory_space<semaphore_mem>>)
      %add3A_206 = arith.constant 3 : i32
      %add3A_207 = arith.addi %mul3A_115, %add3A_206 : i32
      %dma_wait3A_208 = arith.constant 0 : i32
      %dma_wait3A_209 = tpu.memref_slice %arg7[%add3A_207, %dma_wait3A_208] : memref<24x125xi32, #tpu.memory_space<vmem>> -> memref<1x125xi32, #tpu.memory_space<vmem>>
      %dma_wait3A_210 = tpu.memref_squeeze %dma_wait3A_209 : memref<1x125xi32, #tpu.memory_space<vmem>> -> memref<125xi32, #tpu.memory_space<vmem>>
      %dma_wait3A_211 = arith.constant 0 : i32
      %dma_wait3A_212 = arith.constant 0 : i32
      %dma_wait3A_213 = tpu.memref_slice %arg2[%dma_wait3A_211, %dma_wait3A_212] : memref<10000x128xf32, #tpu.memory_space<hbm>> -> memref<10000x128xf32, #tpu.memory_space<hbm>>
      tpu.wait_indirect_dma semaphore(%arg12 : memref<!tpu.dma_semaphore, #tpu.memory_space<semaphore_mem>>) src(%dma_wait3A_213 : memref<10000x128xf32, #tpu.memory_space<hbm>>) dst(%arg10 : memref<125x128xf32, #tpu.memory_space<vmem>>)
      %add3A_214 = arith.constant 3 : i32
      %add3A_215 = arith.addi %mul3A_115, %add3A_214 : i32
      "tpu.region"() ({
        %run_scoped3A = tpu.sem_alloc : memref<!tpu.dma_semaphore, #tpu.memory_space<semaphore_mem>>
        %dma_start3A_291 = arith.constant 0 : i32
        %dma_start3A_292 = tpu.memref_slice %arg8[%add3A_215, %dma_start3A_291] : memref<24x125xi32, #tpu.memory_space<vmem>> -> memref<1x125xi32, #tpu.memory_space<vmem>>
        %dma_start3A_293 = tpu.memref_squeeze %dma_start3A_292 : memref<1x125xi32, #tpu.memory_space<vmem>> -> memref<125xi32, #tpu.memory_space<vmem>>
        %dma_start3A_294 = arith.constant 0 : i32
        %dma_start3A_295 = arith.constant 0 : i32
        %dma_start3A_296 = tpu.memref_slice %arg6[%dma_start3A_294, %dma_start3A_295] : memref<10240x128xf32, #tpu.memory_space<vmem_shared>> -> memref<10240x128xf32, #tpu.memory_space<vmem_shared>>
        tpu.enqueue_indirect_dma source(%arg10 : memref<125x128xf32, #tpu.memory_space<vmem>>) target(%dma_start3A_296 : memref<10240x128xf32, #tpu.memory_space<vmem_shared>>) offsets(%dma_start3A_293 : memref<125xi32, #tpu.memory_space<vmem>>) semaphore(%run_scoped3A : memref<!tpu.dma_semaphore, #tpu.memory_space<semaphore_mem>>) {add = true}
        %dma_wait3A_297 = arith.constant 0 : i32
        %dma_wait3A_298 = tpu.memref_slice %arg8[%add3A_215, %dma_wait3A_297] : memref<24x125xi32, #tpu.memory_space<vmem>> -> memref<1x125xi32, #tpu.memory_space<vmem>>
        %dma_wait3A_299 = tpu.memref_squeeze %dma_wait3A_298 : memref<1x125xi32, #tpu.memory_space<vmem>> -> memref<125xi32, #tpu.memory_space<vmem>>
        %dma_wait3A_300 = arith.constant 0 : i32
        %dma_wait3A_301 = arith.constant 0 : i32
        %dma_wait3A_302 = tpu.memref_slice %arg6[%dma_wait3A_300, %dma_wait3A_301] : memref<10240x128xf32, #tpu.memory_space<vmem_shared>> -> memref<10240x128xf32, #tpu.memory_space<vmem_shared>>
        tpu.wait_indirect_dma semaphore(%run_scoped3A : memref<!tpu.dma_semaphore, #tpu.memory_space<semaphore_mem>>) src(%arg10 : memref<125x128xf32, #tpu.memory_space<vmem>>) dst(%dma_wait3A_302 : memref<10240x128xf32, #tpu.memory_space<vmem_shared>>)
        tpu.yield
      }) : () -> ()
      %add3A_216 = arith.constant 4 : i32
      %add3A_217 = arith.addi %mul3A_115, %add3A_216 : i32
      %add3A_218 = arith.constant 1 : i32
      %add3A_219 = arith.addi %add3A_217, %add3A_218 : i32
      %dma_start3A_220 = arith.constant 0 : i32
      %dma_start3A_221 = tpu.memref_slice %arg7[%add3A_219, %dma_start3A_220] : memref<24x125xi32, #tpu.memory_space<vmem>> -> memref<1x125xi32, #tpu.memory_space<vmem>>
      %dma_start3A_222 = tpu.memref_squeeze %dma_start3A_221 : memref<1x125xi32, #tpu.memory_space<vmem>> -> memref<125xi32, #tpu.memory_space<vmem>>
      %dma_start3A_223 = arith.constant 0 : i32
      %dma_start3A_224 = arith.constant 0 : i32
      %dma_start3A_225 = tpu.memref_slice %arg2[%dma_start3A_223, %dma_start3A_224] : memref<10000x128xf32, #tpu.memory_space<hbm>> -> memref<10000x128xf32, #tpu.memory_space<hbm>>
      tpu.enqueue_indirect_dma source(%dma_start3A_225 : memref<10000x128xf32, #tpu.memory_space<hbm>>) target(%arg10 : memref<125x128xf32, #tpu.memory_space<vmem>>) offsets(%dma_start3A_222 : memref<125xi32, #tpu.memory_space<vmem>>) semaphore(%arg12 : memref<!tpu.dma_semaphore, #tpu.memory_space<semaphore_mem>>)
      %add3A_226 = arith.constant 4 : i32
      %add3A_227 = arith.addi %mul3A_115, %add3A_226 : i32
      %dma_wait3A_228 = arith.constant 0 : i32
      %dma_wait3A_229 = tpu.memref_slice %arg7[%add3A_227, %dma_wait3A_228] : memref<24x125xi32, #tpu.memory_space<vmem>> -> memref<1x125xi32, #tpu.memory_space<vmem>>
      %dma_wait3A_230 = tpu.memref_squeeze %dma_wait3A_229 : memref<1x125xi32, #tpu.memory_space<vmem>> -> memref<125xi32, #tpu.memory_space<vmem>>
      %dma_wait3A_231 = arith.constant 0 : i32
      %dma_wait3A_232 = arith.constant 0 : i32
      %dma_wait3A_233 = tpu.memref_slice %arg2[%dma_wait3A_231, %dma_wait3A_232] : memref<10000x128xf32, #tpu.memory_space<hbm>> -> memref<10000x128xf32, #tpu.memory_space<hbm>>
      tpu.wait_indirect_dma semaphore(%arg11 : memref<!tpu.dma_semaphore, #tpu.memory_space<semaphore_mem>>) src(%dma_wait3A_233 : memref<10000x128xf32, #tpu.memory_space<hbm>>) dst(%arg9 : memref<125x128xf32, #tpu.memory_space<vmem>>)
      %add3A_234 = arith.constant 4 : i32
      %add3A_235 = arith.addi %mul3A_115, %add3A_234 : i32
      "tpu.region"() ({
        %run_scoped3A = tpu.sem_alloc : memref<!tpu.dma_semaphore, #tpu.memory_space<semaphore_mem>>
        %dma_start3A_291 = arith.constant 0 : i32
        %dma_start3A_292 = tpu.memref_slice %arg8[%add3A_235, %dma_start3A_291] : memref<24x125xi32, #tpu.memory_space<vmem>> -> memref<1x125xi32, #tpu.memory_space<vmem>>
        %dma_start3A_293 = tpu.memref_squeeze %dma_start3A_292 : memref<1x125xi32, #tpu.memory_space<vmem>> -> memref<125xi32, #tpu.memory_space<vmem>>
        %dma_start3A_294 = arith.constant 0 : i32
        %dma_start3A_295 = arith.constant 0 : i32
        %dma_start3A_296 = tpu.memref_slice %arg6[%dma_start3A_294, %dma_start3A_295] : memref<10240x128xf32, #tpu.memory_space<vmem_shared>> -> memref<10240x128xf32, #tpu.memory_space<vmem_shared>>
        tpu.enqueue_indirect_dma source(%arg9 : memref<125x128xf32, #tpu.memory_space<vmem>>) target(%dma_start3A_296 : memref<10240x128xf32, #tpu.memory_space<vmem_shared>>) offsets(%dma_start3A_293 : memref<125xi32, #tpu.memory_space<vmem>>) semaphore(%run_scoped3A : memref<!tpu.dma_semaphore, #tpu.memory_space<semaphore_mem>>) {add = true}
        %dma_wait3A_297 = arith.constant 0 : i32
        %dma_wait3A_298 = tpu.memref_slice %arg8[%add3A_235, %dma_wait3A_297] : memref<24x125xi32, #tpu.memory_space<vmem>> -> memref<1x125xi32, #tpu.memory_space<vmem>>
        %dma_wait3A_299 = tpu.memref_squeeze %dma_wait3A_298 : memref<1x125xi32, #tpu.memory_space<vmem>> -> memref<125xi32, #tpu.memory_space<vmem>>
        %dma_wait3A_300 = arith.constant 0 : i32
        %dma_wait3A_301 = arith.constant 0 : i32
        %dma_wait3A_302 = tpu.memref_slice %arg6[%dma_wait3A_300, %dma_wait3A_301] : memref<10240x128xf32, #tpu.memory_space<vmem_shared>> -> memref<10240x128xf32, #tpu.memory_space<vmem_shared>>
        tpu.wait_indirect_dma semaphore(%run_scoped3A : memref<!tpu.dma_semaphore, #tpu.memory_space<semaphore_mem>>) src(%arg9 : memref<125x128xf32, #tpu.memory_space<vmem>>) dst(%dma_wait3A_302 : memref<10240x128xf32, #tpu.memory_space<vmem_shared>>)
        tpu.yield
      }) : () -> ()
      %add3A_236 = arith.constant 5 : i32
      %add3A_237 = arith.addi %mul3A_115, %add3A_236 : i32
      %add3A_238 = arith.constant 1 : i32
      %add3A_239 = arith.addi %add3A_237, %add3A_238 : i32
      %dma_start3A_240 = arith.constant 0 : i32
      %dma_start3A_241 = tpu.memref_slice %arg7[%add3A_239, %dma_start3A_240] : memref<24x125xi32, #tpu.memory_space<vmem>> -> memref<1x125xi32, #tpu.memory_space<vmem>>
      %dma_start3A_242 = tpu.memref_squeeze %dma_start3A_241 : memref<1x125xi32, #tpu.memory_space<vmem>> -> memref<125xi32, #tpu.memory_space<vmem>>
      %dma_start3A_243 = arith.constant 0 : i32
      %dma_start3A_244 = arith.constant 0 : i32
      %dma_start3A_245 = tpu.memref_slice %arg2[%dma_start3A_243, %dma_start3A_244] : memref<10000x128xf32, #tpu.memory_space<hbm>> -> memref<10000x128xf32, #tpu.memory_space<hbm>>
      tpu.enqueue_indirect_dma source(%dma_start3A_245 : memref<10000x128xf32, #tpu.memory_space<hbm>>) target(%arg9 : memref<125x128xf32, #tpu.memory_space<vmem>>) offsets(%dma_start3A_242 : memref<125xi32, #tpu.memory_space<vmem>>) semaphore(%arg11 : memref<!tpu.dma_semaphore, #tpu.memory_space<semaphore_mem>>)
      %add3A_246 = arith.constant 5 : i32
      %add3A_247 = arith.addi %mul3A_115, %add3A_246 : i32
      %dma_wait3A_248 = arith.constant 0 : i32
      %dma_wait3A_249 = tpu.memref_slice %arg7[%add3A_247, %dma_wait3A_248] : memref<24x125xi32, #tpu.memory_space<vmem>> -> memref<1x125xi32, #tpu.memory_space<vmem>>
      %dma_wait3A_250 = tpu.memref_squeeze %dma_wait3A_249 : memref<1x125xi32, #tpu.memory_space<vmem>> -> memref<125xi32, #tpu.memory_space<vmem>>
      %dma_wait3A_251 = arith.constant 0 : i32
      %dma_wait3A_252 = arith.constant 0 : i32
      %dma_wait3A_253 = tpu.memref_slice %arg2[%dma_wait3A_251, %dma_wait3A_252] : memref<10000x128xf32, #tpu.memory_space<hbm>> -> memref<10000x128xf32, #tpu.memory_space<hbm>>
      tpu.wait_indirect_dma semaphore(%arg12 : memref<!tpu.dma_semaphore, #tpu.memory_space<semaphore_mem>>) src(%dma_wait3A_253 : memref<10000x128xf32, #tpu.memory_space<hbm>>) dst(%arg10 : memref<125x128xf32, #tpu.memory_space<vmem>>)
      %add3A_254 = arith.constant 5 : i32
      %add3A_255 = arith.addi %mul3A_115, %add3A_254 : i32
      "tpu.region"() ({
        %run_scoped3A = tpu.sem_alloc : memref<!tpu.dma_semaphore, #tpu.memory_space<semaphore_mem>>
        %dma_start3A_291 = arith.constant 0 : i32
        %dma_start3A_292 = tpu.memref_slice %arg8[%add3A_255, %dma_start3A_291] : memref<24x125xi32, #tpu.memory_space<vmem>> -> memref<1x125xi32, #tpu.memory_space<vmem>>
        %dma_start3A_293 = tpu.memref_squeeze %dma_start3A_292 : memref<1x125xi32, #tpu.memory_space<vmem>> -> memref<125xi32, #tpu.memory_space<vmem>>
        %dma_start3A_294 = arith.constant 0 : i32
        %dma_start3A_295 = arith.constant 0 : i32
        %dma_start3A_296 = tpu.memref_slice %arg6[%dma_start3A_294, %dma_start3A_295] : memref<10240x128xf32, #tpu.memory_space<vmem_shared>> -> memref<10240x128xf32, #tpu.memory_space<vmem_shared>>
        tpu.enqueue_indirect_dma source(%arg10 : memref<125x128xf32, #tpu.memory_space<vmem>>) target(%dma_start3A_296 : memref<10240x128xf32, #tpu.memory_space<vmem_shared>>) offsets(%dma_start3A_293 : memref<125xi32, #tpu.memory_space<vmem>>) semaphore(%run_scoped3A : memref<!tpu.dma_semaphore, #tpu.memory_space<semaphore_mem>>) {add = true}
        %dma_wait3A_297 = arith.constant 0 : i32
        %dma_wait3A_298 = tpu.memref_slice %arg8[%add3A_255, %dma_wait3A_297] : memref<24x125xi32, #tpu.memory_space<vmem>> -> memref<1x125xi32, #tpu.memory_space<vmem>>
        %dma_wait3A_299 = tpu.memref_squeeze %dma_wait3A_298 : memref<1x125xi32, #tpu.memory_space<vmem>> -> memref<125xi32, #tpu.memory_space<vmem>>
        %dma_wait3A_300 = arith.constant 0 : i32
        %dma_wait3A_301 = arith.constant 0 : i32
        %dma_wait3A_302 = tpu.memref_slice %arg6[%dma_wait3A_300, %dma_wait3A_301] : memref<10240x128xf32, #tpu.memory_space<vmem_shared>> -> memref<10240x128xf32, #tpu.memory_space<vmem_shared>>
        tpu.wait_indirect_dma semaphore(%run_scoped3A : memref<!tpu.dma_semaphore, #tpu.memory_space<semaphore_mem>>) src(%arg10 : memref<125x128xf32, #tpu.memory_space<vmem>>) dst(%dma_wait3A_302 : memref<10240x128xf32, #tpu.memory_space<vmem_shared>>)
        tpu.yield
      }) : () -> ()
      %add3A_256 = arith.constant 6 : i32
      %add3A_257 = arith.addi %mul3A_115, %add3A_256 : i32
      %add3A_258 = arith.constant 1 : i32
      %add3A_259 = arith.addi %add3A_257, %add3A_258 : i32
      %dma_start3A_260 = arith.constant 0 : i32
      %dma_start3A_261 = tpu.memref_slice %arg7[%add3A_259, %dma_start3A_260] : memref<24x125xi32, #tpu.memory_space<vmem>> -> memref<1x125xi32, #tpu.memory_space<vmem>>
      %dma_start3A_262 = tpu.memref_squeeze %dma_start3A_261 : memref<1x125xi32, #tpu.memory_space<vmem>> -> memref<125xi32, #tpu.memory_space<vmem>>
      %dma_start3A_263 = arith.constant 0 : i32
      %dma_start3A_264 = arith.constant 0 : i32
      %dma_start3A_265 = tpu.memref_slice %arg2[%dma_start3A_263, %dma_start3A_264] : memref<10000x128xf32, #tpu.memory_space<hbm>> -> memref<10000x128xf32, #tpu.memory_space<hbm>>
      tpu.enqueue_indirect_dma source(%dma_start3A_265 : memref<10000x128xf32, #tpu.memory_space<hbm>>) target(%arg10 : memref<125x128xf32, #tpu.memory_space<vmem>>) offsets(%dma_start3A_262 : memref<125xi32, #tpu.memory_space<vmem>>) semaphore(%arg12 : memref<!tpu.dma_semaphore, #tpu.memory_space<semaphore_mem>>)
      %add3A_266 = arith.constant 6 : i32
      %add3A_267 = arith.addi %mul3A_115, %add3A_266 : i32
      %dma_wait3A_268 = arith.constant 0 : i32
      %dma_wait3A_269 = tpu.memref_slice %arg7[%add3A_267, %dma_wait3A_268] : memref<24x125xi32, #tpu.memory_space<vmem>> -> memref<1x125xi32, #tpu.memory_space<vmem>>
      %dma_wait3A_270 = tpu.memref_squeeze %dma_wait3A_269 : memref<1x125xi32, #tpu.memory_space<vmem>> -> memref<125xi32, #tpu.memory_space<vmem>>
      %dma_wait3A_271 = arith.constant 0 : i32
      %dma_wait3A_272 = arith.constant 0 : i32
      %dma_wait3A_273 = tpu.memref_slice %arg2[%dma_wait3A_271, %dma_wait3A_272] : memref<10000x128xf32, #tpu.memory_space<hbm>> -> memref<10000x128xf32, #tpu.memory_space<hbm>>
      tpu.wait_indirect_dma semaphore(%arg11 : memref<!tpu.dma_semaphore, #tpu.memory_space<semaphore_mem>>) src(%dma_wait3A_273 : memref<10000x128xf32, #tpu.memory_space<hbm>>) dst(%arg9 : memref<125x128xf32, #tpu.memory_space<vmem>>)
      %add3A_274 = arith.constant 6 : i32
      %add3A_275 = arith.addi %mul3A_115, %add3A_274 : i32
      "tpu.region"() ({
        %run_scoped3A = tpu.sem_alloc : memref<!tpu.dma_semaphore, #tpu.memory_space<semaphore_mem>>
        %dma_start3A_291 = arith.constant 0 : i32
        %dma_start3A_292 = tpu.memref_slice %arg8[%add3A_275, %dma_start3A_291] : memref<24x125xi32, #tpu.memory_space<vmem>> -> memref<1x125xi32, #tpu.memory_space<vmem>>
        %dma_start3A_293 = tpu.memref_squeeze %dma_start3A_292 : memref<1x125xi32, #tpu.memory_space<vmem>> -> memref<125xi32, #tpu.memory_space<vmem>>
        %dma_start3A_294 = arith.constant 0 : i32
        %dma_start3A_295 = arith.constant 0 : i32
        %dma_start3A_296 = tpu.memref_slice %arg6[%dma_start3A_294, %dma_start3A_295] : memref<10240x128xf32, #tpu.memory_space<vmem_shared>> -> memref<10240x128xf32, #tpu.memory_space<vmem_shared>>
        tpu.enqueue_indirect_dma source(%arg9 : memref<125x128xf32, #tpu.memory_space<vmem>>) target(%dma_start3A_296 : memref<10240x128xf32, #tpu.memory_space<vmem_shared>>) offsets(%dma_start3A_293 : memref<125xi32, #tpu.memory_space<vmem>>) semaphore(%run_scoped3A : memref<!tpu.dma_semaphore, #tpu.memory_space<semaphore_mem>>) {add = true}
        %dma_wait3A_297 = arith.constant 0 : i32
        %dma_wait3A_298 = tpu.memref_slice %arg8[%add3A_275, %dma_wait3A_297] : memref<24x125xi32, #tpu.memory_space<vmem>> -> memref<1x125xi32, #tpu.memory_space<vmem>>
        %dma_wait3A_299 = tpu.memref_squeeze %dma_wait3A_298 : memref<1x125xi32, #tpu.memory_space<vmem>> -> memref<125xi32, #tpu.memory_space<vmem>>
        %dma_wait3A_300 = arith.constant 0 : i32
        %dma_wait3A_301 = arith.constant 0 : i32
        %dma_wait3A_302 = tpu.memref_slice %arg6[%dma_wait3A_300, %dma_wait3A_301] : memref<10240x128xf32, #tpu.memory_space<vmem_shared>> -> memref<10240x128xf32, #tpu.memory_space<vmem_shared>>
        tpu.wait_indirect_dma semaphore(%run_scoped3A : memref<!tpu.dma_semaphore, #tpu.memory_space<semaphore_mem>>) src(%arg9 : memref<125x128xf32, #tpu.memory_space<vmem>>) dst(%dma_wait3A_302 : memref<10240x128xf32, #tpu.memory_space<vmem_shared>>)
        tpu.yield
      }) : () -> ()
      %lt3A_276 = arith.constant 10 : i32
      %lt3A_277 = arith.cmpi slt, %add3A_104, %lt3A_276 : i32
      %convert_element_type3A_278 = arith.extui %lt3A_277 : i1 to i32
      %cond3A_279 = arith.constant 0 : i32
      %cond3A_280 = arith.cmpi ne, %convert_element_type3A_278, %cond3A_279 : i32
      scf.if %cond3A_280 {
        %dma_start3A_291 = arith.constant 0 : i32
        %dma_start3A_292 = tpu.memref_slice %arg7[%mul3A_133, %dma_start3A_291] : memref<24x125xi32, #tpu.memory_space<vmem>> -> memref<1x125xi32, #tpu.memory_space<vmem>>
        %dma_start3A_293 = tpu.memref_squeeze %dma_start3A_292 : memref<1x125xi32, #tpu.memory_space<vmem>> -> memref<125xi32, #tpu.memory_space<vmem>>
        %dma_start3A_294 = arith.constant 0 : i32
        %dma_start3A_295 = arith.constant 0 : i32
        %dma_start3A_296 = tpu.memref_slice %arg2[%dma_start3A_294, %dma_start3A_295] : memref<10000x128xf32, #tpu.memory_space<hbm>> -> memref<10000x128xf32, #tpu.memory_space<hbm>>
        tpu.enqueue_indirect_dma source(%dma_start3A_296 : memref<10000x128xf32, #tpu.memory_space<hbm>>) target(%arg9 : memref<125x128xf32, #tpu.memory_space<vmem>>) offsets(%dma_start3A_293 : memref<125xi32, #tpu.memory_space<vmem>>) semaphore(%arg11 : memref<!tpu.dma_semaphore, #tpu.memory_space<semaphore_mem>>)
      } else {
      }
      %add3A_281 = arith.constant 7 : i32
      %add3A_282 = arith.addi %mul3A_115, %add3A_281 : i32
      %dma_wait3A_283 = arith.constant 0 : i32
      %dma_wait3A_284 = tpu.memref_slice %arg7[%add3A_282, %dma_wait3A_283] : memref<24x125xi32, #tpu.memory_space<vmem>> -> memref<1x125xi32, #tpu.memory_space<vmem>>
      %dma_wait3A_285 = tpu.memref_squeeze %dma_wait3A_284 : memref<1x125xi32, #tpu.memory_space<vmem>> -> memref<125xi32, #tpu.memory_space<vmem>>
      %dma_wait3A_286 = arith.constant 0 : i32
      %dma_wait3A_287 = arith.constant 0 : i32
      %dma_wait3A_288 = tpu.memref_slice %arg2[%dma_wait3A_286, %dma_wait3A_287] : memref<10000x128xf32, #tpu.memory_space<hbm>> -> memref<10000x128xf32, #tpu.memory_space<hbm>>
      tpu.wait_indirect_dma semaphore(%arg12 : memref<!tpu.dma_semaphore, #tpu.memory_space<semaphore_mem>>) src(%dma_wait3A_288 : memref<10000x128xf32, #tpu.memory_space<hbm>>) dst(%arg10 : memref<125x128xf32, #tpu.memory_space<vmem>>)
      %add3A_289 = arith.constant 7 : i32
      %add3A_290 = arith.addi %mul3A_115, %add3A_289 : i32
      "tpu.region"() ({
        %run_scoped3A = tpu.sem_alloc : memref<!tpu.dma_semaphore, #tpu.memory_space<semaphore_mem>>
        %dma_start3A_291 = arith.constant 0 : i32
        %dma_start3A_292 = tpu.memref_slice %arg8[%add3A_290, %dma_start3A_291] : memref<24x125xi32, #tpu.memory_space<vmem>> -> memref<1x125xi32, #tpu.memory_space<vmem>>
        %dma_start3A_293 = tpu.memref_squeeze %dma_start3A_292 : memref<1x125xi32, #tpu.memory_space<vmem>> -> memref<125xi32, #tpu.memory_space<vmem>>
        %dma_start3A_294 = arith.constant 0 : i32
        %dma_start3A_295 = arith.constant 0 : i32
        %dma_start3A_296 = tpu.memref_slice %arg6[%dma_start3A_294, %dma_start3A_295] : memref<10240x128xf32, #tpu.memory_space<vmem_shared>> -> memref<10240x128xf32, #tpu.memory_space<vmem_shared>>
        tpu.enqueue_indirect_dma source(%arg10 : memref<125x128xf32, #tpu.memory_space<vmem>>) target(%dma_start3A_296 : memref<10240x128xf32, #tpu.memory_space<vmem_shared>>) offsets(%dma_start3A_293 : memref<125xi32, #tpu.memory_space<vmem>>) semaphore(%run_scoped3A : memref<!tpu.dma_semaphore, #tpu.memory_space<semaphore_mem>>) {add = true}
        %dma_wait3A_297 = arith.constant 0 : i32
        %dma_wait3A_298 = tpu.memref_slice %arg8[%add3A_290, %dma_wait3A_297] : memref<24x125xi32, #tpu.memory_space<vmem>> -> memref<1x125xi32, #tpu.memory_space<vmem>>
        %dma_wait3A_299 = tpu.memref_squeeze %dma_wait3A_298 : memref<1x125xi32, #tpu.memory_space<vmem>> -> memref<125xi32, #tpu.memory_space<vmem>>
        %dma_wait3A_300 = arith.constant 0 : i32
        %dma_wait3A_301 = arith.constant 0 : i32
        %dma_wait3A_302 = tpu.memref_slice %arg6[%dma_wait3A_300, %dma_wait3A_301] : memref<10240x128xf32, #tpu.memory_space<vmem_shared>> -> memref<10240x128xf32, #tpu.memory_space<vmem_shared>>
        tpu.wait_indirect_dma semaphore(%run_scoped3A : memref<!tpu.dma_semaphore, #tpu.memory_space<semaphore_mem>>) src(%arg10 : memref<125x128xf32, #tpu.memory_space<vmem>>) dst(%dma_wait3A_302 : memref<10240x128xf32, #tpu.memory_space<vmem_shared>>)
        tpu.yield
      }) : () -> ()
    }
    %scan3A_60 = arith.constant 10 : i32
    %barrier3A_61 = arith.constant 0 : index
    tpu.barrier barrier_id(%barrier3A_61)
    %mul3A_62 = arith.constant 640 : i32
    %mul3A_63 = arith.muli %arg1, %mul3A_62 : i32
    %add3A_64 = arith.constant 0 : i32
    %add3A_65 = arith.addi %mul3A_63, %add3A_64 : i32
    "tpu.region"() ({
      %run_scoped3A = tpu.sem_alloc : memref<!tpu.dma_semaphore, #tpu.memory_space<semaphore_mem>>
      %dma_start3A_102 = arith.constant 0 : i32
      %dma_start3A_103 = tpu.memref_slice %arg5[%arg0, %add3A_65, %dma_start3A_102] : memref<2x10240x128xf32, #tpu.memory_space<hbm>> -> memref<1x64x128xf32, #tpu.memory_space<hbm>>
      %dma_start3A_104 = tpu.memref_squeeze %dma_start3A_103 : memref<1x64x128xf32, #tpu.memory_space<hbm>> -> memref<64x128xf32, #tpu.memory_space<hbm>>
      %dma_start3A_105 = arith.constant 0 : i32
      %dma_start3A_106 = tpu.memref_slice %arg6[%add3A_65, %dma_start3A_105] : memref<10240x128xf32, #tpu.memory_space<vmem_shared>> -> memref<64x128xf32, #tpu.memory_space<vmem_shared>>
      tpu.enqueue_dma source(%dma_start3A_106 : memref<64x128xf32, #tpu.memory_space<vmem_shared>>) target(%dma_start3A_104 : memref<64x128xf32, #tpu.memory_space<hbm>>) target_semaphore(%run_scoped3A : memref<!tpu.dma_semaphore, #tpu.memory_space<semaphore_mem>>)
      %dma_wait3A = arith.constant 0 : i32
      %dma_wait3A_107 = tpu.memref_slice %arg5[%arg0, %add3A_65, %dma_wait3A] : memref<2x10240x128xf32, #tpu.memory_space<hbm>> -> memref<1x64x128xf32, #tpu.memory_space<hbm>>
      %dma_wait3A_108 = tpu.memref_squeeze %dma_wait3A_107 : memref<1x64x128xf32, #tpu.memory_space<hbm>> -> memref<64x128xf32, #tpu.memory_space<hbm>>
      %dma_wait3A_109 = arith.constant 0 : i32
      %dma_wait3A_110 = tpu.memref_slice %arg6[%add3A_65, %dma_wait3A_109] : memref<10240x128xf32, #tpu.memory_space<vmem_shared>> -> memref<64x128xf32, #tpu.memory_space<vmem_shared>>
      tpu.wait_dma2 semaphore(%run_scoped3A : memref<!tpu.dma_semaphore, #tpu.memory_space<semaphore_mem>>) src(%dma_wait3A_110 : memref<64x128xf32, #tpu.memory_space<vmem_shared>>) dst(%dma_wait3A_108 : memref<64x128xf32, #tpu.memory_space<hbm>>)
      tpu.yield
    }) : () -> ()
    %mul3A_66 = arith.constant 640 : i32
    %mul3A_67 = arith.muli %arg1, %mul3A_66 : i32
    %add3A_68 = arith.constant 64 : i32
    %add3A_69 = arith.addi %mul3A_67, %add3A_68 : i32
    "tpu.region"() ({
      %run_scoped3A = tpu.sem_alloc : memref<!tpu.dma_semaphore, #tpu.memory_space<semaphore_mem>>
      %dma_start3A_102 = arith.constant 0 : i32
      %dma_start3A_103 = tpu.memref_slice %arg5[%arg0, %add3A_69, %dma_start3A_102] : memref<2x10240x128xf32, #tpu.memory_space<hbm>> -> memref<1x64x128xf32, #tpu.memory_space<hbm>>
      %dma_start3A_104 = tpu.memref_squeeze %dma_start3A_103 : memref<1x64x128xf32, #tpu.memory_space<hbm>> -> memref<64x128xf32, #tpu.memory_space<hbm>>
      %dma_start3A_105 = arith.constant 0 : i32
      %dma_start3A_106 = tpu.memref_slice %arg6[%add3A_69, %dma_start3A_105] : memref<10240x128xf32, #tpu.memory_space<vmem_shared>> -> memref<64x128xf32, #tpu.memory_space<vmem_shared>>
      tpu.enqueue_dma source(%dma_start3A_106 : memref<64x128xf32, #tpu.memory_space<vmem_shared>>) target(%dma_start3A_104 : memref<64x128xf32, #tpu.memory_space<hbm>>) target_semaphore(%run_scoped3A : memref<!tpu.dma_semaphore, #tpu.memory_space<semaphore_mem>>)
      %dma_wait3A = arith.constant 0 : i32
      %dma_wait3A_107 = tpu.memref_slice %arg5[%arg0, %add3A_69, %dma_wait3A] : memref<2x10240x128xf32, #tpu.memory_space<hbm>> -> memref<1x64x128xf32, #tpu.memory_space<hbm>>
      %dma_wait3A_108 = tpu.memref_squeeze %dma_wait3A_107 : memref<1x64x128xf32, #tpu.memory_space<hbm>> -> memref<64x128xf32, #tpu.memory_space<hbm>>
      %dma_wait3A_109 = arith.constant 0 : i32
      %dma_wait3A_110 = tpu.memref_slice %arg6[%add3A_69, %dma_wait3A_109] : memref<10240x128xf32, #tpu.memory_space<vmem_shared>> -> memref<64x128xf32, #tpu.memory_space<vmem_shared>>
      tpu.wait_dma2 semaphore(%run_scoped3A : memref<!tpu.dma_semaphore, #tpu.memory_space<semaphore_mem>>) src(%dma_wait3A_110 : memref<64x128xf32, #tpu.memory_space<vmem_shared>>) dst(%dma_wait3A_108 : memref<64x128xf32, #tpu.memory_space<hbm>>)
      tpu.yield
    }) : () -> ()
    %mul3A_70 = arith.constant 640 : i32
    %mul3A_71 = arith.muli %arg1, %mul3A_70 : i32
    %add3A_72 = arith.constant 128 : i32
    %add3A_73 = arith.addi %mul3A_71, %add3A_72 : i32
    "tpu.region"() ({
      %run_scoped3A = tpu.sem_alloc : memref<!tpu.dma_semaphore, #tpu.memory_space<semaphore_mem>>
      %dma_start3A_102 = arith.constant 0 : i32
      %dma_start3A_103 = tpu.memref_slice %arg5[%arg0, %add3A_73, %dma_start3A_102] : memref<2x10240x128xf32, #tpu.memory_space<hbm>> -> memref<1x64x128xf32, #tpu.memory_space<hbm>>
      %dma_start3A_104 = tpu.memref_squeeze %dma_start3A_103 : memref<1x64x128xf32, #tpu.memory_space<hbm>> -> memref<64x128xf32, #tpu.memory_space<hbm>>
      %dma_start3A_105 = arith.constant 0 : i32
      %dma_start3A_106 = tpu.memref_slice %arg6[%add3A_73, %dma_start3A_105] : memref<10240x128xf32, #tpu.memory_space<vmem_shared>> -> memref<64x128xf32, #tpu.memory_space<vmem_shared>>
      tpu.enqueue_dma source(%dma_start3A_106 : memref<64x128xf32, #tpu.memory_space<vmem_shared>>) target(%dma_start3A_104 : memref<64x128xf32, #tpu.memory_space<hbm>>) target_semaphore(%run_scoped3A : memref<!tpu.dma_semaphore, #tpu.memory_space<semaphore_mem>>)
      %dma_wait3A = arith.constant 0 : i32
      %dma_wait3A_107 = tpu.memref_slice %arg5[%arg0, %add3A_73, %dma_wait3A] : memref<2x10240x128xf32, #tpu.memory_space<hbm>> -> memref<1x64x128xf32, #tpu.memory_space<hbm>>
      %dma_wait3A_108 = tpu.memref_squeeze %dma_wait3A_107 : memref<1x64x128xf32, #tpu.memory_space<hbm>> -> memref<64x128xf32, #tpu.memory_space<hbm>>
      %dma_wait3A_109 = arith.constant 0 : i32
      %dma_wait3A_110 = tpu.memref_slice %arg6[%add3A_73, %dma_wait3A_109] : memref<10240x128xf32, #tpu.memory_space<vmem_shared>> -> memref<64x128xf32, #tpu.memory_space<vmem_shared>>
      tpu.wait_dma2 semaphore(%run_scoped3A : memref<!tpu.dma_semaphore, #tpu.memory_space<semaphore_mem>>) src(%dma_wait3A_110 : memref<64x128xf32, #tpu.memory_space<vmem_shared>>) dst(%dma_wait3A_108 : memref<64x128xf32, #tpu.memory_space<hbm>>)
      tpu.yield
    }) : () -> ()
    %mul3A_74 = arith.constant 640 : i32
    %mul3A_75 = arith.muli %arg1, %mul3A_74 : i32
    %add3A_76 = arith.constant 192 : i32
    %add3A_77 = arith.addi %mul3A_75, %add3A_76 : i32
    "tpu.region"() ({
      %run_scoped3A = tpu.sem_alloc : memref<!tpu.dma_semaphore, #tpu.memory_space<semaphore_mem>>
      %dma_start3A_102 = arith.constant 0 : i32
      %dma_start3A_103 = tpu.memref_slice %arg5[%arg0, %add3A_77, %dma_start3A_102] : memref<2x10240x128xf32, #tpu.memory_space<hbm>> -> memref<1x64x128xf32, #tpu.memory_space<hbm>>
      %dma_start3A_104 = tpu.memref_squeeze %dma_start3A_103 : memref<1x64x128xf32, #tpu.memory_space<hbm>> -> memref<64x128xf32, #tpu.memory_space<hbm>>
      %dma_start3A_105 = arith.constant 0 : i32
      %dma_start3A_106 = tpu.memref_slice %arg6[%add3A_77, %dma_start3A_105] : memref<10240x128xf32, #tpu.memory_space<vmem_shared>> -> memref<64x128xf32, #tpu.memory_space<vmem_shared>>
      tpu.enqueue_dma source(%dma_start3A_106 : memref<64x128xf32, #tpu.memory_space<vmem_shared>>) target(%dma_start3A_104 : memref<64x128xf32, #tpu.memory_space<hbm>>) target_semaphore(%run_scoped3A : memref<!tpu.dma_semaphore, #tpu.memory_space<semaphore_mem>>)
      %dma_wait3A = arith.constant 0 : i32
      %dma_wait3A_107 = tpu.memref_slice %arg5[%arg0, %add3A_77, %dma_wait3A] : memref<2x10240x128xf32, #tpu.memory_space<hbm>> -> memref<1x64x128xf32, #tpu.memory_space<hbm>>
      %dma_wait3A_108 = tpu.memref_squeeze %dma_wait3A_107 : memref<1x64x128xf32, #tpu.memory_space<hbm>> -> memref<64x128xf32, #tpu.memory_space<hbm>>
      %dma_wait3A_109 = arith.constant 0 : i32
      %dma_wait3A_110 = tpu.memref_slice %arg6[%add3A_77, %dma_wait3A_109] : memref<10240x128xf32, #tpu.memory_space<vmem_shared>> -> memref<64x128xf32, #tpu.memory_space<vmem_shared>>
      tpu.wait_dma2 semaphore(%run_scoped3A : memref<!tpu.dma_semaphore, #tpu.memory_space<semaphore_mem>>) src(%dma_wait3A_110 : memref<64x128xf32, #tpu.memory_space<vmem_shared>>) dst(%dma_wait3A_108 : memref<64x128xf32, #tpu.memory_space<hbm>>)
      tpu.yield
    }) : () -> ()
    %mul3A_78 = arith.constant 640 : i32
    %mul3A_79 = arith.muli %arg1, %mul3A_78 : i32
    %add3A_80 = arith.constant 256 : i32
    %add3A_81 = arith.addi %mul3A_79, %add3A_80 : i32
    "tpu.region"() ({
      %run_scoped3A = tpu.sem_alloc : memref<!tpu.dma_semaphore, #tpu.memory_space<semaphore_mem>>
      %dma_start3A_102 = arith.constant 0 : i32
      %dma_start3A_103 = tpu.memref_slice %arg5[%arg0, %add3A_81, %dma_start3A_102] : memref<2x10240x128xf32, #tpu.memory_space<hbm>> -> memref<1x64x128xf32, #tpu.memory_space<hbm>>
      %dma_start3A_104 = tpu.memref_squeeze %dma_start3A_103 : memref<1x64x128xf32, #tpu.memory_space<hbm>> -> memref<64x128xf32, #tpu.memory_space<hbm>>
      %dma_start3A_105 = arith.constant 0 : i32
      %dma_start3A_106 = tpu.memref_slice %arg6[%add3A_81, %dma_start3A_105] : memref<10240x128xf32, #tpu.memory_space<vmem_shared>> -> memref<64x128xf32, #tpu.memory_space<vmem_shared>>
      tpu.enqueue_dma source(%dma_start3A_106 : memref<64x128xf32, #tpu.memory_space<vmem_shared>>) target(%dma_start3A_104 : memref<64x128xf32, #tpu.memory_space<hbm>>) target_semaphore(%run_scoped3A : memref<!tpu.dma_semaphore, #tpu.memory_space<semaphore_mem>>)
      %dma_wait3A = arith.constant 0 : i32
      %dma_wait3A_107 = tpu.memref_slice %arg5[%arg0, %add3A_81, %dma_wait3A] : memref<2x10240x128xf32, #tpu.memory_space<hbm>> -> memref<1x64x128xf32, #tpu.memory_space<hbm>>
      %dma_wait3A_108 = tpu.memref_squeeze %dma_wait3A_107 : memref<1x64x128xf32, #tpu.memory_space<hbm>> -> memref<64x128xf32, #tpu.memory_space<hbm>>
      %dma_wait3A_109 = arith.constant 0 : i32
      %dma_wait3A_110 = tpu.memref_slice %arg6[%add3A_81, %dma_wait3A_109] : memref<10240x128xf32, #tpu.memory_space<vmem_shared>> -> memref<64x128xf32, #tpu.memory_space<vmem_shared>>
      tpu.wait_dma2 semaphore(%run_scoped3A : memref<!tpu.dma_semaphore, #tpu.memory_space<semaphore_mem>>) src(%dma_wait3A_110 : memref<64x128xf32, #tpu.memory_space<vmem_shared>>) dst(%dma_wait3A_108 : memref<64x128xf32, #tpu.memory_space<hbm>>)
      tpu.yield
    }) : () -> ()
    %mul3A_82 = arith.constant 640 : i32
    %mul3A_83 = arith.muli %arg1, %mul3A_82 : i32
    %add3A_84 = arith.constant 320 : i32
    %add3A_85 = arith.addi %mul3A_83, %add3A_84 : i32
    "tpu.region"() ({
      %run_scoped3A = tpu.sem_alloc : memref<!tpu.dma_semaphore, #tpu.memory_space<semaphore_mem>>
      %dma_start3A_102 = arith.constant 0 : i32
      %dma_start3A_103 = tpu.memref_slice %arg5[%arg0, %add3A_85, %dma_start3A_102] : memref<2x10240x128xf32, #tpu.memory_space<hbm>> -> memref<1x64x128xf32, #tpu.memory_space<hbm>>
      %dma_start3A_104 = tpu.memref_squeeze %dma_start3A_103 : memref<1x64x128xf32, #tpu.memory_space<hbm>> -> memref<64x128xf32, #tpu.memory_space<hbm>>
      %dma_start3A_105 = arith.constant 0 : i32
      %dma_start3A_106 = tpu.memref_slice %arg6[%add3A_85, %dma_start3A_105] : memref<10240x128xf32, #tpu.memory_space<vmem_shared>> -> memref<64x128xf32, #tpu.memory_space<vmem_shared>>
      tpu.enqueue_dma source(%dma_start3A_106 : memref<64x128xf32, #tpu.memory_space<vmem_shared>>) target(%dma_start3A_104 : memref<64x128xf32, #tpu.memory_space<hbm>>) target_semaphore(%run_scoped3A : memref<!tpu.dma_semaphore, #tpu.memory_space<semaphore_mem>>)
      %dma_wait3A = arith.constant 0 : i32
      %dma_wait3A_107 = tpu.memref_slice %arg5[%arg0, %add3A_85, %dma_wait3A] : memref<2x10240x128xf32, #tpu.memory_space<hbm>> -> memref<1x64x128xf32, #tpu.memory_space<hbm>>
      %dma_wait3A_108 = tpu.memref_squeeze %dma_wait3A_107 : memref<1x64x128xf32, #tpu.memory_space<hbm>> -> memref<64x128xf32, #tpu.memory_space<hbm>>
      %dma_wait3A_109 = arith.constant 0 : i32
      %dma_wait3A_110 = tpu.memref_slice %arg6[%add3A_85, %dma_wait3A_109] : memref<10240x128xf32, #tpu.memory_space<vmem_shared>> -> memref<64x128xf32, #tpu.memory_space<vmem_shared>>
      tpu.wait_dma2 semaphore(%run_scoped3A : memref<!tpu.dma_semaphore, #tpu.memory_space<semaphore_mem>>) src(%dma_wait3A_110 : memref<64x128xf32, #tpu.memory_space<vmem_shared>>) dst(%dma_wait3A_108 : memref<64x128xf32, #tpu.memory_space<hbm>>)
      tpu.yield
    }) : () -> ()
    %mul3A_86 = arith.constant 640 : i32
    %mul3A_87 = arith.muli %arg1, %mul3A_86 : i32
    %add3A_88 = arith.constant 384 : i32
    %add3A_89 = arith.addi %mul3A_87, %add3A_88 : i32
    "tpu.region"() ({
      %run_scoped3A = tpu.sem_alloc : memref<!tpu.dma_semaphore, #tpu.memory_space<semaphore_mem>>
      %dma_start3A_102 = arith.constant 0 : i32
      %dma_start3A_103 = tpu.memref_slice %arg5[%arg0, %add3A_89, %dma_start3A_102] : memref<2x10240x128xf32, #tpu.memory_space<hbm>> -> memref<1x64x128xf32, #tpu.memory_space<hbm>>
      %dma_start3A_104 = tpu.memref_squeeze %dma_start3A_103 : memref<1x64x128xf32, #tpu.memory_space<hbm>> -> memref<64x128xf32, #tpu.memory_space<hbm>>
      %dma_start3A_105 = arith.constant 0 : i32
      %dma_start3A_106 = tpu.memref_slice %arg6[%add3A_89, %dma_start3A_105] : memref<10240x128xf32, #tpu.memory_space<vmem_shared>> -> memref<64x128xf32, #tpu.memory_space<vmem_shared>>
      tpu.enqueue_dma source(%dma_start3A_106 : memref<64x128xf32, #tpu.memory_space<vmem_shared>>) target(%dma_start3A_104 : memref<64x128xf32, #tpu.memory_space<hbm>>) target_semaphore(%run_scoped3A : memref<!tpu.dma_semaphore, #tpu.memory_space<semaphore_mem>>)
      %dma_wait3A = arith.constant 0 : i32
      %dma_wait3A_107 = tpu.memref_slice %arg5[%arg0, %add3A_89, %dma_wait3A] : memref<2x10240x128xf32, #tpu.memory_space<hbm>> -> memref<1x64x128xf32, #tpu.memory_space<hbm>>
      %dma_wait3A_108 = tpu.memref_squeeze %dma_wait3A_107 : memref<1x64x128xf32, #tpu.memory_space<hbm>> -> memref<64x128xf32, #tpu.memory_space<hbm>>
      %dma_wait3A_109 = arith.constant 0 : i32
      %dma_wait3A_110 = tpu.memref_slice %arg6[%add3A_89, %dma_wait3A_109] : memref<10240x128xf32, #tpu.memory_space<vmem_shared>> -> memref<64x128xf32, #tpu.memory_space<vmem_shared>>
      tpu.wait_dma2 semaphore(%run_scoped3A : memref<!tpu.dma_semaphore, #tpu.memory_space<semaphore_mem>>) src(%dma_wait3A_110 : memref<64x128xf32, #tpu.memory_space<vmem_shared>>) dst(%dma_wait3A_108 : memref<64x128xf32, #tpu.memory_space<hbm>>)
      tpu.yield
    }) : () -> ()
    %mul3A_90 = arith.constant 640 : i32
    %mul3A_91 = arith.muli %arg1, %mul3A_90 : i32
    %add3A_92 = arith.constant 448 : i32
    %add3A_93 = arith.addi %mul3A_91, %add3A_92 : i32
    "tpu.region"() ({
      %run_scoped3A = tpu.sem_alloc : memref<!tpu.dma_semaphore, #tpu.memory_space<semaphore_mem>>
      %dma_start3A_102 = arith.constant 0 : i32
      %dma_start3A_103 = tpu.memref_slice %arg5[%arg0, %add3A_93, %dma_start3A_102] : memref<2x10240x128xf32, #tpu.memory_space<hbm>> -> memref<1x64x128xf32, #tpu.memory_space<hbm>>
      %dma_start3A_104 = tpu.memref_squeeze %dma_start3A_103 : memref<1x64x128xf32, #tpu.memory_space<hbm>> -> memref<64x128xf32, #tpu.memory_space<hbm>>
      %dma_start3A_105 = arith.constant 0 : i32
      %dma_start3A_106 = tpu.memref_slice %arg6[%add3A_93, %dma_start3A_105] : memref<10240x128xf32, #tpu.memory_space<vmem_shared>> -> memref<64x128xf32, #tpu.memory_space<vmem_shared>>
      tpu.enqueue_dma source(%dma_start3A_106 : memref<64x128xf32, #tpu.memory_space<vmem_shared>>) target(%dma_start3A_104 : memref<64x128xf32, #tpu.memory_space<hbm>>) target_semaphore(%run_scoped3A : memref<!tpu.dma_semaphore, #tpu.memory_space<semaphore_mem>>)
      %dma_wait3A = arith.constant 0 : i32
      %dma_wait3A_107 = tpu.memref_slice %arg5[%arg0, %add3A_93, %dma_wait3A] : memref<2x10240x128xf32, #tpu.memory_space<hbm>> -> memref<1x64x128xf32, #tpu.memory_space<hbm>>
      %dma_wait3A_108 = tpu.memref_squeeze %dma_wait3A_107 : memref<1x64x128xf32, #tpu.memory_space<hbm>> -> memref<64x128xf32, #tpu.memory_space<hbm>>
      %dma_wait3A_109 = arith.constant 0 : i32
      %dma_wait3A_110 = tpu.memref_slice %arg6[%add3A_93, %dma_wait3A_109] : memref<10240x128xf32, #tpu.memory_space<vmem_shared>> -> memref<64x128xf32, #tpu.memory_space<vmem_shared>>
      tpu.wait_dma2 semaphore(%run_scoped3A : memref<!tpu.dma_semaphore, #tpu.memory_space<semaphore_mem>>) src(%dma_wait3A_110 : memref<64x128xf32, #tpu.memory_space<vmem_shared>>) dst(%dma_wait3A_108 : memref<64x128xf32, #tpu.memory_space<hbm>>)
      tpu.yield
    }) : () -> ()
    %mul3A_94 = arith.constant 640 : i32
    %mul3A_95 = arith.muli %arg1, %mul3A_94 : i32
    %add3A_96 = arith.constant 512 : i32
    %add3A_97 = arith.addi %mul3A_95, %add3A_96 : i32
    "tpu.region"() ({
      %run_scoped3A = tpu.sem_alloc : memref<!tpu.dma_semaphore, #tpu.memory_space<semaphore_mem>>
      %dma_start3A_102 = arith.constant 0 : i32
      %dma_start3A_103 = tpu.memref_slice %arg5[%arg0, %add3A_97, %dma_start3A_102] : memref<2x10240x128xf32, #tpu.memory_space<hbm>> -> memref<1x64x128xf32, #tpu.memory_space<hbm>>
      %dma_start3A_104 = tpu.memref_squeeze %dma_start3A_103 : memref<1x64x128xf32, #tpu.memory_space<hbm>> -> memref<64x128xf32, #tpu.memory_space<hbm>>
      %dma_start3A_105 = arith.constant 0 : i32
      %dma_start3A_106 = tpu.memref_slice %arg6[%add3A_97, %dma_start3A_105] : memref<10240x128xf32, #tpu.memory_space<vmem_shared>> -> memref<64x128xf32, #tpu.memory_space<vmem_shared>>
      tpu.enqueue_dma source(%dma_start3A_106 : memref<64x128xf32, #tpu.memory_space<vmem_shared>>) target(%dma_start3A_104 : memref<64x128xf32, #tpu.memory_space<hbm>>) target_semaphore(%run_scoped3A : memref<!tpu.dma_semaphore, #tpu.memory_space<semaphore_mem>>)
      %dma_wait3A = arith.constant 0 : i32
      %dma_wait3A_107 = tpu.memref_slice %arg5[%arg0, %add3A_97, %dma_wait3A] : memref<2x10240x128xf32, #tpu.memory_space<hbm>> -> memref<1x64x128xf32, #tpu.memory_space<hbm>>
      %dma_wait3A_108 = tpu.memref_squeeze %dma_wait3A_107 : memref<1x64x128xf32, #tpu.memory_space<hbm>> -> memref<64x128xf32, #tpu.memory_space<hbm>>
      %dma_wait3A_109 = arith.constant 0 : i32
      %dma_wait3A_110 = tpu.memref_slice %arg6[%add3A_97, %dma_wait3A_109] : memref<10240x128xf32, #tpu.memory_space<vmem_shared>> -> memref<64x128xf32, #tpu.memory_space<vmem_shared>>
      tpu.wait_dma2 semaphore(%run_scoped3A : memref<!tpu.dma_semaphore, #tpu.memory_space<semaphore_mem>>) src(%dma_wait3A_110 : memref<64x128xf32, #tpu.memory_space<vmem_shared>>) dst(%dma_wait3A_108 : memref<64x128xf32, #tpu.memory_space<hbm>>)
      tpu.yield
    }) : () -> ()
    %mul3A_98 = arith.constant 640 : i32
    %mul3A_99 = arith.muli %arg1, %mul3A_98 : i32
    %add3A_100 = arith.constant 576 : i32
    %add3A_101 = arith.addi %mul3A_99, %add3A_100 : i32
    "tpu.region"() ({
      %run_scoped3A = tpu.sem_alloc : memref<!tpu.dma_semaphore, #tpu.memory_space<semaphore_mem>>
      %dma_start3A_102 = arith.constant 0 : i32
      %dma_start3A_103 = tpu.memref_slice %arg5[%arg0, %add3A_101, %dma_start3A_102] : memref<2x10240x128xf32, #tpu.memory_space<hbm>> -> memref<1x64x128xf32, #tpu.memory_space<hbm>>
      %dma_start3A_104 = tpu.memref_squeeze %dma_start3A_103 : memref<1x64x128xf32, #tpu.memory_space<hbm>> -> memref<64x128xf32, #tpu.memory_space<hbm>>
      %dma_start3A_105 = arith.constant 0 : i32
      %dma_start3A_106 = tpu.memref_slice %arg6[%add3A_101, %dma_start3A_105] : memref<10240x128xf32, #tpu.memory_space<vmem_shared>> -> memref<64x128xf32, #tpu.memory_space<vmem_shared>>
      tpu.enqueue_dma source(%dma_start3A_106 : memref<64x128xf32, #tpu.memory_space<vmem_shared>>) target(%dma_start3A_104 : memref<64x128xf32, #tpu.memory_space<hbm>>) target_semaphore(%run_scoped3A : memref<!tpu.dma_semaphore, #tpu.memory_space<semaphore_mem>>)
      %dma_wait3A = arith.constant 0 : i32
      %dma_wait3A_107 = tpu.memref_slice %arg5[%arg0, %add3A_101, %dma_wait3A] : memref<2x10240x128xf32, #tpu.memory_space<hbm>> -> memref<1x64x128xf32, #tpu.memory_space<hbm>>
      %dma_wait3A_108 = tpu.memref_squeeze %dma_wait3A_107 : memref<1x64x128xf32, #tpu.memory_space<hbm>> -> memref<64x128xf32, #tpu.memory_space<hbm>>
      %dma_wait3A_109 = arith.constant 0 : i32
      %dma_wait3A_110 = tpu.memref_slice %arg6[%add3A_101, %dma_wait3A_109] : memref<10240x128xf32, #tpu.memory_space<vmem_shared>> -> memref<64x128xf32, #tpu.memory_space<vmem_shared>>
      tpu.wait_dma2 semaphore(%run_scoped3A : memref<!tpu.dma_semaphore, #tpu.memory_space<semaphore_mem>>) src(%dma_wait3A_110 : memref<64x128xf32, #tpu.memory_space<vmem_shared>>) dst(%dma_wait3A_108 : memref<64x128xf32, #tpu.memory_space<hbm>>)
      tpu.yield
    }) : () -> ()
    return
  }
}

#map = affine_map<(d0, d1) -> (0, 0)>
#map1 = affine_map<(d0, d1) -> (0, 0, 0)>
module attributes {stable_mosaic.version = 14 : i64} {
  func.func @_sc_deg_body(%arg0: i32, %arg1: i32, %arg2: memref<2560x125xi32, #tpu.memory_space<hbm>>, %arg3: memref<2x10240x16xf32, #tpu.memory_space<hbm>>, %arg4: memref<10240x16xf32, #tpu.memory_space<vmem_shared>>, %arg5: memref<80x125xi32, #tpu.memory_space<vmem>>, %arg6: memref<125x16xf32, #tpu.memory_space<vmem>>, %arg7: memref<64x16xf32, #tpu.memory_space<vmem>>) attributes {dimension_semantics = [#tpu.dimension_semantics<core_parallel>, #tpu.dimension_semantics<subcore_parallel>], iteration_bounds = array<i64: 2, 16>, scalar_prefetch = 0 : i64, scratch_operands = 4 : i64, tpu.core_type = #tpu.core_type<sc_vector_subcore>, window_params = [{transform_indices = #map}, {transform_indices = #map1}]} {
    %mul3A = arith.constant 2 : i32
    %mul3A_0 = arith.muli %arg1, %mul3A : i32
    %add3A = arith.addi %mul3A_0, %arg0 : i32
    %iota3A = tpu.iota {dimensions = array<i32: 0>} : vector<16xi32>
    %eq3A = arith.constant 0 : i32
    %eq3A_1 = vector.broadcast %eq3A : i32 to vector<16xi32>
    %eq3A_2 = arith.cmpi eq, %iota3A, %eq3A_1 : vector<16xi32>
    %jit3A = arith.constant 1.000000e+00 : f32
    %jit3A_3 = arith.constant 0.000000e+00 : f32
    %broadcast_in_dim3A = vector.broadcast %jit3A : f32 to vector<16xf32>
    %broadcast_in_dim3A_4 = vector.broadcast %jit3A_3 : f32 to vector<16xf32>
    %select_n3A = arith.select %eq3A_2, %broadcast_in_dim3A, %broadcast_in_dim3A_4 : vector<16xi1>, vector<16xf32>
    %broadcast_in_dim3A_5 = arith.constant 0.000000e+00 : f32
    %broadcast_in_dim3A_6 = vector.broadcast %broadcast_in_dim3A_5 : f32 to vector<16xf32>
    %scan3A = arith.constant 0 : i32
    %scan3A_7 = arith.constant 125 : i32
    %scan3A_8 = arith.addi %scan3A, %scan3A_7 : i32
    %scan3A_9 = arith.constant 1 : i32
    scf.for %scan3A_104 = %scan3A to %scan3A_8 step %scan3A_9  : i32 {
      %swap3A = arith.index_cast %scan3A_104 : i32 to index
      %swap3A_105 = arith.constant 0 : index
      %swap3A_106 = tpu.vector_load %arg6[%swap3A, %swap3A_105] {strides = array<i32>} : memref<125x16xf32, #tpu.memory_space<vmem>>, vector<1x16xf32>,
      %swap3A_107 = vector.shape_cast %swap3A_106 : vector<1x16xf32> to vector<16xf32>
      %swap3A_108 = vector.shape_cast %select_n3A : vector<16xf32> to vector<1x16xf32>
      tpu.vector_store %arg6[%swap3A, %swap3A_105], %swap3A_108 {strides = array<i32>} : memref<125x16xf32, #tpu.memory_space<vmem>>, vector<1x16xf32>,
    }
    %scan3A_10 = arith.constant 125 : i32
    %scan3A_11 = arith.constant 0 : i32
    %scan3A_12 = arith.constant 64 : i32
    %scan3A_13 = arith.addi %scan3A_11, %scan3A_12 : i32
    %scan3A_14 = arith.constant 1 : i32
    scf.for %scan3A_104 = %scan3A_11 to %scan3A_13 step %scan3A_14  : i32 {
      %swap3A = arith.index_cast %scan3A_104 : i32 to index
      %swap3A_105 = arith.constant 0 : index
      %swap3A_106 = tpu.vector_load %arg7[%swap3A, %swap3A_105] {strides = array<i32>} : memref<64x16xf32, #tpu.memory_space<vmem>>, vector<1x16xf32>,
      %swap3A_107 = vector.shape_cast %swap3A_106 : vector<1x16xf32> to vector<16xf32>
      %swap3A_108 = vector.shape_cast %broadcast_in_dim3A_6 : vector<16xf32> to vector<1x16xf32>
      tpu.vector_store %arg7[%swap3A, %swap3A_105], %swap3A_108 {strides = array<i32>} : memref<64x16xf32, #tpu.memory_space<vmem>>, vector<1x16xf32>,
    }
    %scan3A_15 = arith.constant 64 : i32
    %mul3A_16 = arith.constant 640 : i32
    %mul3A_17 = arith.muli %arg1, %mul3A_16 : i32
    %add3A_18 = arith.constant 0 : i32
    %add3A_19 = arith.addi %mul3A_17, %add3A_18 : i32
    "tpu.region"() ({
      %run_scoped3A = tpu.sem_alloc : memref<!tpu.dma_semaphore, #tpu.memory_space<semaphore_mem>>
      %dma_start3A = arith.constant 0 : i32
      %dma_start3A_104 = tpu.memref_slice %arg4[%add3A_19, %dma_start3A] : memref<10240x16xf32, #tpu.memory_space<vmem_shared>> -> memref<64x16xf32, #tpu.memory_space<vmem_shared>>
      %dma_start3A_105 = arith.constant 0 : i32
      %dma_start3A_106 = tpu.memref_slice %arg4[%add3A_19, %dma_start3A_105] : memref<10240x16xf32, #tpu.memory_space<vmem_shared>> -> memref<64x16xf32, #tpu.memory_space<vmem_shared>>
      tpu.enqueue_dma source(%arg7 : memref<64x16xf32, #tpu.memory_space<vmem>>) target(%dma_start3A_106 : memref<64x16xf32, #tpu.memory_space<vmem_shared>>) target_semaphore(%run_scoped3A : memref<!tpu.dma_semaphore, #tpu.memory_space<semaphore_mem>>)
      %dma_wait3A = arith.constant 0 : i32
      %dma_wait3A_107 = tpu.memref_slice %arg4[%add3A_19, %dma_wait3A] : memref<10240x16xf32, #tpu.memory_space<vmem_shared>> -> memref<64x16xf32, #tpu.memory_space<vmem_shared>>
      %dma_wait3A_108 = arith.constant 0 : i32
      %dma_wait3A_109 = tpu.memref_slice %arg4[%add3A_19, %dma_wait3A_108] : memref<10240x16xf32, #tpu.memory_space<vmem_shared>> -> memref<64x16xf32, #tpu.memory_space<vmem_shared>>
      tpu.wait_dma2 semaphore(%run_scoped3A : memref<!tpu.dma_semaphore, #tpu.memory_space<semaphore_mem>>) src(%arg7 : memref<64x16xf32, #tpu.memory_space<vmem>>) dst(%dma_wait3A_109 : memref<64x16xf32, #tpu.memory_space<vmem_shared>>)
      tpu.yield
    }) : () -> ()
    %mul3A_20 = arith.constant 640 : i32
    %mul3A_21 = arith.muli %arg1, %mul3A_20 : i32
    %add3A_22 = arith.constant 64 : i32
    %add3A_23 = arith.addi %mul3A_21, %add3A_22 : i32
    "tpu.region"() ({
      %run_scoped3A = tpu.sem_alloc : memref<!tpu.dma_semaphore, #tpu.memory_space<semaphore_mem>>
      %dma_start3A = arith.constant 0 : i32
      %dma_start3A_104 = tpu.memref_slice %arg4[%add3A_23, %dma_start3A] : memref<10240x16xf32, #tpu.memory_space<vmem_shared>> -> memref<64x16xf32, #tpu.memory_space<vmem_shared>>
      %dma_start3A_105 = arith.constant 0 : i32
      %dma_start3A_106 = tpu.memref_slice %arg4[%add3A_23, %dma_start3A_105] : memref<10240x16xf32, #tpu.memory_space<vmem_shared>> -> memref<64x16xf32, #tpu.memory_space<vmem_shared>>
      tpu.enqueue_dma source(%arg7 : memref<64x16xf32, #tpu.memory_space<vmem>>) target(%dma_start3A_106 : memref<64x16xf32, #tpu.memory_space<vmem_shared>>) target_semaphore(%run_scoped3A : memref<!tpu.dma_semaphore, #tpu.memory_space<semaphore_mem>>)
      %dma_wait3A = arith.constant 0 : i32
      %dma_wait3A_107 = tpu.memref_slice %arg4[%add3A_23, %dma_wait3A] : memref<10240x16xf32, #tpu.memory_space<vmem_shared>> -> memref<64x16xf32, #tpu.memory_space<vmem_shared>>
      %dma_wait3A_108 = arith.constant 0 : i32
      %dma_wait3A_109 = tpu.memref_slice %arg4[%add3A_23, %dma_wait3A_108] : memref<10240x16xf32, #tpu.memory_space<vmem_shared>> -> memref<64x16xf32, #tpu.memory_space<vmem_shared>>
      tpu.wait_dma2 semaphore(%run_scoped3A : memref<!tpu.dma_semaphore, #tpu.memory_space<semaphore_mem>>) src(%arg7 : memref<64x16xf32, #tpu.memory_space<vmem>>) dst(%dma_wait3A_109 : memref<64x16xf32, #tpu.memory_space<vmem_shared>>)
      tpu.yield
    }) : () -> ()
    %mul3A_24 = arith.constant 640 : i32
    %mul3A_25 = arith.muli %arg1, %mul3A_24 : i32
    %add3A_26 = arith.constant 128 : i32
    %add3A_27 = arith.addi %mul3A_25, %add3A_26 : i32
    "tpu.region"() ({
      %run_scoped3A = tpu.sem_alloc : memref<!tpu.dma_semaphore, #tpu.memory_space<semaphore_mem>>
      %dma_start3A = arith.constant 0 : i32
      %dma_start3A_104 = tpu.memref_slice %arg4[%add3A_27, %dma_start3A] : memref<10240x16xf32, #tpu.memory_space<vmem_shared>> -> memref<64x16xf32, #tpu.memory_space<vmem_shared>>
      %dma_start3A_105 = arith.constant 0 : i32
      %dma_start3A_106 = tpu.memref_slice %arg4[%add3A_27, %dma_start3A_105] : memref<10240x16xf32, #tpu.memory_space<vmem_shared>> -> memref<64x16xf32, #tpu.memory_space<vmem_shared>>
      tpu.enqueue_dma source(%arg7 : memref<64x16xf32, #tpu.memory_space<vmem>>) target(%dma_start3A_106 : memref<64x16xf32, #tpu.memory_space<vmem_shared>>) target_semaphore(%run_scoped3A : memref<!tpu.dma_semaphore, #tpu.memory_space<semaphore_mem>>)
      %dma_wait3A = arith.constant 0 : i32
      %dma_wait3A_107 = tpu.memref_slice %arg4[%add3A_27, %dma_wait3A] : memref<10240x16xf32, #tpu.memory_space<vmem_shared>> -> memref<64x16xf32, #tpu.memory_space<vmem_shared>>
      %dma_wait3A_108 = arith.constant 0 : i32
      %dma_wait3A_109 = tpu.memref_slice %arg4[%add3A_27, %dma_wait3A_108] : memref<10240x16xf32, #tpu.memory_space<vmem_shared>> -> memref<64x16xf32, #tpu.memory_space<vmem_shared>>
      tpu.wait_dma2 semaphore(%run_scoped3A : memref<!tpu.dma_semaphore, #tpu.memory_space<semaphore_mem>>) src(%arg7 : memref<64x16xf32, #tpu.memory_space<vmem>>) dst(%dma_wait3A_109 : memref<64x16xf32, #tpu.memory_space<vmem_shared>>)
      tpu.yield
    }) : () -> ()
    %mul3A_28 = arith.constant 640 : i32
    %mul3A_29 = arith.muli %arg1, %mul3A_28 : i32
    %add3A_30 = arith.constant 192 : i32
    %add3A_31 = arith.addi %mul3A_29, %add3A_30 : i32
    "tpu.region"() ({
      %run_scoped3A = tpu.sem_alloc : memref<!tpu.dma_semaphore, #tpu.memory_space<semaphore_mem>>
      %dma_start3A = arith.constant 0 : i32
      %dma_start3A_104 = tpu.memref_slice %arg4[%add3A_31, %dma_start3A] : memref<10240x16xf32, #tpu.memory_space<vmem_shared>> -> memref<64x16xf32, #tpu.memory_space<vmem_shared>>
      %dma_start3A_105 = arith.constant 0 : i32
      %dma_start3A_106 = tpu.memref_slice %arg4[%add3A_31, %dma_start3A_105] : memref<10240x16xf32, #tpu.memory_space<vmem_shared>> -> memref<64x16xf32, #tpu.memory_space<vmem_shared>>
      tpu.enqueue_dma source(%arg7 : memref<64x16xf32, #tpu.memory_space<vmem>>) target(%dma_start3A_106 : memref<64x16xf32, #tpu.memory_space<vmem_shared>>) target_semaphore(%run_scoped3A : memref<!tpu.dma_semaphore, #tpu.memory_space<semaphore_mem>>)
      %dma_wait3A = arith.constant 0 : i32
      %dma_wait3A_107 = tpu.memref_slice %arg4[%add3A_31, %dma_wait3A] : memref<10240x16xf32, #tpu.memory_space<vmem_shared>> -> memref<64x16xf32, #tpu.memory_space<vmem_shared>>
      %dma_wait3A_108 = arith.constant 0 : i32
      %dma_wait3A_109 = tpu.memref_slice %arg4[%add3A_31, %dma_wait3A_108] : memref<10240x16xf32, #tpu.memory_space<vmem_shared>> -> memref<64x16xf32, #tpu.memory_space<vmem_shared>>
      tpu.wait_dma2 semaphore(%run_scoped3A : memref<!tpu.dma_semaphore, #tpu.memory_space<semaphore_mem>>) src(%arg7 : memref<64x16xf32, #tpu.memory_space<vmem>>) dst(%dma_wait3A_109 : memref<64x16xf32, #tpu.memory_space<vmem_shared>>)
      tpu.yield
    }) : () -> ()
    %mul3A_32 = arith.constant 640 : i32
    %mul3A_33 = arith.muli %arg1, %mul3A_32 : i32
    %add3A_34 = arith.constant 256 : i32
    %add3A_35 = arith.addi %mul3A_33, %add3A_34 : i32
    "tpu.region"() ({
      %run_scoped3A = tpu.sem_alloc : memref<!tpu.dma_semaphore, #tpu.memory_space<semaphore_mem>>
      %dma_start3A = arith.constant 0 : i32
      %dma_start3A_104 = tpu.memref_slice %arg4[%add3A_35, %dma_start3A] : memref<10240x16xf32, #tpu.memory_space<vmem_shared>> -> memref<64x16xf32, #tpu.memory_space<vmem_shared>>
      %dma_start3A_105 = arith.constant 0 : i32
      %dma_start3A_106 = tpu.memref_slice %arg4[%add3A_35, %dma_start3A_105] : memref<10240x16xf32, #tpu.memory_space<vmem_shared>> -> memref<64x16xf32, #tpu.memory_space<vmem_shared>>
      tpu.enqueue_dma source(%arg7 : memref<64x16xf32, #tpu.memory_space<vmem>>) target(%dma_start3A_106 : memref<64x16xf32, #tpu.memory_space<vmem_shared>>) target_semaphore(%run_scoped3A : memref<!tpu.dma_semaphore, #tpu.memory_space<semaphore_mem>>)
      %dma_wait3A = arith.constant 0 : i32
      %dma_wait3A_107 = tpu.memref_slice %arg4[%add3A_35, %dma_wait3A] : memref<10240x16xf32, #tpu.memory_space<vmem_shared>> -> memref<64x16xf32, #tpu.memory_space<vmem_shared>>
      %dma_wait3A_108 = arith.constant 0 : i32
      %dma_wait3A_109 = tpu.memref_slice %arg4[%add3A_35, %dma_wait3A_108] : memref<10240x16xf32, #tpu.memory_space<vmem_shared>> -> memref<64x16xf32, #tpu.memory_space<vmem_shared>>
      tpu.wait_dma2 semaphore(%run_scoped3A : memref<!tpu.dma_semaphore, #tpu.memory_space<semaphore_mem>>) src(%arg7 : memref<64x16xf32, #tpu.memory_space<vmem>>) dst(%dma_wait3A_109 : memref<64x16xf32, #tpu.memory_space<vmem_shared>>)
      tpu.yield
    }) : () -> ()
    %mul3A_36 = arith.constant 640 : i32
    %mul3A_37 = arith.muli %arg1, %mul3A_36 : i32
    %add3A_38 = arith.constant 320 : i32
    %add3A_39 = arith.addi %mul3A_37, %add3A_38 : i32
    "tpu.region"() ({
      %run_scoped3A = tpu.sem_alloc : memref<!tpu.dma_semaphore, #tpu.memory_space<semaphore_mem>>
      %dma_start3A = arith.constant 0 : i32
      %dma_start3A_104 = tpu.memref_slice %arg4[%add3A_39, %dma_start3A] : memref<10240x16xf32, #tpu.memory_space<vmem_shared>> -> memref<64x16xf32, #tpu.memory_space<vmem_shared>>
      %dma_start3A_105 = arith.constant 0 : i32
      %dma_start3A_106 = tpu.memref_slice %arg4[%add3A_39, %dma_start3A_105] : memref<10240x16xf32, #tpu.memory_space<vmem_shared>> -> memref<64x16xf32, #tpu.memory_space<vmem_shared>>
      tpu.enqueue_dma source(%arg7 : memref<64x16xf32, #tpu.memory_space<vmem>>) target(%dma_start3A_106 : memref<64x16xf32, #tpu.memory_space<vmem_shared>>) target_semaphore(%run_scoped3A : memref<!tpu.dma_semaphore, #tpu.memory_space<semaphore_mem>>)
      %dma_wait3A = arith.constant 0 : i32
      %dma_wait3A_107 = tpu.memref_slice %arg4[%add3A_39, %dma_wait3A] : memref<10240x16xf32, #tpu.memory_space<vmem_shared>> -> memref<64x16xf32, #tpu.memory_space<vmem_shared>>
      %dma_wait3A_108 = arith.constant 0 : i32
      %dma_wait3A_109 = tpu.memref_slice %arg4[%add3A_39, %dma_wait3A_108] : memref<10240x16xf32, #tpu.memory_space<vmem_shared>> -> memref<64x16xf32, #tpu.memory_space<vmem_shared>>
      tpu.wait_dma2 semaphore(%run_scoped3A : memref<!tpu.dma_semaphore, #tpu.memory_space<semaphore_mem>>) src(%arg7 : memref<64x16xf32, #tpu.memory_space<vmem>>) dst(%dma_wait3A_109 : memref<64x16xf32, #tpu.memory_space<vmem_shared>>)
      tpu.yield
    }) : () -> ()
    %mul3A_40 = arith.constant 640 : i32
    %mul3A_41 = arith.muli %arg1, %mul3A_40 : i32
    %add3A_42 = arith.constant 384 : i32
    %add3A_43 = arith.addi %mul3A_41, %add3A_42 : i32
    "tpu.region"() ({
      %run_scoped3A = tpu.sem_alloc : memref<!tpu.dma_semaphore, #tpu.memory_space<semaphore_mem>>
      %dma_start3A = arith.constant 0 : i32
      %dma_start3A_104 = tpu.memref_slice %arg4[%add3A_43, %dma_start3A] : memref<10240x16xf32, #tpu.memory_space<vmem_shared>> -> memref<64x16xf32, #tpu.memory_space<vmem_shared>>
      %dma_start3A_105 = arith.constant 0 : i32
      %dma_start3A_106 = tpu.memref_slice %arg4[%add3A_43, %dma_start3A_105] : memref<10240x16xf32, #tpu.memory_space<vmem_shared>> -> memref<64x16xf32, #tpu.memory_space<vmem_shared>>
      tpu.enqueue_dma source(%arg7 : memref<64x16xf32, #tpu.memory_space<vmem>>) target(%dma_start3A_106 : memref<64x16xf32, #tpu.memory_space<vmem_shared>>) target_semaphore(%run_scoped3A : memref<!tpu.dma_semaphore, #tpu.memory_space<semaphore_mem>>)
      %dma_wait3A = arith.constant 0 : i32
      %dma_wait3A_107 = tpu.memref_slice %arg4[%add3A_43, %dma_wait3A] : memref<10240x16xf32, #tpu.memory_space<vmem_shared>> -> memref<64x16xf32, #tpu.memory_space<vmem_shared>>
      %dma_wait3A_108 = arith.constant 0 : i32
      %dma_wait3A_109 = tpu.memref_slice %arg4[%add3A_43, %dma_wait3A_108] : memref<10240x16xf32, #tpu.memory_space<vmem_shared>> -> memref<64x16xf32, #tpu.memory_space<vmem_shared>>
      tpu.wait_dma2 semaphore(%run_scoped3A : memref<!tpu.dma_semaphore, #tpu.memory_space<semaphore_mem>>) src(%arg7 : memref<64x16xf32, #tpu.memory_space<vmem>>) dst(%dma_wait3A_109 : memref<64x16xf32, #tpu.memory_space<vmem_shared>>)
      tpu.yield
    }) : () -> ()
    %mul3A_44 = arith.constant 640 : i32
    %mul3A_45 = arith.muli %arg1, %mul3A_44 : i32
    %add3A_46 = arith.constant 448 : i32
    %add3A_47 = arith.addi %mul3A_45, %add3A_46 : i32
    "tpu.region"() ({
      %run_scoped3A = tpu.sem_alloc : memref<!tpu.dma_semaphore, #tpu.memory_space<semaphore_mem>>
      %dma_start3A = arith.constant 0 : i32
      %dma_start3A_104 = tpu.memref_slice %arg4[%add3A_47, %dma_start3A] : memref<10240x16xf32, #tpu.memory_space<vmem_shared>> -> memref<64x16xf32, #tpu.memory_space<vmem_shared>>
      %dma_start3A_105 = arith.constant 0 : i32
      %dma_start3A_106 = tpu.memref_slice %arg4[%add3A_47, %dma_start3A_105] : memref<10240x16xf32, #tpu.memory_space<vmem_shared>> -> memref<64x16xf32, #tpu.memory_space<vmem_shared>>
      tpu.enqueue_dma source(%arg7 : memref<64x16xf32, #tpu.memory_space<vmem>>) target(%dma_start3A_106 : memref<64x16xf32, #tpu.memory_space<vmem_shared>>) target_semaphore(%run_scoped3A : memref<!tpu.dma_semaphore, #tpu.memory_space<semaphore_mem>>)
      %dma_wait3A = arith.constant 0 : i32
      %dma_wait3A_107 = tpu.memref_slice %arg4[%add3A_47, %dma_wait3A] : memref<10240x16xf32, #tpu.memory_space<vmem_shared>> -> memref<64x16xf32, #tpu.memory_space<vmem_shared>>
      %dma_wait3A_108 = arith.constant 0 : i32
      %dma_wait3A_109 = tpu.memref_slice %arg4[%add3A_47, %dma_wait3A_108] : memref<10240x16xf32, #tpu.memory_space<vmem_shared>> -> memref<64x16xf32, #tpu.memory_space<vmem_shared>>
      tpu.wait_dma2 semaphore(%run_scoped3A : memref<!tpu.dma_semaphore, #tpu.memory_space<semaphore_mem>>) src(%arg7 : memref<64x16xf32, #tpu.memory_space<vmem>>) dst(%dma_wait3A_109 : memref<64x16xf32, #tpu.memory_space<vmem_shared>>)
      tpu.yield
    }) : () -> ()
    %mul3A_48 = arith.constant 640 : i32
    %mul3A_49 = arith.muli %arg1, %mul3A_48 : i32
    %add3A_50 = arith.constant 512 : i32
    %add3A_51 = arith.addi %mul3A_49, %add3A_50 : i32
    "tpu.region"() ({
      %run_scoped3A = tpu.sem_alloc : memref<!tpu.dma_semaphore, #tpu.memory_space<semaphore_mem>>
      %dma_start3A = arith.constant 0 : i32
      %dma_start3A_104 = tpu.memref_slice %arg4[%add3A_51, %dma_start3A] : memref<10240x16xf32, #tpu.memory_space<vmem_shared>> -> memref<64x16xf32, #tpu.memory_space<vmem_shared>>
      %dma_start3A_105 = arith.constant 0 : i32
      %dma_start3A_106 = tpu.memref_slice %arg4[%add3A_51, %dma_start3A_105] : memref<10240x16xf32, #tpu.memory_space<vmem_shared>> -> memref<64x16xf32, #tpu.memory_space<vmem_shared>>
      tpu.enqueue_dma source(%arg7 : memref<64x16xf32, #tpu.memory_space<vmem>>) target(%dma_start3A_106 : memref<64x16xf32, #tpu.memory_space<vmem_shared>>) target_semaphore(%run_scoped3A : memref<!tpu.dma_semaphore, #tpu.memory_space<semaphore_mem>>)
      %dma_wait3A = arith.constant 0 : i32
      %dma_wait3A_107 = tpu.memref_slice %arg4[%add3A_51, %dma_wait3A] : memref<10240x16xf32, #tpu.memory_space<vmem_shared>> -> memref<64x16xf32, #tpu.memory_space<vmem_shared>>
      %dma_wait3A_108 = arith.constant 0 : i32
      %dma_wait3A_109 = tpu.memref_slice %arg4[%add3A_51, %dma_wait3A_108] : memref<10240x16xf32, #tpu.memory_space<vmem_shared>> -> memref<64x16xf32, #tpu.memory_space<vmem_shared>>
      tpu.wait_dma2 semaphore(%run_scoped3A : memref<!tpu.dma_semaphore, #tpu.memory_space<semaphore_mem>>) src(%arg7 : memref<64x16xf32, #tpu.memory_space<vmem>>) dst(%dma_wait3A_109 : memref<64x16xf32, #tpu.memory_space<vmem_shared>>)
      tpu.yield
    }) : () -> ()
    %mul3A_52 = arith.constant 640 : i32
    %mul3A_53 = arith.muli %arg1, %mul3A_52 : i32
    %add3A_54 = arith.constant 576 : i32
    %add3A_55 = arith.addi %mul3A_53, %add3A_54 : i32
    "tpu.region"() ({
      %run_scoped3A = tpu.sem_alloc : memref<!tpu.dma_semaphore, #tpu.memory_space<semaphore_mem>>
      %dma_start3A = arith.constant 0 : i32
      %dma_start3A_104 = tpu.memref_slice %arg4[%add3A_55, %dma_start3A] : memref<10240x16xf32, #tpu.memory_space<vmem_shared>> -> memref<64x16xf32, #tpu.memory_space<vmem_shared>>
      %dma_start3A_105 = arith.constant 0 : i32
      %dma_start3A_106 = tpu.memref_slice %arg4[%add3A_55, %dma_start3A_105] : memref<10240x16xf32, #tpu.memory_space<vmem_shared>> -> memref<64x16xf32, #tpu.memory_space<vmem_shared>>
      tpu.enqueue_dma source(%arg7 : memref<64x16xf32, #tpu.memory_space<vmem>>) target(%dma_start3A_106 : memref<64x16xf32, #tpu.memory_space<vmem_shared>>) target_semaphore(%run_scoped3A : memref<!tpu.dma_semaphore, #tpu.memory_space<semaphore_mem>>)
      %dma_wait3A = arith.constant 0 : i32
      %dma_wait3A_107 = tpu.memref_slice %arg4[%add3A_55, %dma_wait3A] : memref<10240x16xf32, #tpu.memory_space<vmem_shared>> -> memref<64x16xf32, #tpu.memory_space<vmem_shared>>
      %dma_wait3A_108 = arith.constant 0 : i32
      %dma_wait3A_109 = tpu.memref_slice %arg4[%add3A_55, %dma_wait3A_108] : memref<10240x16xf32, #tpu.memory_space<vmem_shared>> -> memref<64x16xf32, #tpu.memory_space<vmem_shared>>
      tpu.wait_dma2 semaphore(%run_scoped3A : memref<!tpu.dma_semaphore, #tpu.memory_space<semaphore_mem>>) src(%arg7 : memref<64x16xf32, #tpu.memory_space<vmem>>) dst(%dma_wait3A_109 : memref<64x16xf32, #tpu.memory_space<vmem_shared>>)
      tpu.yield
    }) : () -> ()
    %barrier3A = arith.constant 0 : index
    tpu.barrier barrier_id(%barrier3A)
    %mul3A_56 = arith.constant 80 : i32
    %mul3A_57 = arith.muli %add3A, %mul3A_56 : i32
    "tpu.region"() ({
      %run_scoped3A = tpu.sem_alloc : memref<!tpu.dma_semaphore, #tpu.memory_space<semaphore_mem>>
      %dma_start3A = arith.constant 0 : i32
      %dma_start3A_104 = tpu.memref_slice %arg2[%mul3A_57, %dma_start3A] : memref<2560x125xi32, #tpu.memory_space<hbm>> -> memref<80x125xi32, #tpu.memory_space<hbm>>
      %dma_start3A_105 = arith.constant 0 : i32
      %dma_start3A_106 = tpu.memref_slice %arg2[%mul3A_57, %dma_start3A_105] : memref<2560x125xi32, #tpu.memory_space<hbm>> -> memref<80x125xi32, #tpu.memory_space<hbm>>
      tpu.enqueue_dma source(%dma_start3A_106 : memref<80x125xi32, #tpu.memory_space<hbm>>) target(%arg5 : memref<80x125xi32, #tpu.memory_space<vmem>>) target_semaphore(%run_scoped3A : memref<!tpu.dma_semaphore, #tpu.memory_space<semaphore_mem>>)
      %dma_wait3A = arith.constant 0 : i32
      %dma_wait3A_107 = tpu.memref_slice %arg2[%mul3A_57, %dma_wait3A] : memref<2560x125xi32, #tpu.memory_space<hbm>> -> memref<80x125xi32, #tpu.memory_space<hbm>>
      %dma_wait3A_108 = arith.constant 0 : i32
      %dma_wait3A_109 = tpu.memref_slice %arg2[%mul3A_57, %dma_wait3A_108] : memref<2560x125xi32, #tpu.memory_space<hbm>> -> memref<80x125xi32, #tpu.memory_space<hbm>>
      tpu.wait_dma2 semaphore(%run_scoped3A : memref<!tpu.dma_semaphore, #tpu.memory_space<semaphore_mem>>) src(%dma_wait3A_109 : memref<80x125xi32, #tpu.memory_space<hbm>>) dst(%arg5 : memref<80x125xi32, #tpu.memory_space<vmem>>)
      tpu.yield
    }) : () -> ()
    %scan3A_58 = arith.constant 0 : i32
    %scan3A_59 = arith.constant 80 : i32
    %scan3A_60 = arith.addi %scan3A_58, %scan3A_59 : i32
    %scan3A_61 = arith.constant 1 : i32
    scf.for %scan3A_104 = %scan3A_58 to %scan3A_60 step %scan3A_61  : i32 {
      "tpu.region"() ({
        %run_scoped3A = tpu.sem_alloc : memref<!tpu.dma_semaphore, #tpu.memory_space<semaphore_mem>>
        %dma_start3A = arith.constant 0 : i32
        %dma_start3A_105 = tpu.memref_slice %arg5[%scan3A_104, %dma_start3A] : memref<80x125xi32, #tpu.memory_space<vmem>> -> memref<1x125xi32, #tpu.memory_space<vmem>>
        %dma_start3A_106 = tpu.memref_squeeze %dma_start3A_105 : memref<1x125xi32, #tpu.memory_space<vmem>> -> memref<125xi32, #tpu.memory_space<vmem>>
        %dma_start3A_107 = arith.constant 0 : i32
        %dma_start3A_108 = arith.constant 0 : i32
        %dma_start3A_109 = tpu.memref_slice %arg4[%dma_start3A_107, %dma_start3A_108] : memref<10240x16xf32, #tpu.memory_space<vmem_shared>> -> memref<10240x16xf32, #tpu.memory_space<vmem_shared>>
        tpu.enqueue_indirect_dma source(%arg6 : memref<125x16xf32, #tpu.memory_space<vmem>>) target(%dma_start3A_109 : memref<10240x16xf32, #tpu.memory_space<vmem_shared>>) offsets(%dma_start3A_106 : memref<125xi32, #tpu.memory_space<vmem>>) semaphore(%run_scoped3A : memref<!tpu.dma_semaphore, #tpu.memory_space<semaphore_mem>>) {add = true}
        %dma_wait3A = arith.constant 0 : i32
        %dma_wait3A_110 = tpu.memref_slice %arg5[%scan3A_104, %dma_wait3A] : memref<80x125xi32, #tpu.memory_space<vmem>> -> memref<1x125xi32, #tpu.memory_space<vmem>>
        %dma_wait3A_111 = tpu.memref_squeeze %dma_wait3A_110 : memref<1x125xi32, #tpu.memory_space<vmem>> -> memref<125xi32, #tpu.memory_space<vmem>>
        %dma_wait3A_112 = arith.constant 0 : i32
        %dma_wait3A_113 = arith.constant 0 : i32
        %dma_wait3A_114 = tpu.memref_slice %arg4[%dma_wait3A_112, %dma_wait3A_113] : memref<10240x16xf32, #tpu.memory_space<vmem_shared>> -> memref<10240x16xf32, #tpu.memory_space<vmem_shared>>
        tpu.wait_indirect_dma semaphore(%run_scoped3A : memref<!tpu.dma_semaphore, #tpu.memory_space<semaphore_mem>>) src(%arg6 : memref<125x16xf32, #tpu.memory_space<vmem>>) dst(%dma_wait3A_114 : memref<10240x16xf32, #tpu.memory_space<vmem_shared>>)
        tpu.yield
      }) : () -> ()
    }
    %scan3A_62 = arith.constant 80 : i32
    %barrier3A_63 = arith.constant 0 : index
    tpu.barrier barrier_id(%barrier3A_63)
    %mul3A_64 = arith.constant 640 : i32
    %mul3A_65 = arith.muli %arg1, %mul3A_64 : i32
    %add3A_66 = arith.constant 0 : i32
    %add3A_67 = arith.addi %mul3A_65, %add3A_66 : i32
    "tpu.region"() ({
      %run_scoped3A = tpu.sem_alloc : memref<!tpu.dma_semaphore, #tpu.memory_space<semaphore_mem>>
      %dma_start3A = arith.constant 0 : i32
      %dma_start3A_104 = tpu.memref_slice %arg3[%arg0, %add3A_67, %dma_start3A] : memref<2x10240x16xf32, #tpu.memory_space<hbm>> -> memref<1x64x16xf32, #tpu.memory_space<hbm>>
      %dma_start3A_105 = tpu.memref_squeeze %dma_start3A_104 : memref<1x64x16xf32, #tpu.memory_space<hbm>> -> memref<64x16xf32, #tpu.memory_space<hbm>>
      %dma_start3A_106 = arith.constant 0 : i32
      %dma_start3A_107 = tpu.memref_slice %arg4[%add3A_67, %dma_start3A_106] : memref<10240x16xf32, #tpu.memory_space<vmem_shared>> -> memref<64x16xf32, #tpu.memory_space<vmem_shared>>
      tpu.enqueue_dma source(%dma_start3A_107 : memref<64x16xf32, #tpu.memory_space<vmem_shared>>) target(%dma_start3A_105 : memref<64x16xf32, #tpu.memory_space<hbm>>) target_semaphore(%run_scoped3A : memref<!tpu.dma_semaphore, #tpu.memory_space<semaphore_mem>>)
      %dma_wait3A = arith.constant 0 : i32
      %dma_wait3A_108 = tpu.memref_slice %arg3[%arg0, %add3A_67, %dma_wait3A] : memref<2x10240x16xf32, #tpu.memory_space<hbm>> -> memref<1x64x16xf32, #tpu.memory_space<hbm>>
      %dma_wait3A_109 = tpu.memref_squeeze %dma_wait3A_108 : memref<1x64x16xf32, #tpu.memory_space<hbm>> -> memref<64x16xf32, #tpu.memory_space<hbm>>
      %dma_wait3A_110 = arith.constant 0 : i32
      %dma_wait3A_111 = tpu.memref_slice %arg4[%add3A_67, %dma_wait3A_110] : memref<10240x16xf32, #tpu.memory_space<vmem_shared>> -> memref<64x16xf32, #tpu.memory_space<vmem_shared>>
      tpu.wait_dma2 semaphore(%run_scoped3A : memref<!tpu.dma_semaphore, #tpu.memory_space<semaphore_mem>>) src(%dma_wait3A_111 : memref<64x16xf32, #tpu.memory_space<vmem_shared>>) dst(%dma_wait3A_109 : memref<64x16xf32, #tpu.memory_space<hbm>>)
      tpu.yield
    }) : () -> ()
    %mul3A_68 = arith.constant 640 : i32
    %mul3A_69 = arith.muli %arg1, %mul3A_68 : i32
    %add3A_70 = arith.constant 64 : i32
    %add3A_71 = arith.addi %mul3A_69, %add3A_70 : i32
    "tpu.region"() ({
      %run_scoped3A = tpu.sem_alloc : memref<!tpu.dma_semaphore, #tpu.memory_space<semaphore_mem>>
      %dma_start3A = arith.constant 0 : i32
      %dma_start3A_104 = tpu.memref_slice %arg3[%arg0, %add3A_71, %dma_start3A] : memref<2x10240x16xf32, #tpu.memory_space<hbm>> -> memref<1x64x16xf32, #tpu.memory_space<hbm>>
      %dma_start3A_105 = tpu.memref_squeeze %dma_start3A_104 : memref<1x64x16xf32, #tpu.memory_space<hbm>> -> memref<64x16xf32, #tpu.memory_space<hbm>>
      %dma_start3A_106 = arith.constant 0 : i32
      %dma_start3A_107 = tpu.memref_slice %arg4[%add3A_71, %dma_start3A_106] : memref<10240x16xf32, #tpu.memory_space<vmem_shared>> -> memref<64x16xf32, #tpu.memory_space<vmem_shared>>
      tpu.enqueue_dma source(%dma_start3A_107 : memref<64x16xf32, #tpu.memory_space<vmem_shared>>) target(%dma_start3A_105 : memref<64x16xf32, #tpu.memory_space<hbm>>) target_semaphore(%run_scoped3A : memref<!tpu.dma_semaphore, #tpu.memory_space<semaphore_mem>>)
      %dma_wait3A = arith.constant 0 : i32
      %dma_wait3A_108 = tpu.memref_slice %arg3[%arg0, %add3A_71, %dma_wait3A] : memref<2x10240x16xf32, #tpu.memory_space<hbm>> -> memref<1x64x16xf32, #tpu.memory_space<hbm>>
      %dma_wait3A_109 = tpu.memref_squeeze %dma_wait3A_108 : memref<1x64x16xf32, #tpu.memory_space<hbm>> -> memref<64x16xf32, #tpu.memory_space<hbm>>
      %dma_wait3A_110 = arith.constant 0 : i32
      %dma_wait3A_111 = tpu.memref_slice %arg4[%add3A_71, %dma_wait3A_110] : memref<10240x16xf32, #tpu.memory_space<vmem_shared>> -> memref<64x16xf32, #tpu.memory_space<vmem_shared>>
      tpu.wait_dma2 semaphore(%run_scoped3A : memref<!tpu.dma_semaphore, #tpu.memory_space<semaphore_mem>>) src(%dma_wait3A_111 : memref<64x16xf32, #tpu.memory_space<vmem_shared>>) dst(%dma_wait3A_109 : memref<64x16xf32, #tpu.memory_space<hbm>>)
      tpu.yield
    }) : () -> ()
    %mul3A_72 = arith.constant 640 : i32
    %mul3A_73 = arith.muli %arg1, %mul3A_72 : i32
    %add3A_74 = arith.constant 128 : i32
    %add3A_75 = arith.addi %mul3A_73, %add3A_74 : i32
    "tpu.region"() ({
      %run_scoped3A = tpu.sem_alloc : memref<!tpu.dma_semaphore, #tpu.memory_space<semaphore_mem>>
      %dma_start3A = arith.constant 0 : i32
      %dma_start3A_104 = tpu.memref_slice %arg3[%arg0, %add3A_75, %dma_start3A] : memref<2x10240x16xf32, #tpu.memory_space<hbm>> -> memref<1x64x16xf32, #tpu.memory_space<hbm>>
      %dma_start3A_105 = tpu.memref_squeeze %dma_start3A_104 : memref<1x64x16xf32, #tpu.memory_space<hbm>> -> memref<64x16xf32, #tpu.memory_space<hbm>>
      %dma_start3A_106 = arith.constant 0 : i32
      %dma_start3A_107 = tpu.memref_slice %arg4[%add3A_75, %dma_start3A_106] : memref<10240x16xf32, #tpu.memory_space<vmem_shared>> -> memref<64x16xf32, #tpu.memory_space<vmem_shared>>
      tpu.enqueue_dma source(%dma_start3A_107 : memref<64x16xf32, #tpu.memory_space<vmem_shared>>) target(%dma_start3A_105 : memref<64x16xf32, #tpu.memory_space<hbm>>) target_semaphore(%run_scoped3A : memref<!tpu.dma_semaphore, #tpu.memory_space<semaphore_mem>>)
      %dma_wait3A = arith.constant 0 : i32
      %dma_wait3A_108 = tpu.memref_slice %arg3[%arg0, %add3A_75, %dma_wait3A] : memref<2x10240x16xf32, #tpu.memory_space<hbm>> -> memref<1x64x16xf32, #tpu.memory_space<hbm>>
      %dma_wait3A_109 = tpu.memref_squeeze %dma_wait3A_108 : memref<1x64x16xf32, #tpu.memory_space<hbm>> -> memref<64x16xf32, #tpu.memory_space<hbm>>
      %dma_wait3A_110 = arith.constant 0 : i32
      %dma_wait3A_111 = tpu.memref_slice %arg4[%add3A_75, %dma_wait3A_110] : memref<10240x16xf32, #tpu.memory_space<vmem_shared>> -> memref<64x16xf32, #tpu.memory_space<vmem_shared>>
      tpu.wait_dma2 semaphore(%run_scoped3A : memref<!tpu.dma_semaphore, #tpu.memory_space<semaphore_mem>>) src(%dma_wait3A_111 : memref<64x16xf32, #tpu.memory_space<vmem_shared>>) dst(%dma_wait3A_109 : memref<64x16xf32, #tpu.memory_space<hbm>>)
      tpu.yield
    }) : () -> ()
    %mul3A_76 = arith.constant 640 : i32
    %mul3A_77 = arith.muli %arg1, %mul3A_76 : i32
    %add3A_78 = arith.constant 192 : i32
    %add3A_79 = arith.addi %mul3A_77, %add3A_78 : i32
    "tpu.region"() ({
      %run_scoped3A = tpu.sem_alloc : memref<!tpu.dma_semaphore, #tpu.memory_space<semaphore_mem>>
      %dma_start3A = arith.constant 0 : i32
      %dma_start3A_104 = tpu.memref_slice %arg3[%arg0, %add3A_79, %dma_start3A] : memref<2x10240x16xf32, #tpu.memory_space<hbm>> -> memref<1x64x16xf32, #tpu.memory_space<hbm>>
      %dma_start3A_105 = tpu.memref_squeeze %dma_start3A_104 : memref<1x64x16xf32, #tpu.memory_space<hbm>> -> memref<64x16xf32, #tpu.memory_space<hbm>>
      %dma_start3A_106 = arith.constant 0 : i32
      %dma_start3A_107 = tpu.memref_slice %arg4[%add3A_79, %dma_start3A_106] : memref<10240x16xf32, #tpu.memory_space<vmem_shared>> -> memref<64x16xf32, #tpu.memory_space<vmem_shared>>
      tpu.enqueue_dma source(%dma_start3A_107 : memref<64x16xf32, #tpu.memory_space<vmem_shared>>) target(%dma_start3A_105 : memref<64x16xf32, #tpu.memory_space<hbm>>) target_semaphore(%run_scoped3A : memref<!tpu.dma_semaphore, #tpu.memory_space<semaphore_mem>>)
      %dma_wait3A = arith.constant 0 : i32
      %dma_wait3A_108 = tpu.memref_slice %arg3[%arg0, %add3A_79, %dma_wait3A] : memref<2x10240x16xf32, #tpu.memory_space<hbm>> -> memref<1x64x16xf32, #tpu.memory_space<hbm>>
      %dma_wait3A_109 = tpu.memref_squeeze %dma_wait3A_108 : memref<1x64x16xf32, #tpu.memory_space<hbm>> -> memref<64x16xf32, #tpu.memory_space<hbm>>
      %dma_wait3A_110 = arith.constant 0 : i32
      %dma_wait3A_111 = tpu.memref_slice %arg4[%add3A_79, %dma_wait3A_110] : memref<10240x16xf32, #tpu.memory_space<vmem_shared>> -> memref<64x16xf32, #tpu.memory_space<vmem_shared>>
      tpu.wait_dma2 semaphore(%run_scoped3A : memref<!tpu.dma_semaphore, #tpu.memory_space<semaphore_mem>>) src(%dma_wait3A_111 : memref<64x16xf32, #tpu.memory_space<vmem_shared>>) dst(%dma_wait3A_109 : memref<64x16xf32, #tpu.memory_space<hbm>>)
      tpu.yield
    }) : () -> ()
    %mul3A_80 = arith.constant 640 : i32
    %mul3A_81 = arith.muli %arg1, %mul3A_80 : i32
    %add3A_82 = arith.constant 256 : i32
    %add3A_83 = arith.addi %mul3A_81, %add3A_82 : i32
    "tpu.region"() ({
      %run_scoped3A = tpu.sem_alloc : memref<!tpu.dma_semaphore, #tpu.memory_space<semaphore_mem>>
      %dma_start3A = arith.constant 0 : i32
      %dma_start3A_104 = tpu.memref_slice %arg3[%arg0, %add3A_83, %dma_start3A] : memref<2x10240x16xf32, #tpu.memory_space<hbm>> -> memref<1x64x16xf32, #tpu.memory_space<hbm>>
      %dma_start3A_105 = tpu.memref_squeeze %dma_start3A_104 : memref<1x64x16xf32, #tpu.memory_space<hbm>> -> memref<64x16xf32, #tpu.memory_space<hbm>>
      %dma_start3A_106 = arith.constant 0 : i32
      %dma_start3A_107 = tpu.memref_slice %arg4[%add3A_83, %dma_start3A_106] : memref<10240x16xf32, #tpu.memory_space<vmem_shared>> -> memref<64x16xf32, #tpu.memory_space<vmem_shared>>
      tpu.enqueue_dma source(%dma_start3A_107 : memref<64x16xf32, #tpu.memory_space<vmem_shared>>) target(%dma_start3A_105 : memref<64x16xf32, #tpu.memory_space<hbm>>) target_semaphore(%run_scoped3A : memref<!tpu.dma_semaphore, #tpu.memory_space<semaphore_mem>>)
      %dma_wait3A = arith.constant 0 : i32
      %dma_wait3A_108 = tpu.memref_slice %arg3[%arg0, %add3A_83, %dma_wait3A] : memref<2x10240x16xf32, #tpu.memory_space<hbm>> -> memref<1x64x16xf32, #tpu.memory_space<hbm>>
      %dma_wait3A_109 = tpu.memref_squeeze %dma_wait3A_108 : memref<1x64x16xf32, #tpu.memory_space<hbm>> -> memref<64x16xf32, #tpu.memory_space<hbm>>
      %dma_wait3A_110 = arith.constant 0 : i32
      %dma_wait3A_111 = tpu.memref_slice %arg4[%add3A_83, %dma_wait3A_110] : memref<10240x16xf32, #tpu.memory_space<vmem_shared>> -> memref<64x16xf32, #tpu.memory_space<vmem_shared>>
      tpu.wait_dma2 semaphore(%run_scoped3A : memref<!tpu.dma_semaphore, #tpu.memory_space<semaphore_mem>>) src(%dma_wait3A_111 : memref<64x16xf32, #tpu.memory_space<vmem_shared>>) dst(%dma_wait3A_109 : memref<64x16xf32, #tpu.memory_space<hbm>>)
      tpu.yield
    }) : () -> ()
    %mul3A_84 = arith.constant 640 : i32
    %mul3A_85 = arith.muli %arg1, %mul3A_84 : i32
    %add3A_86 = arith.constant 320 : i32
    %add3A_87 = arith.addi %mul3A_85, %add3A_86 : i32
    "tpu.region"() ({
      %run_scoped3A = tpu.sem_alloc : memref<!tpu.dma_semaphore, #tpu.memory_space<semaphore_mem>>
      %dma_start3A = arith.constant 0 : i32
      %dma_start3A_104 = tpu.memref_slice %arg3[%arg0, %add3A_87, %dma_start3A] : memref<2x10240x16xf32, #tpu.memory_space<hbm>> -> memref<1x64x16xf32, #tpu.memory_space<hbm>>
      %dma_start3A_105 = tpu.memref_squeeze %dma_start3A_104 : memref<1x64x16xf32, #tpu.memory_space<hbm>> -> memref<64x16xf32, #tpu.memory_space<hbm>>
      %dma_start3A_106 = arith.constant 0 : i32
      %dma_start3A_107 = tpu.memref_slice %arg4[%add3A_87, %dma_start3A_106] : memref<10240x16xf32, #tpu.memory_space<vmem_shared>> -> memref<64x16xf32, #tpu.memory_space<vmem_shared>>
      tpu.enqueue_dma source(%dma_start3A_107 : memref<64x16xf32, #tpu.memory_space<vmem_shared>>) target(%dma_start3A_105 : memref<64x16xf32, #tpu.memory_space<hbm>>) target_semaphore(%run_scoped3A : memref<!tpu.dma_semaphore, #tpu.memory_space<semaphore_mem>>)
      %dma_wait3A = arith.constant 0 : i32
      %dma_wait3A_108 = tpu.memref_slice %arg3[%arg0, %add3A_87, %dma_wait3A] : memref<2x10240x16xf32, #tpu.memory_space<hbm>> -> memref<1x64x16xf32, #tpu.memory_space<hbm>>
      %dma_wait3A_109 = tpu.memref_squeeze %dma_wait3A_108 : memref<1x64x16xf32, #tpu.memory_space<hbm>> -> memref<64x16xf32, #tpu.memory_space<hbm>>
      %dma_wait3A_110 = arith.constant 0 : i32
      %dma_wait3A_111 = tpu.memref_slice %arg4[%add3A_87, %dma_wait3A_110] : memref<10240x16xf32, #tpu.memory_space<vmem_shared>> -> memref<64x16xf32, #tpu.memory_space<vmem_shared>>
      tpu.wait_dma2 semaphore(%run_scoped3A : memref<!tpu.dma_semaphore, #tpu.memory_space<semaphore_mem>>) src(%dma_wait3A_111 : memref<64x16xf32, #tpu.memory_space<vmem_shared>>) dst(%dma_wait3A_109 : memref<64x16xf32, #tpu.memory_space<hbm>>)
      tpu.yield
    }) : () -> ()
    %mul3A_88 = arith.constant 640 : i32
    %mul3A_89 = arith.muli %arg1, %mul3A_88 : i32
    %add3A_90 = arith.constant 384 : i32
    %add3A_91 = arith.addi %mul3A_89, %add3A_90 : i32
    "tpu.region"() ({
      %run_scoped3A = tpu.sem_alloc : memref<!tpu.dma_semaphore, #tpu.memory_space<semaphore_mem>>
      %dma_start3A = arith.constant 0 : i32
      %dma_start3A_104 = tpu.memref_slice %arg3[%arg0, %add3A_91, %dma_start3A] : memref<2x10240x16xf32, #tpu.memory_space<hbm>> -> memref<1x64x16xf32, #tpu.memory_space<hbm>>
      %dma_start3A_105 = tpu.memref_squeeze %dma_start3A_104 : memref<1x64x16xf32, #tpu.memory_space<hbm>> -> memref<64x16xf32, #tpu.memory_space<hbm>>
      %dma_start3A_106 = arith.constant 0 : i32
      %dma_start3A_107 = tpu.memref_slice %arg4[%add3A_91, %dma_start3A_106] : memref<10240x16xf32, #tpu.memory_space<vmem_shared>> -> memref<64x16xf32, #tpu.memory_space<vmem_shared>>
      tpu.enqueue_dma source(%dma_start3A_107 : memref<64x16xf32, #tpu.memory_space<vmem_shared>>) target(%dma_start3A_105 : memref<64x16xf32, #tpu.memory_space<hbm>>) target_semaphore(%run_scoped3A : memref<!tpu.dma_semaphore, #tpu.memory_space<semaphore_mem>>)
      %dma_wait3A = arith.constant 0 : i32
      %dma_wait3A_108 = tpu.memref_slice %arg3[%arg0, %add3A_91, %dma_wait3A] : memref<2x10240x16xf32, #tpu.memory_space<hbm>> -> memref<1x64x16xf32, #tpu.memory_space<hbm>>
      %dma_wait3A_109 = tpu.memref_squeeze %dma_wait3A_108 : memref<1x64x16xf32, #tpu.memory_space<hbm>> -> memref<64x16xf32, #tpu.memory_space<hbm>>
      %dma_wait3A_110 = arith.constant 0 : i32
      %dma_wait3A_111 = tpu.memref_slice %arg4[%add3A_91, %dma_wait3A_110] : memref<10240x16xf32, #tpu.memory_space<vmem_shared>> -> memref<64x16xf32, #tpu.memory_space<vmem_shared>>
      tpu.wait_dma2 semaphore(%run_scoped3A : memref<!tpu.dma_semaphore, #tpu.memory_space<semaphore_mem>>) src(%dma_wait3A_111 : memref<64x16xf32, #tpu.memory_space<vmem_shared>>) dst(%dma_wait3A_109 : memref<64x16xf32, #tpu.memory_space<hbm>>)
      tpu.yield
    }) : () -> ()
    %mul3A_92 = arith.constant 640 : i32
    %mul3A_93 = arith.muli %arg1, %mul3A_92 : i32
    %add3A_94 = arith.constant 448 : i32
    %add3A_95 = arith.addi %mul3A_93, %add3A_94 : i32
    "tpu.region"() ({
      %run_scoped3A = tpu.sem_alloc : memref<!tpu.dma_semaphore, #tpu.memory_space<semaphore_mem>>
      %dma_start3A = arith.constant 0 : i32
      %dma_start3A_104 = tpu.memref_slice %arg3[%arg0, %add3A_95, %dma_start3A] : memref<2x10240x16xf32, #tpu.memory_space<hbm>> -> memref<1x64x16xf32, #tpu.memory_space<hbm>>
      %dma_start3A_105 = tpu.memref_squeeze %dma_start3A_104 : memref<1x64x16xf32, #tpu.memory_space<hbm>> -> memref<64x16xf32, #tpu.memory_space<hbm>>
      %dma_start3A_106 = arith.constant 0 : i32
      %dma_start3A_107 = tpu.memref_slice %arg4[%add3A_95, %dma_start3A_106] : memref<10240x16xf32, #tpu.memory_space<vmem_shared>> -> memref<64x16xf32, #tpu.memory_space<vmem_shared>>
      tpu.enqueue_dma source(%dma_start3A_107 : memref<64x16xf32, #tpu.memory_space<vmem_shared>>) target(%dma_start3A_105 : memref<64x16xf32, #tpu.memory_space<hbm>>) target_semaphore(%run_scoped3A : memref<!tpu.dma_semaphore, #tpu.memory_space<semaphore_mem>>)
      %dma_wait3A = arith.constant 0 : i32
      %dma_wait3A_108 = tpu.memref_slice %arg3[%arg0, %add3A_95, %dma_wait3A] : memref<2x10240x16xf32, #tpu.memory_space<hbm>> -> memref<1x64x16xf32, #tpu.memory_space<hbm>>
      %dma_wait3A_109 = tpu.memref_squeeze %dma_wait3A_108 : memref<1x64x16xf32, #tpu.memory_space<hbm>> -> memref<64x16xf32, #tpu.memory_space<hbm>>
      %dma_wait3A_110 = arith.constant 0 : i32
      %dma_wait3A_111 = tpu.memref_slice %arg4[%add3A_95, %dma_wait3A_110] : memref<10240x16xf32, #tpu.memory_space<vmem_shared>> -> memref<64x16xf32, #tpu.memory_space<vmem_shared>>
      tpu.wait_dma2 semaphore(%run_scoped3A : memref<!tpu.dma_semaphore, #tpu.memory_space<semaphore_mem>>) src(%dma_wait3A_111 : memref<64x16xf32, #tpu.memory_space<vmem_shared>>) dst(%dma_wait3A_109 : memref<64x16xf32, #tpu.memory_space<hbm>>)
      tpu.yield
    }) : () -> ()
    %mul3A_96 = arith.constant 640 : i32
    %mul3A_97 = arith.muli %arg1, %mul3A_96 : i32
    %add3A_98 = arith.constant 512 : i32
    %add3A_99 = arith.addi %mul3A_97, %add3A_98 : i32
    "tpu.region"() ({
      %run_scoped3A = tpu.sem_alloc : memref<!tpu.dma_semaphore, #tpu.memory_space<semaphore_mem>>
      %dma_start3A = arith.constant 0 : i32
      %dma_start3A_104 = tpu.memref_slice %arg3[%arg0, %add3A_99, %dma_start3A] : memref<2x10240x16xf32, #tpu.memory_space<hbm>> -> memref<1x64x16xf32, #tpu.memory_space<hbm>>
      %dma_start3A_105 = tpu.memref_squeeze %dma_start3A_104 : memref<1x64x16xf32, #tpu.memory_space<hbm>> -> memref<64x16xf32, #tpu.memory_space<hbm>>
      %dma_start3A_106 = arith.constant 0 : i32
      %dma_start3A_107 = tpu.memref_slice %arg4[%add3A_99, %dma_start3A_106] : memref<10240x16xf32, #tpu.memory_space<vmem_shared>> -> memref<64x16xf32, #tpu.memory_space<vmem_shared>>
      tpu.enqueue_dma source(%dma_start3A_107 : memref<64x16xf32, #tpu.memory_space<vmem_shared>>) target(%dma_start3A_105 : memref<64x16xf32, #tpu.memory_space<hbm>>) target_semaphore(%run_scoped3A : memref<!tpu.dma_semaphore, #tpu.memory_space<semaphore_mem>>)
      %dma_wait3A = arith.constant 0 : i32
      %dma_wait3A_108 = tpu.memref_slice %arg3[%arg0, %add3A_99, %dma_wait3A] : memref<2x10240x16xf32, #tpu.memory_space<hbm>> -> memref<1x64x16xf32, #tpu.memory_space<hbm>>
      %dma_wait3A_109 = tpu.memref_squeeze %dma_wait3A_108 : memref<1x64x16xf32, #tpu.memory_space<hbm>> -> memref<64x16xf32, #tpu.memory_space<hbm>>
      %dma_wait3A_110 = arith.constant 0 : i32
      %dma_wait3A_111 = tpu.memref_slice %arg4[%add3A_99, %dma_wait3A_110] : memref<10240x16xf32, #tpu.memory_space<vmem_shared>> -> memref<64x16xf32, #tpu.memory_space<vmem_shared>>
      tpu.wait_dma2 semaphore(%run_scoped3A : memref<!tpu.dma_semaphore, #tpu.memory_space<semaphore_mem>>) src(%dma_wait3A_111 : memref<64x16xf32, #tpu.memory_space<vmem_shared>>) dst(%dma_wait3A_109 : memref<64x16xf32, #tpu.memory_space<hbm>>)
      tpu.yield
    }) : () -> ()
    %mul3A_100 = arith.constant 640 : i32
    %mul3A_101 = arith.muli %arg1, %mul3A_100 : i32
    %add3A_102 = arith.constant 576 : i32
    %add3A_103 = arith.addi %mul3A_101, %add3A_102 : i32
    "tpu.region"() ({
      %run_scoped3A = tpu.sem_alloc : memref<!tpu.dma_semaphore, #tpu.memory_space<semaphore_mem>>
      %dma_start3A = arith.constant 0 : i32
      %dma_start3A_104 = tpu.memref_slice %arg3[%arg0, %add3A_103, %dma_start3A] : memref<2x10240x16xf32, #tpu.memory_space<hbm>> -> memref<1x64x16xf32, #tpu.memory_space<hbm>>
      %dma_start3A_105 = tpu.memref_squeeze %dma_start3A_104 : memref<1x64x16xf32, #tpu.memory_space<hbm>> -> memref<64x16xf32, #tpu.memory_space<hbm>>
      %dma_start3A_106 = arith.constant 0 : i32
      %dma_start3A_107 = tpu.memref_slice %arg4[%add3A_103, %dma_start3A_106] : memref<10240x16xf32, #tpu.memory_space<vmem_shared>> -> memref<64x16xf32, #tpu.memory_space<vmem_shared>>
      tpu.enqueue_dma source(%dma_start3A_107 : memref<64x16xf32, #tpu.memory_space<vmem_shared>>) target(%dma_start3A_105 : memref<64x16xf32, #tpu.memory_space<hbm>>) target_semaphore(%run_scoped3A : memref<!tpu.dma_semaphore, #tpu.memory_space<semaphore_mem>>)
      %dma_wait3A = arith.constant 0 : i32
      %dma_wait3A_108 = tpu.memref_slice %arg3[%arg0, %add3A_103, %dma_wait3A] : memref<2x10240x16xf32, #tpu.memory_space<hbm>> -> memref<1x64x16xf32, #tpu.memory_space<hbm>>
      %dma_wait3A_109 = tpu.memref_squeeze %dma_wait3A_108 : memref<1x64x16xf32, #tpu.memory_space<hbm>> -> memref<64x16xf32, #tpu.memory_space<hbm>>
      %dma_wait3A_110 = arith.constant 0 : i32
      %dma_wait3A_111 = tpu.memref_slice %arg4[%add3A_103, %dma_wait3A_110] : memref<10240x16xf32, #tpu.memory_space<vmem_shared>> -> memref<64x16xf32, #tpu.memory_space<vmem_shared>>
      tpu.wait_dma2 semaphore(%run_scoped3A : memref<!tpu.dma_semaphore, #tpu.memory_space<semaphore_mem>>) src(%dma_wait3A_111 : memref<64x16xf32, #tpu.memory_space<vmem_shared>>) dst(%dma_wait3A_109 : memref<64x16xf32, #tpu.memory_space<hbm>>)
      tpu.yield
    }) : () -> ()
    return
  }
}

module attributes {stable_mosaic.version = 14 : i64} {
  func.func @_tc_prep_body(%arg0: memref<10000x128xf32, #tpu.memory_space<vmem>>, %arg1: memref<128x128xf32, #tpu.memory_space<vmem>>, %arg2: memref<10240x16xf32, #tpu.memory_space<vmem>>, %arg3: memref<10240x16xf32, #tpu.memory_space<vmem>>, %arg4: memref<10000x128xf32, #tpu.memory_space<vmem>>, %arg5: memref<10000x1xf32, #tpu.memory_space<vmem>>) attributes {dimension_semantics = [], scalar_prefetch = 0 : i64, scratch_operands = 0 : i64, tpu.core_type = #tpu.core_type<tc>} {
    %get3A = arith.constant 0 : index
    %get3A_0 = arith.constant 0 : index
    %get3A_1 = vector.load %arg2[%get3A, %get3A_0] : memref<10240x16xf32, #tpu.memory_space<vmem>>, vector<10240x16xf32>
    %get3A_2 = arith.constant 0 : index
    %get3A_3 = arith.constant 0 : index
    %get3A_4 = vector.load %arg3[%get3A_2, %get3A_3] : memref<10240x16xf32, #tpu.memory_space<vmem>>, vector<10240x16xf32>
    %add3A = arith.addf %get3A_1, %get3A_4 : vector<10240x16xf32>
    %slice3A = vector.extract_strided_slice %add3A {offsets = [0, 0], sizes = [10000, 16], strides = [1, 1]} : vector<10240x16xf32> to vector<10000x16xf32>
    %reduce_sum3A = arith.constant dense<0.000000e+00> : vector<10000xf32>
    %reduce_sum3A_5 = vector.multi_reduction <add>, %slice3A, %reduce_sum3A [1] : vector<10000x16xf32> to vector<10000xf32>
    %broadcast_in_dim3A = vector.shape_cast %reduce_sum3A_5 : vector<10000xf32> to vector<10000x1xf32>
    %add3A_6 = arith.constant 1.000000e+00 : f32
    %add3A_7 = vector.broadcast %add3A_6 : f32 to vector<10000x1xf32>
    %add3A_8 = arith.addf %broadcast_in_dim3A, %add3A_7 : vector<10000x1xf32>
    %rsqrt3A = math.rsqrt %add3A_8 : vector<10000x1xf32>
    %get3A_9 = arith.constant 0 : index
    %get3A_10 = arith.constant 0 : index
    %get3A_11 = vector.load %arg0[%get3A_9, %get3A_10] : memref<10000x128xf32, #tpu.memory_space<vmem>>, vector<10000x128xf32>
    %get3A_12 = arith.constant 0 : index
    %get3A_13 = arith.constant 0 : index
    %get3A_14 = vector.load %arg1[%get3A_12, %get3A_13] : memref<128x128xf32, #tpu.memory_space<vmem>>, vector<128x128xf32>
    %dot_general3A = arith.constant dense<0.000000e+00> : vector<10000x128xf32>
    %dot_general3A_15 = tpu.matmul %get3A_11, %get3A_14, %dot_general3A {dimension_numbers = #tpu.dot_dimension_numbers<[1], [0], [0], [1], [0, 0, 1, 1], [], []>, transpose_lhs_hint = false} : vector<10000x128xf32>, vector<128x128xf32>, vector<10000x128xf32> -> vector<10000x128xf32>
    %mul3A = vector.broadcast %rsqrt3A : vector<10000x1xf32> to vector<10000x128xf32>
    %mul3A_16 = arith.mulf %dot_general3A_15, %mul3A : vector<10000x128xf32>
    %swap3A = arith.constant 0 : index
    %swap3A_17 = arith.constant 0 : index
    %swap3A_18 = vector.load %arg4[%swap3A, %swap3A_17] : memref<10000x128xf32, #tpu.memory_space<vmem>>, vector<10000x128xf32>
    tpu.vector_store %arg4[%swap3A, %swap3A_17], %mul3A_16 {strides = array<i32>} : memref<10000x128xf32, #tpu.memory_space<vmem>>, vector<10000x128xf32>,
    %swap3A_19 = arith.constant 0 : index
    %swap3A_20 = arith.constant 0 : index
    %swap3A_21 = vector.load %arg5[%swap3A_19, %swap3A_20] : memref<10000x1xf32, #tpu.memory_space<vmem>>, vector<10000x1xf32>
    tpu.vector_store %arg5[%swap3A_19, %swap3A_20], %rsqrt3A {strides = array<i32>} : memref<10000x1xf32, #tpu.memory_space<vmem>>, vector<10000x1xf32>,
    return
  }
}

module attributes {stable_mosaic.version = 14 : i64} {
  func.func @_tc_final_body(%arg0: memref<10240x128xf32, #tpu.memory_space<vmem>>, %arg1: memref<10240x128xf32, #tpu.memory_space<vmem>>, %arg2: memref<10000x128xf32, #tpu.memory_space<vmem>>, %arg3: memref<10000x1xf32, #tpu.memory_space<vmem>>, %arg4: memref<1x128xf32, #tpu.memory_space<vmem>>, %arg5: memref<1x128xf32, #tpu.memory_space<vmem>>, %arg6: memref<1x128xf32, #tpu.memory_space<vmem>>, %arg7: memref<1x10000xi32, #tpu.memory_space<vmem>>, %arg8: memref<128x10xf32, #tpu.memory_space<vmem>>, %arg9: memref<1x10xf32, #tpu.memory_space<vmem>>, %arg10: memref<64x10xf32, #tpu.memory_space<vmem>>) attributes {dimension_semantics = [], scalar_prefetch = 0 : i64, scratch_operands = 0 : i64, tpu.core_type = #tpu.core_type<tc>} {
    %get3A = arith.constant 0 : index
    %get3A_0 = arith.constant 0 : index
    %get3A_1 = vector.load %arg0[%get3A, %get3A_0] : memref<10240x128xf32, #tpu.memory_space<vmem>>, vector<10240x128xf32>
    %slice3A = vector.extract_strided_slice %get3A_1 {offsets = [0, 0], sizes = [10000, 128], strides = [1, 1]} : vector<10240x128xf32> to vector<10000x128xf32>
    %get3A_2 = arith.constant 0 : index
    %get3A_3 = arith.constant 0 : index
    %get3A_4 = vector.load %arg1[%get3A_2, %get3A_3] : memref<10240x128xf32, #tpu.memory_space<vmem>>, vector<10240x128xf32>
    %slice3A_5 = vector.extract_strided_slice %get3A_4 {offsets = [0, 0], sizes = [10000, 128], strides = [1, 1]} : vector<10240x128xf32> to vector<10000x128xf32>
    %add3A = arith.addf %slice3A, %slice3A_5 : vector<10000x128xf32>
    %get3A_6 = arith.constant 0 : index
    %get3A_7 = arith.constant 0 : index
    %get3A_8 = vector.load %arg2[%get3A_6, %get3A_7] : memref<10000x128xf32, #tpu.memory_space<vmem>>, vector<10000x128xf32>
    %add3A_9 = arith.addf %add3A, %get3A_8 : vector<10000x128xf32>
    %get3A_10 = arith.constant 0 : index
    %get3A_11 = arith.constant 0 : index
    %get3A_12 = vector.load %arg3[%get3A_10, %get3A_11] : memref<10000x1xf32, #tpu.memory_space<vmem>>, vector<10000x1xf32>
    %mul3A = vector.broadcast %get3A_12 : vector<10000x1xf32> to vector<10000x128xf32>
    %mul3A_13 = arith.mulf %add3A_9, %mul3A : vector<10000x128xf32>
    %get3A_14 = arith.constant 0 : index
    %get3A_15 = arith.constant 0 : index
    %get3A_16 = vector.load %arg4[%get3A_14, %get3A_15] : memref<1x128xf32, #tpu.memory_space<vmem>>, vector<1x128xf32>
    %add3A_17 = vector.broadcast %get3A_16 : vector<1x128xf32> to vector<10000x128xf32>
    %add3A_18 = arith.addf %mul3A_13, %add3A_17 : vector<10000x128xf32>
    %reduce_sum3A = arith.constant dense<0.000000e+00> : vector<128xf32>
    %reduce_sum3A_19 = vector.multi_reduction <add>, %add3A_18, %reduce_sum3A [0] : vector<10000x128xf32> to vector<128xf32>
    %broadcast_in_dim3A = vector.shape_cast %reduce_sum3A_19 : vector<128xf32> to vector<1x128xf32>
    %div3A = arith.constant 1.000000e+04 : f32
    %div3A_20 = vector.broadcast %div3A : f32 to vector<1x128xf32>
    %div3A_21 = arith.divf %broadcast_in_dim3A, %div3A_20 : vector<1x128xf32>
    %sub3A = vector.broadcast %div3A_21 : vector<1x128xf32> to vector<10000x128xf32>
    %sub3A_22 = arith.subf %add3A_18, %sub3A : vector<10000x128xf32>
    %integer_pow3A = arith.mulf %sub3A_22, %sub3A_22 : vector<10000x128xf32>
    %reduce_sum3A_23 = arith.constant dense<0.000000e+00> : vector<128xf32>
    %reduce_sum3A_24 = vector.multi_reduction <add>, %integer_pow3A, %reduce_sum3A_23 [0] : vector<10000x128xf32> to vector<128xf32>
    %broadcast_in_dim3A_25 = vector.shape_cast %reduce_sum3A_24 : vector<128xf32> to vector<1x128xf32>
    %div3A_26 = arith.constant 1.000000e+04 : f32
    %div3A_27 = vector.broadcast %div3A_26 : f32 to vector<1x128xf32>
    %div3A_28 = arith.divf %broadcast_in_dim3A_25, %div3A_27 : vector<1x128xf32>
    %sub3A_29 = vector.broadcast %div3A_21 : vector<1x128xf32> to vector<10000x128xf32>
    %sub3A_30 = arith.subf %add3A_18, %sub3A_29 : vector<10000x128xf32>
    %add3A_31 = arith.constant 9.99999974E-6 : f32
    %add3A_32 = vector.broadcast %add3A_31 : f32 to vector<1x128xf32>
    %add3A_33 = arith.addf %div3A_28, %add3A_32 : vector<1x128xf32>
    %rsqrt3A = math.rsqrt %add3A_33 : vector<1x128xf32>
    %mul3A_34 = vector.broadcast %rsqrt3A : vector<1x128xf32> to vector<10000x128xf32>
    %mul3A_35 = arith.mulf %sub3A_30, %mul3A_34 : vector<10000x128xf32>
    %get3A_36 = arith.constant 0 : index
    %get3A_37 = arith.constant 0 : index
    %get3A_38 = vector.load %arg5[%get3A_36, %get3A_37] : memref<1x128xf32, #tpu.memory_space<vmem>>, vector<1x128xf32>
    %mul3A_39 = vector.broadcast %get3A_38 : vector<1x128xf32> to vector<10000x128xf32>
    %mul3A_40 = arith.mulf %mul3A_35, %mul3A_39 : vector<10000x128xf32>
    %get3A_41 = arith.constant 0 : index
    %get3A_42 = arith.constant 0 : index
    %get3A_43 = vector.load %arg6[%get3A_41, %get3A_42] : memref<1x128xf32, #tpu.memory_space<vmem>>, vector<1x128xf32>
    %add3A_44 = vector.broadcast %get3A_43 : vector<1x128xf32> to vector<10000x128xf32>
    %add3A_45 = arith.addf %mul3A_40, %add3A_44 : vector<10000x128xf32>
    %max3A = arith.constant 0.000000e+00 : f32
    %max3A_46 = vector.broadcast %max3A : f32 to vector<10000x128xf32>
    %max3A_47 = arith.maximumf %add3A_45, %max3A_46 : vector<10000x128xf32>
    %iota3A = tpu.iota {dimensions = array<i32: 0>} : vector<64x1xi32>
    %get3A_48 = arith.constant 0 : index
    %get3A_49 = arith.constant 0 : index
    %get3A_50 = vector.load %arg7[%get3A_48, %get3A_49] : memref<1x10000xi32, #tpu.memory_space<vmem>>, vector<1x10000xi32>
    %eq3A = vector.broadcast %iota3A : vector<64x1xi32> to vector<64x10000xi32>
    %eq3A_51 = vector.broadcast %get3A_50 : vector<1x10000xi32> to vector<64x10000xi32>
    %eq3A_52 = arith.cmpi eq, %eq3A, %eq3A_51 : vector<64x10000xi32>
    %convert_element_type3A = arith.extui %eq3A_52 : vector<64x10000xi1> to vector<64x10000xi32>
    %convert_element_type3A_53 = arith.sitofp %convert_element_type3A : vector<64x10000xi32> to vector<64x10000xf32>
    %dot_general3A = arith.constant dense<0.000000e+00> : vector<64x128xf32>
    %dot_general3A_54 = tpu.matmul %convert_element_type3A_53, %max3A_47, %dot_general3A {dimension_numbers = #tpu.dot_dimension_numbers<[1], [0], [0], [1], [0, 0, 1, 1], [], []>, transpose_lhs_hint = false} : vector<64x10000xf32>, vector<10000x128xf32>, vector<64x128xf32> -> vector<64x128xf32>
    %reduce_sum3A_55 = arith.constant dense<0.000000e+00> : vector<64xf32>
    %reduce_sum3A_56 = vector.multi_reduction <add>, %convert_element_type3A_53, %reduce_sum3A_55 [1] : vector<64x10000xf32> to vector<64xf32>
    %broadcast_in_dim3A_57 = vector.shape_cast %reduce_sum3A_56 : vector<64xf32> to vector<64x1xf32>
    %max3A_58 = arith.constant 1.000000e+00 : f32
    %max3A_59 = vector.broadcast %max3A_58 : f32 to vector<64x1xf32>
    %max3A_60 = arith.maximumf %broadcast_in_dim3A_57, %max3A_59 : vector<64x1xf32>
    %div3A_61 = vector.broadcast %max3A_60 : vector<64x1xf32> to vector<64x128xf32>
    %div3A_62 = arith.divf %dot_general3A_54, %div3A_61 : vector<64x128xf32>
    %get3A_63 = arith.constant 0 : index
    %get3A_64 = arith.constant 0 : index
    %get3A_65 = vector.load %arg8[%get3A_63, %get3A_64] : memref<128x10xf32, #tpu.memory_space<vmem>>, vector<128x10xf32>
    %dot_general3A_66 = arith.constant dense<0.000000e+00> : vector<64x10xf32>
    %dot_general3A_67 = tpu.matmul %div3A_62, %get3A_65, %dot_general3A_66 {dimension_numbers = #tpu.dot_dimension_numbers<[1], [0], [0], [1], [0, 0, 1, 1], [], []>, transpose_lhs_hint = false} : vector<64x128xf32>, vector<128x10xf32>, vector<64x10xf32> -> vector<64x10xf32>
    %get3A_68 = arith.constant 0 : index
    %get3A_69 = arith.constant 0 : index
    %get3A_70 = vector.load %arg9[%get3A_68, %get3A_69] : memref<1x10xf32, #tpu.memory_space<vmem>>, vector<1x10xf32>
    %add3A_71 = vector.broadcast %get3A_70 : vector<1x10xf32> to vector<64x10xf32>
    %add3A_72 = arith.addf %dot_general3A_67, %add3A_71 : vector<64x10xf32>
    %reduce_max3A = arith.constant dense<0xFF800000> : vector<64xf32>
    %reduce_max3A_73 = vector.multi_reduction <maximumf>, %add3A_72, %reduce_max3A [1] : vector<64x10xf32> to vector<64xf32>
    %broadcast_in_dim3A_74 = vector.shape_cast %reduce_max3A_73 : vector<64xf32> to vector<64x1xf32>
    %sub3A_75 = vector.broadcast %broadcast_in_dim3A_74 : vector<64x1xf32> to vector<64x10xf32>
    %sub3A_76 = arith.subf %add3A_72, %sub3A_75 : vector<64x10xf32>
    %exp3A = math.exp %sub3A_76 : vector<64x10xf32>
    %reduce_sum3A_77 = arith.constant dense<0.000000e+00> : vector<64xf32>
    %reduce_sum3A_78 = vector.multi_reduction <add>, %exp3A, %reduce_sum3A_77 [1] : vector<64x10xf32> to vector<64xf32>
    %broadcast_in_dim3A_79 = vector.shape_cast %reduce_sum3A_78 : vector<64xf32> to vector<64x1xf32>
    %log3A = math.log %broadcast_in_dim3A_79 : vector<64x1xf32>
    %add3A_80 = arith.addf %log3A, %broadcast_in_dim3A_74 : vector<64x1xf32>
    %sub3A_81 = vector.broadcast %add3A_80 : vector<64x1xf32> to vector<64x10xf32>
    %sub3A_82 = arith.subf %add3A_72, %sub3A_81 : vector<64x10xf32>
    %swap3A = arith.constant 0 : index
    %swap3A_83 = arith.constant 0 : index
    %swap3A_84 = vector.load %arg10[%swap3A, %swap3A_83] : memref<64x10xf32, #tpu.memory_space<vmem>>, vector<64x10xf32>
    tpu.vector_store %arg10[%swap3A, %swap3A_83], %sub3A_82 {strides = array<i32>} : memref<64x10xf32, #tpu.memory_space<vmem>>, vector<64x10xf32>,
    return
  }
}

</mosaic_0001>

<sc_bundles>
// kernel: kernel.6.cloned.1.call-start
scs
__scs_entry_jumppad:
0x0: {  	(pc) =	sbr.rel $0x88, $3  }
0x1: {  	(tag) =	ssettag $0x0;
	lr =	simm.s32 $0x1  }
0x2: {  	[smem:$0x3F98] =	sst lr;
	_ =	strace $0xD0000000  }
0x3: {  	_ = 	snop  }
0x4: {  	_ = 	snop  }
0x5: {  	_ = 	snop  }
0x6: {  	_ = 	snop  }
0x7: {  	_ = 	snop  }
__scs_overlays_trampoline_lowered:
0x8: {  	[smem:$0x3FA7] =	sst s0  }
0x9: {  	[smem:$0x3FA8] =	sst s1  }
0xa: {  	[smem:$0x3FA9] =	sst s2  }
0xb: {  	[smem:$0x3FAA] =	sst s3  }
0xc: {  	[smem:$0x3FAB] =	sst s4  }
0xd: {  	[smem:$0x3FAC] =	sst s5  }
0xe: {  	[smem:$0x3FAD] =	sst s6  }
0xf: {  	[smem:$0x3FAE] =	sst s7  }
0x10: {  	[smem:$0x3FAF] =	sst s8  }
0x11: {  	[smem:$0x3FB0] =	sst s9;
	s0 =	simm.s32 @!p0 $0x0  }
0x12: {  	s1 =	sld [smem:$0x3F96];
	s0 =	simm.s32 @p0 $0x1  }
0x13: {  	[smem:$0x3FB1] =	sst s0;
	s0 =	simm.s32 @!p1 $0x0  }
0x14: {  	s2 =	sld [smem:$0x3F95];
	s0 =	simm.s32 @p1 $0x1  }
0x15: {  	[smem:$0x3FB2] =	sst s0;
	s0 =	simm.s32 @!p2 $0x0  }
0x16: {  	s3 =	sld [smem:$0x3FDB];
	s0 =	simm.s32 @p2 $0x1  }
0x17: {  	s4 =	simm.s32 $0x1BF5;
	[smem:$0x3FB4] =	sst s0  }
0x18: {  	s0 =	sld [smem:$0x3F97];
	_ =	swait.ge [sflag:s4], $0x0  }
0x19: {  	s7 =	sld [smem:$0x3F98]  }
0x1a: {  	s8 =	sadd.s32 $0xFFFFE003, lr  }
0x1b: {  	s9 =	sadd.s32 $0xFFFFFEF7, lr;
	s5 =	simm.s32 $0xFFFFFFFF;
	p2 =	slt.u32 s8, $0xFFFFF086  }
0x1c: {  	p1 =	slt.u32 s9, $0xF7A;
	s5 =	simm.s32 @!p2 $0x0  }
0x1d: {  	s5 =	simm.s32 @p1 $0x1;
	p0 =	seq.s32 s7, s2  }
0x1e: {  	s7 =	smul.u32 @!p0 $0xF7A, s2;
	p2 =	seq.s32 @!p0 s5, $0x0  }
0x1f: {  	s9 =	smul.u32 $0xF7A, s1;
	s8 =	simm.s32 @!p0 $0x1BF5;
	p2 =	por !p2, p0  }
0x20: {  	[sflag:s8] =	ssyncset.s32 @!p0 $0xFFFFF086;
	s6 =	sadd.s32 @!p0 s3, s7;
	s7 =	simm.s32 @!p0 $0x108  }
0x21: {  	s3 =	sadd.s32 s3, s9;
	s6 =	sadd.s32 @!p0 $0x88, s6;
	s7 =	simm.s32 @p2 $0x1082  }
0x22: {  	[simem:s7], [sflag:s8] =	dma.local @!p0 [hbm:s6], $0xF7A  }
0x23: {  	s9 =	sor.u32 $0xD0000000, s2;
	s6 =	simm.s32 $0x108;
	_ =	swait.ge @!p0 [sflag:s8], $0x0  }
0x24: {  	s3 =	sadd.s32 $0x88, s3;
	s6 =	simm.s32 @!p1 $0x1082;
	[sflag:s4] =	ssyncset.s32 $0xFFFFF086  }
0x25: {  	[simem:s6], [sflag:s4] =	dma.local [hbm:s3], $0xF7A  }
0x26: {  	[smem:$0x3F98] =	sst s1;
	(tag) =	ssettag s2;
	_ =	strace s9  }
0x27: {  	s1 =	sld [smem:$0x3FA8]  }
0x28: {  	s2 =	sld [smem:$0x3FA9]  }
0x29: {  	s4 =	sld [smem:$0x3FAB]  }
0x2a: {  	p0 =	seq.s32 s5, $0x0;
	s5 =	sld [smem:$0x3FAC]  }
0x2b: {  	s6 =	sld [smem:$0x3FAD]  }
0x2c: {  	s7 =	sld [smem:$0x3FAE]  }
0x2d: {  	s3 =	simm.s32 $0x108;
	s8 =	sld [smem:$0x3FAF]  }
0x2e: {  	s3 =	simm.s32 @!p0 $0x1082;
	s9 =	sld [smem:$0x3FB0]  }
0x2f: {  	lr =	sadd.s32 s0, s3;
	s0 =	sld [smem:$0x3FA7]  }
0x30: {  	s3 =	sld [smem:$0x3FAA]  }
0x31: {  	[smem:$0x3FB3] =	sst s10  }
0x32: {  	s10 =	sld [smem:$0x3FB1];
	_ =	sdelay $0x3  }
0x33: {  	p0 =	seq.s32 s10, $0x1;
	s10 =	sld [smem:$0x3FB3];
	_ =	sdelay $0x3  }
0x34: {  	[smem:$0x3FB3] =	sst s10  }
0x35: {  	s10 =	sld [smem:$0x3FB2];
	_ =	sdelay $0x3  }
0x36: {  	p1 =	seq.s32 s10, $0x1;
	s10 =	sld [smem:$0x3FB3];
	_ =	sdelay $0x3  }
0x37: {  	[smem:$0x3FB3] =	sst s10  }
0x38: {  	s10 =	sld [smem:$0x3FB4]  }
0x39: {  	_ = 	snop;
	(pc) =	sbr.ind lr, $3  }
0x3a: {  	_ = 	snop  }
0x3b: {  	_ = 	snop  }
0x3c: {  	p2 =	seq.s32 s10, $0x1;
	s10 =	sld [smem:$0x3FB3]  }
0x3d: {  	_ =	shalt  }
0x3e: {  	_ =	shalt  }
0x3f: {  	_ =	shalt  }
0x40: {  	_ =	shalt  }
0x41: {  	_ =	shalt  }
0x42: {  	_ =	shalt  }
0x43: {  	_ =	shalt  }
0x44: {  	_ =	shalt  }
0x45: {  	_ =	shalt  }
0x46: {  	_ =	shalt  }
0x47: {  	_ =	shalt  }
0x48: {  	_ =	shalt  }
0x49: {  	_ =	shalt  }
0x4a: {  	_ =	shalt  }
0x4b: {  	_ =	shalt  }
0x4c: {  	_ =	shalt  }
0x4d: {  	_ =	shalt  }
0x4e: {  	_ =	shalt  }
0x4f: {  	_ =	shalt  }
0x50: {  	_ =	shalt  }
0x51: {  	_ =	shalt  }
0x52: {  	_ =	shalt  }
0x53: {  	_ =	shalt  }
0x54: {  	_ =	shalt  }
0x55: {  	_ =	shalt  }
0x56: {  	_ =	shalt  }
0x57: {  	_ =	shalt  }
0x58: {  	_ =	shalt  }
0x59: {  	_ =	shalt  }
0x5a: {  	_ =	shalt  }
0x5b: {  	_ =	shalt  }
0x5c: {  	_ =	shalt  }
0x5d: {  	_ =	shalt  }
0x5e: {  	_ =	shalt  }
0x5f: {  	_ =	shalt  }
0x60: {  	_ =	shalt  }
0x61: {  	_ =	shalt  }
0x62: {  	_ =	shalt  }
0x63: {  	_ =	shalt  }
0x64: {  	_ =	shalt  }
0x65: {  	_ =	shalt  }
0x66: {  	_ =	shalt  }
0x67: {  	_ =	shalt  }
0x68: {  	_ =	shalt  }
0x69: {  	_ =	shalt  }
0x6a: {  	_ =	shalt  }
0x6b: {  	_ =	shalt  }
0x6c: {  	_ =	shalt  }
0x6d: {  	_ =	shalt  }
0x6e: {  	_ =	shalt  }
0x6f: {  	_ =	shalt  }
0x70: {  	_ =	shalt  }
0x71: {  	_ =	shalt  }
0x72: {  	_ =	shalt  }
0x73: {  	_ =	shalt  }
0x74: {  	_ =	shalt  }
0x75: {  	_ =	shalt  }
0x76: {  	_ =	shalt  }
0x77: {  	_ =	shalt  }
0x78: {  	_ =	shalt  }
0x79: {  	_ =	shalt  }
0x7a: {  	_ =	shalt  }
0x7b: {  	_ =	shalt  }
0x7c: {  	_ =	shalt  }
0x7d: {  	_ =	shalt  }
0x7e: {  	_ =	shalt  }
0x7f: {  	_ =	shalt  }
0x80: {  	_ =	shalt  }
0x81: {  	_ =	shalt  }
0x82: {  	_ =	shalt  }
0x83: {  	_ =	shalt  }
0x84: {  	_ =	shalt  }
0x85: {  	_ =	shalt  }
0x86: {  	_ =	shalt  }
0x87: {  	_ =	shalt  }
.Lfunc_end0:
.L_simem_size_0:
called_computation_lowered:
.L_overlay_start_0:
0x88: {  	s2 =	sld [smem:$0x3FD9]  }
0x89: {  	s3 =	sld [smem:$0x3FFE];
	_ =	sdelay $0x1  }
0x8a: {  	s1 =	srdreg.scid  }
0x8b: {  	s0 =	sand.u32 $0x1, s1  }
0x8c: {  	s16 =	sshll.u32 s0, $0xA;
	s2 =	sadd.s32 s3, s2  }
0x8d: {  	s2 =	sadd.s32 s2, s16  }
0x8e: {  	[smem:$0x3FBF] =	sst s2  }
0x8f: {  	_ = 	snop  }
0x90: {  	(tm) =	ssettm $0x1  }
0x91: {  	s17 =	sld [smem:$0x3FFB];
	_ =	sdelay $0x3  }
0x92: {  	_ =	strace s17  }
0x93: {  	s2 =	sld [smem:$0x3FFC];
	_ =	sdelay $0x3  }
0x94: {  	_ =	strace s2  }
0x95: {  	s2 =	sld [smem:$0x3FFD];
	_ =	sdelay $0x3  }
0x96: {  	_ =	strace s2  }
0x97: {  	_ =	strace $0x8FFFFFFF  }
0x98: {  	s18 =	sld [smem:$0x3FDB];
	_ =	sdelay $0x1  }
0x99: {  	s19 =	simm.s32 $_scs_section_size  }
0x9a: {  	s4 =	simm.s32 $_size__tile_overlayer_lowered;
	s5 =	simm.s32 $_tile_overlayer_lowered  }
0x9b: {  	s22 =	simm.s32 $0x1BFF;
	s21 =	sshll.u32 s5, $0x1;
	s2 =	sadd.s32 s19, s18  }
0x9c: {  	s6 =	simm.s32 $0x0;
	s20 =	sshll.u32 s4, $0x1;
	s4 =	sadd.s32 s21, s2  }
0x9d: {  	[timem:s6], [sflag:s22] =	dma.local [hbm:s4], s20  }
0x9e: {  	_ =	swait.ge [sflag:s22], s20  }
0x9f: {  	s3 =	ssub.s32 $0x0, s20;
	[sflag:s22] =	ssyncset.done $0x0  }
0xa0: {  	[sflag:s22] =	ssyncadd.s32 s3;
	_ =	sdelay $0x1  }
0xa1: {  	s23 =	simm.s32 $0x1B8B  }
0xa2: {  	_ =	swait.ge [sflag:s23], $0x1  }
0xa3: {  	[sflag:s23] =	ssyncset.done $0x0  }
0xa4: {  	s25 =	simm.s32 $0x1B8E;
	s24 =	sld [smem:$0x3FFE];
	[sflag:s23] =	ssyncadd.s32 $0xFFFFFFFF  }
0xa5: {  	s26 =	simm.s32 $execute0_lowered;
	[smem:$0x3FD2] =	sst s25  }
0xa6: {  	s4 =	sshll.u32 s26, $0x1;
	_ =	strace $0x80000046;
	[dreg:$0x1] =	wrdreg $0xFFFFFFFF  }
0xa7: {  	s28 =	simm.s32 $_size_execute0_lowered;
	s2 =	sadd.s32 s2, s4;
	[dreg:$0x0] =	wrdreg $0x0  }
0xa8: {  	s4 =	sshll.u32 s28, $0x1;
	[dreg:$0x2] =	wrdreg s2  }
0xa9: {  	[dreg:$0x3] =	wrdreg s4  }
0xaa: {  	[dreg:$0x4] =	wrdreg $0xC0  }
0xab: {  	_ =	task [dreg:s6], $0x5FFFF  }
0xac: {  	[dreg:$0x1] =	wrdreg $0xFFFFFFFF  }
0xad: {  	[dreg:$0x0] =	wrdreg $0x60  }
0xae: {  	[dreg:$0x2] =	wrdreg s24  }
0xaf: {  	[dreg:$0x3] =	wrdreg $0x0  }
0xb0: {  	[dreg:$0x4] =	wrdreg $0x9  }
0xb1: {  	_ =	task.clear_ibuf [dreg:s6], $0x5FFFF;
	_ =	strace $0x90000046  }
0xb2: {  	s29 =	simm.s32 $0x9;
	_ =	strace $0x80000048  }
0xb3: {  	_ =	swait.ge [sflag:s29], $0x1  }
0xb4: {  	[sflag:s29] =	ssyncadd.s32 $0xFFFFFFFF  }
0xb5: {  	_ =	strace $0x90000048  }
0xb6: {  	_ =	sfence  }
0xb7: {  	s30 =	sld [smem:$0x0];
	_ =	sdelay $0x2  }
0xb8: {  	s31 =	sshll.u32 s1, $0xD;
	s1 =	sshrl.u32 s1, $0x2  }
0xb9: {  	s3 =	sand.u32 $0x4000, s31;
	s1 =	sadd.s32 s1, s30  }
0xba: {  	s0 =	sor.u32 s3, s0;
	s1 =	sshll.u32 s1, $0x11  }
0xbb: {  	s0 =	sor.u32 s1, s0  }
0xbc: {  	s0 =	sadd.s32 $0x8F2B, s0  }
0xbd: {  	[sflag:s0] =	ssyncadd.remote.s32 $0x1  }
0xbe: {  	_ =	sfence.sel $0xFFFF  }
0xbf: {  	[dreg:$0x0] =	wrdreg $0xFFFFFFFF;
	(pc) =	sbr.abs _section_cstart, $3  }
0xc0: {  	[dreg:$0x1] =	wrdreg $0xFFFFFFFF  }
0xc1: {  	_ =	task.clear_ibuf [dreg:s6], $0x2FFFF;
	_ =	strace $0x9FFFFFFF  }
0xc2: {  	(tm) =	ssettm $0x7FFFFFFF  }
0xc3: {  	_ =	shalt  }
tec
execute0_lowered:
.L_overlay_start_1:
0x0: {  	(tag) =	ssettag $0x1  }
0x1: {  	s0 =	srdreg.scid;
	s3 =	rddreg [dreg:$0x0]  }
0x2: {  	s6 =	stileid.u32;
	s2 =	rddreg [dreg:$0x1]  }
0x3: {  	s28 =	simm.s32 $0x1;
	s29 =	simm.s32 $0x2800;
	s30 =	simm.s32 $0x7D  }
0x4: {  	s31 =	simm.s32 $0x5000;
	s0 =	sand.u32 $0x1, s0;
	s5 =	smul.u32 $0x14000, s6  }
0x5: {  	s1 =	sshll.u32 s6, $0x1;
	s13 =	sadd.s32 $0xC600, s3;
	s14 =	smul.u32 $0x50000, s6  }
0x6: {  	s1 =	sor.u32 s0, s1;
	s4 =	ssub.s32 $0x2, s0;
	s0 =	smul.u32 $0x140000, s0  }
0x7: {  	s1 =	smul.u32 $0x500, s1;
	s9 =	sshrl.u32 s4, $0x1;
	s15 =	sor.u32 $0x2000, s5  }
0x8: {  	s16 =	sadd.s32 $0x4000, s5;
	s17 =	sadd.s32 $0x6000, s5;
	s18 =	sadd.s32 $0x8000, s5  }
0x9: {  	s19 =	sadd.s32 $0xA000, s5;
	s20 =	sadd.s32 $0xC000, s5;
	s21 =	sadd.s32 $0xE000, s5  }
0xa: {  	s22 =	sadd.s32 $0x10000, s5;
	s23 =	sadd.s32 $0x12000, s5;
	s26 =	sshrl.u32 s14, $0x2  }
0xb: {  	s25 =	ssub.s32 s4, s9;
	s10 =	sadd.s32 s5, s0;
	s11 =	sadd.s32 s0, s15  }
0xc: {  	s12 =	sadd.s32 s0, s16;
	s24 =	sadd.s32 s0, s17;
	s7 =	sadd.s32 s0, s18  }
0xd: {  	s8 =	sadd.s32 s0, s19;
	s9 =	sadd.s32 s0, s20;
	s14 =	sadd.s32 s26, s2  }
0xe: {  	s15 =	sadd.s32 s15, s2;
	s16 =	sadd.s32 s16, s2;
	s17 =	sadd.s32 s17, s2  }
0xf: {  	s18 =	sadd.s32 s18, s2;
	s19 =	sadd.s32 s19, s2;
	s20 =	sadd.s32 s20, s2  }
0x10: {  	s26 =	simm.s32 $0x9000;
	s1 =	sadd.s32 s1, s3;
	s3 =	sshrl.u32 s10, $0x3  }
0x11: {  	s4 =	sshrl.u32 s11, $0x3;
	s5 =	sshrl.u32 s12, $0x3;
	s6 =	sshrl.u32 s24, $0x3  }
0x12: {  	s7 =	sshrl.u32 s7, $0x3;
	s8 =	sshrl.u32 s8, $0x3;
	s9 =	sshrl.u32 s9, $0x3  }
0x13: {  	s10 =	sadd.s32 s0, s21;
	s11 =	sadd.s32 s0, s22;
	s0 =	sadd.s32 s0, s23  }
0x14: {  	s12 =	simm.s32 $0x0;
	s21 =	sadd.s32 s21, s2;
	s22 =	sadd.s32 s22, s2  }
0x15: {  	s23 =	sadd.s32 s23, s2;
	s25 =	smax.u32 s25, $0x1;
	s3 =	sadd.s32 s13, s3  }
0x16: {  	s4 =	sadd.s32 s13, s4;
	s5 =	sadd.s32 s13, s5;
	s6 =	sadd.s32 s13, s6  }
0x17: {  	s7 =	sadd.s32 s13, s7;
	s8 =	sadd.s32 s13, s8;
	s9 =	sadd.s32 s13, s9  }
0x18: {  	s10 =	sshrl.u32 s10, $0x3;
	s11 =	sshrl.u32 s11, $0x3;
	s0 =	sshrl.u32 s0, $0x3  }
0x19: {  	v0 =	vimm.f32 $0.0e+00;
	vm0 =	vcmask $0x300;
	[smem:$0x7FF] =	sst s12;
	s24 =	sadd.s32 $0x2600, s1;
	s10 =	sadd.s32 s13, s10  }
0x1a: {  	v1 =	vsel vm0, $0x3F800000, v0;
	s11 =	sadd.s32 s13, s11;
	s13 =	sadd.s32 s13, s0;
	_ =	strace $0x80000047  }
.LBB2_1:
0x1b: {  	s0 =	simm.s32 $0x0  }
.LBB2_2:
0x1c: {  	p0 =	sne.s32 s0, $0xF800  }
.Ltmp0:
0x1d: {  	_ = 	snop;
	(pc) =	sbr.rel @p0 .LBB2_2-.Ltmp0, $3  }
0x1e: {  	_ =	sdelay $0x1  }
0x1f: {  	s1 =	sshra.s32 s0, $0x2  }
0x20: {  	s0 =	sadd.s32 $0x200, s0;
	[tilespmem:s1+$0x5000] =	vst v1  }
0x21: {  	s1 =	simm.s32 $0x200;
	s0 =	simm.s32 $0x0  }
.LBB2_4:
0x22: {  	p0 =	sne.s32 s1, $0x7E00;
	[tilespmem:s0+$0x9000] =	vst v0;
	s0 =	smov.u32 s1;
	s1 =	sadd.s32 $0x200, s1  }
.Ltmp1:
0x23: {  	(pc) =	sbr.rel @p0 .LBB2_4-.Ltmp1, $2  }
0x24: {  	_ =	sdelay $0x2  }
0x25: {  	s0 =	sshra.s32 s0, $0x2  }
0x26: {  	[tilespmem:s0+$0x9000] =	vst v0  }
0x27: {  	[spmem:s14] =	stream.linear.scatter [tilespmem:s26], [sflag:$0x1], $0x2000, $0x38;
	[tilespmem:$0xB000] =	vst v63  }
0x28: {  	_ =	swait.ge [sflag:s28], $0x2000  }
0x29: {  	[sflag:s28] =	ssyncset.done $0x0  }
0x2a: {  	[sflag:s28] =	ssyncadd.s32 $0xFFFFE000  }
0x2b: {  	[spmem:s15] =	stream.linear.scatter [tilespmem:s26], [sflag:$0x1], $0x2000, $0x38;
	[tilespmem:$0xB000] =	vst v63  }
0x2c: {  	_ =	swait.ge [sflag:s28], $0x2000  }
0x2d: {  	[sflag:s28] =	ssyncset.done $0x0  }
0x2e: {  	[sflag:s28] =	ssyncadd.s32 $0xFFFFE000  }
0x2f: {  	[spmem:s16] =	stream.linear.scatter [tilespmem:s26], [sflag:$0x1], $0x2000, $0x38;
	[tilespmem:$0xB000] =	vst v63  }
0x30: {  	_ =	swait.ge [sflag:s28], $0x2000  }
0x31: {  	[sflag:s28] =	ssyncset.done $0x0  }
0x32: {  	[sflag:s28] =	ssyncadd.s32 $0xFFFFE000  }
0x33: {  	[spmem:s17] =	stream.linear.scatter [tilespmem:s26], [sflag:$0x1], $0x2000, $0x38;
	[tilespmem:$0xB000] =	vst v63  }
0x34: {  	_ =	swait.ge [sflag:s28], $0x2000  }
0x35: {  	[sflag:s28] =	ssyncset.done $0x0  }
0x36: {  	[sflag:s28] =	ssyncadd.s32 $0xFFFFE000  }
0x37: {  	[spmem:s18] =	stream.linear.scatter [tilespmem:s26], [sflag:$0x1], $0x2000, $0x38;
	[tilespmem:$0xB000] =	vst v63  }
0x38: {  	_ =	swait.ge [sflag:s28], $0x2000  }
0x39: {  	[sflag:s28] =	ssyncset.done $0x0  }
0x3a: {  	[sflag:s28] =	ssyncadd.s32 $0xFFFFE000  }
0x3b: {  	[spmem:s19] =	stream.linear.scatter [tilespmem:s26], [sflag:$0x1], $0x2000, $0x38;
	[tilespmem:$0xB000] =	vst v63  }
0x3c: {  	_ =	swait.ge [sflag:s28], $0x2000  }
0x3d: {  	[sflag:s28] =	ssyncset.done $0x0  }
0x3e: {  	[sflag:s28] =	ssyncadd.s32 $0xFFFFE000  }
0x3f: {  	[spmem:s20] =	stream.linear.scatter [tilespmem:s26], [sflag:$0x1], $0x2000, $0x38;
	[tilespmem:$0xB000] =	vst v63  }
0x40: {  	_ =	swait.ge [sflag:s28], $0x2000  }
0x41: {  	[sflag:s28] =	ssyncset.done $0x0  }
0x42: {  	[sflag:s28] =	ssyncadd.s32 $0xFFFFE000  }
0x43: {  	[spmem:s21] =	stream.linear.scatter [tilespmem:s26], [sflag:$0x1], $0x2000, $0x38;
	[tilespmem:$0xB000] =	vst v63  }
0x44: {  	_ =	swait.ge [sflag:s28], $0x2000  }
0x45: {  	[sflag:s28] =	ssyncset.done $0x0  }
0x46: {  	[sflag:s28] =	ssyncadd.s32 $0xFFFFE000  }
0x47: {  	[spmem:s22] =	stream.linear.scatter [tilespmem:s26], [sflag:$0x1], $0x2000, $0x38;
	[tilespmem:$0xB000] =	vst v63  }
0x48: {  	_ =	swait.ge [sflag:s28], $0x2000  }
0x49: {  	[sflag:s28] =	ssyncset.done $0x0  }
0x4a: {  	[sflag:s28] =	ssyncadd.s32 $0xFFFFE000  }
0x4b: {  	[spmem:s23] =	stream.linear.scatter [tilespmem:s26], [sflag:$0x1], $0x2000, $0x38;
	[tilespmem:$0xB000] =	vst v63  }
0x4c: {  	_ =	swait.ge [sflag:s28], $0x2000  }
0x4d: {  	[sflag:s28] =	ssyncset.done $0x0  }
0x4e: {  	[sflag:s28] =	ssyncadd.s32 $0xFFFFE000  }
0x4f: {  	s1 =	simm.s32 $0x0;
	[bflag:$0x0] =	sbarrier.arrive $0xFFFF  }
0x50: {  	[tilespmem:s29], [sflag:$0x1] =	stream.linear.gather [hbm4b:s24+s1], $0x2800, $0x38;
	[tilespmem:$0xB000] =	vst v63  }
0x51: {  	_ =	swait.ge [sflag:s28], $0x2800  }
0x52: {  	[sflag:s28] =	ssyncset.done $0x0  }
0x53: {  	s1 =	simm.s32 $0x2800;
	[sflag:s28] =	ssyncadd.s32 $0xFFFFD800  }
0x54: {  	[spmem:s2] =	stream.indirect.scatter.add.f32 [tilespmem:s31], [sflag:$0x1], $0x10, s1, s30, $0xb8;
	[tilespmem:$0xB000] =	vst v63  }
0x55: {  	s1 =	simm.s32 $0x200;
	_ =	swait.ge [sflag:s28], $0x7D0  }
.LBB2_6:
0x56: {  	s0 =	sshra.s32 s1, $0x2;
	[sflag:s28] =	ssyncset.done $0x0;
	p0 =	sne.s32 s1, $0x9E00  }
.Ltmp2:
0x57: {  	s0 =	sadd.s32 $0x2800, s0;
	[sflag:s28] =	ssyncadd.s32 $0xFFFFF830;
	(pc) =	sbr.rel @p0 .LBB2_6-.Ltmp2, $3  }
0x58: {  	[spmem:s2] =	stream.indirect.scatter.add.f32 [tilespmem:s31], [sflag:$0x1], $0x10, s0, s30, $0xb8;
	[tilespmem:$0xB000] =	vst v63  }
0x59: {  	s1 =	sadd.s32 $0x200, s1;
	_ =	sdelay $0x1  }
0x5a: {  	_ =	swait.ge [sflag:s28], $0x7D0  }
0x5b: {  	[sflag:s28] =	ssyncset.done $0x0;
	s0 =	stileid.u32  }
0x5c: {  	[sflag:s28] =	ssyncadd.s32 $0xFFFFF830;
	s0 =	sshll.u32 s0, $0x6  }
0x5d: {  	s1 =	sshrl.u32 s14, $0x3;
	[bflag:$0x0] =	sbarrier.arrive $0xFFFF;
	s0 =	sor.u32 $0x1C01, s0  }
0x5e: {  	[hbm:s3], [sflag:s0] =	dma.local [spmem:s1], $0x400  }
0x5f: {  	_ =	swait.ge [sflag:s28], $0x400  }
0x60: {  	[sflag:s28] =	ssyncset.done $0x0  }
0x61: {  	s1 =	sshrl.u32 s15, $0x3;
	[sflag:s28] =	ssyncadd.s32 $0xFFFFFC00  }
0x62: {  	[hbm:s4], [sflag:s0] =	dma.local [spmem:s1], $0x400  }
0x63: {  	_ =	swait.ge [sflag:s28], $0x400  }
0x64: {  	[sflag:s28] =	ssyncset.done $0x0  }
0x65: {  	s1 =	sshrl.u32 s16, $0x3;
	[sflag:s28] =	ssyncadd.s32 $0xFFFFFC00  }
0x66: {  	[hbm:s5], [sflag:s0] =	dma.local [spmem:s1], $0x400  }
0x67: {  	_ =	swait.ge [sflag:s28], $0x400  }
0x68: {  	[sflag:s28] =	ssyncset.done $0x0  }
0x69: {  	s1 =	sshrl.u32 s17, $0x3;
	[sflag:s28] =	ssyncadd.s32 $0xFFFFFC00  }
0x6a: {  	[hbm:s6], [sflag:s0] =	dma.local [spmem:s1], $0x400  }
0x6b: {  	_ =	swait.ge [sflag:s28], $0x400  }
0x6c: {  	[sflag:s28] =	ssyncset.done $0x0  }
0x6d: {  	s1 =	sshrl.u32 s18, $0x3;
	[sflag:s28] =	ssyncadd.s32 $0xFFFFFC00  }
0x6e: {  	[hbm:s7], [sflag:s0] =	dma.local [spmem:s1], $0x400  }
0x6f: {  	_ =	swait.ge [sflag:s28], $0x400  }
0x70: {  	[sflag:s28] =	ssyncset.done $0x0  }
0x71: {  	s1 =	sshrl.u32 s19, $0x3;
	[sflag:s28] =	ssyncadd.s32 $0xFFFFFC00  }
0x72: {  	[hbm:s8], [sflag:s0] =	dma.local [spmem:s1], $0x400  }
0x73: {  	_ =	swait.ge [sflag:s28], $0x400  }
0x74: {  	[sflag:s28] =	ssyncset.done $0x0  }
0x75: {  	s1 =	sshrl.u32 s20, $0x3;
	[sflag:s28] =	ssyncadd.s32 $0xFFFFFC00  }
0x76: {  	[hbm:s9], [sflag:s0] =	dma.local [spmem:s1], $0x400  }
0x77: {  	_ =	swait.ge [sflag:s28], $0x400  }
0x78: {  	[sflag:s28] =	ssyncset.done $0x0  }
0x79: {  	s1 =	sshrl.u32 s21, $0x3;
	[sflag:s28] =	ssyncadd.s32 $0xFFFFFC00  }
0x7a: {  	[hbm:s10], [sflag:s0] =	dma.local [spmem:s1], $0x400  }
0x7b: {  	_ =	swait.ge [sflag:s28], $0x400  }
0x7c: {  	[sflag:s28] =	ssyncset.done $0x0  }
0x7d: {  	s1 =	sshrl.u32 s22, $0x3;
	[sflag:s28] =	ssyncadd.s32 $0xFFFFFC00  }
0x7e: {  	[hbm:s11], [sflag:s0] =	dma.local [spmem:s1], $0x400  }
0x7f: {  	s12 =	sadd.s32 $0x1, s12;
	_ =	swait.ge [sflag:s28], $0x400  }
0x80: {  	p0 =	sne.s32 s12, s25;
	[sflag:s28] =	ssyncset.done $0x0  }
.Ltmp3:
0x81: {  	s1 =	sshrl.u32 s23, $0x3;
	[sflag:s28] =	ssyncadd.s32 $0xFFFFFC00;
	(pc) =	sbr.rel @p0 .LBB2_1-.Ltmp3, $4  }
0x82: {  	[hbm:s13], [sflag:s0] =	dma.local [spmem:s1], $0x400  }
0x83: {  	_ =	swait.ge [sflag:s28], $0x400  }
0x84: {  	[sflag:s28] =	ssyncset.done $0x0  }
0x85: {  	[sflag:s28] =	ssyncadd.s32 $0xFFFFFC00  }
0x86: {  	_ =	sfence.sel $0x180000  }
0x87: {  	[bflag:$0x0] =	sbarrier.arrive $0xFFFF  }
0x88: {  	_ =	strace $0x90000047  }
0x89: {  	s0 =	stileid.u32;
	[bflag:$0x2] =	sbarrier.arrive $0xFFFF  }
0x8a: {  	p0 =	sne.s32 s0, $0x0;
	s0 =	rddreg [dreg:$0x2]  }
0x8b: {  	s0 =	sadd.s32 @!p0 $0x100000, s0  }
0x8c: {  	[sflag:s0] =	ssyncadd.tile.s32 @!p0 $0x1;
	_ =	shalt  }
.Lfunc_end2:
_tile_overlayer_lowered:
.L_overlay_start_2:
0x8d: {  	(tag) =	ssettag $0x2  }
0x8e: {  	s0 =	rddreg [dreg:$0x0];
	s2 =	stileid.u32  }
0x8f: {  	s1 =	rddreg [dreg:$0x1];
	p0 =	sne.s32 s2, $0x0  }
0x90: {  	s3 =	rddreg [dreg:$0x2];
	[bflag:$0x3] =	sbarrier.arrive $0xFFFF;
	s2 =	simm.s32 @!p0 $0x1C01  }
0x91: {  	[timem:s3], [sflag:s2] =	dma.local @!p0 [hbm:s0], s1  }
0x92: {  	s0 =	simm.s32 @!p0 $0x1  }
0x93: {  	_ =	swait.ge @!p0 [sflag:s0], s1  }
0x94: {  	s1 =	ssub.s32 @!p0 $0x0, s1;
	[sflag:s0] =	ssyncset.done @!p0 $0x0  }
0x95: {  	[sflag:s0] =	ssyncadd.s32 @!p0 s1  }
0x96: {  	[bflag:$0x3] =	sbarrier.arrive $0xFFFF  }
0x97: {  	_ =	shalt  }

// kernel: kernel.9.cloned.1.call-start
scs
__scs_entry_jumppad:
0x0: {  	(pc) =	sbr.rel $0x88, $3  }
0x1: {  	(tag) =	ssettag $0x0;
	lr =	simm.s32 $0x1  }
0x2: {  	[smem:$0x3F98] =	sst lr;
	_ =	strace $0xD0000000  }
0x3: {  	_ = 	snop  }
0x4: {  	_ = 	snop  }
0x5: {  	_ = 	snop  }
0x6: {  	_ = 	snop  }
0x7: {  	_ = 	snop  }
__scs_overlays_trampoline_lowered:
0x8: {  	[smem:$0x3FA7] =	sst s0  }
0x9: {  	[smem:$0x3FA8] =	sst s1  }
0xa: {  	[smem:$0x3FA9] =	sst s2  }
0xb: {  	[smem:$0x3FAA] =	sst s3  }
0xc: {  	[smem:$0x3FAB] =	sst s4  }
0xd: {  	[smem:$0x3FAC] =	sst s5  }
0xe: {  	[smem:$0x3FAD] =	sst s6  }
0xf: {  	[smem:$0x3FAE] =	sst s7  }
0x10: {  	[smem:$0x3FAF] =	sst s8  }
0x11: {  	[smem:$0x3FB0] =	sst s9;
	s0 =	simm.s32 @!p0 $0x0  }
0x12: {  	s1 =	sld [smem:$0x3F96];
	s0 =	simm.s32 @p0 $0x1  }
0x13: {  	[smem:$0x3FB1] =	sst s0;
	s0 =	simm.s32 @!p1 $0x0  }
0x14: {  	s2 =	sld [smem:$0x3F95];
	s0 =	simm.s32 @p1 $0x1  }
0x15: {  	[smem:$0x3FB2] =	sst s0;
	s0 =	simm.s32 @!p2 $0x0  }
0x16: {  	s3 =	sld [smem:$0x3FDB];
	s0 =	simm.s32 @p2 $0x1  }
0x17: {  	s4 =	simm.s32 $0x1BF5;
	[smem:$0x3FB4] =	sst s0  }
0x18: {  	s0 =	sld [smem:$0x3F97];
	_ =	swait.ge [sflag:s4], $0x0  }
0x19: {  	s7 =	sld [smem:$0x3F98]  }
0x1a: {  	s8 =	sadd.s32 $0xFFFFE003, lr  }
0x1b: {  	s9 =	sadd.s32 $0xFFFFFEF7, lr;
	s5 =	simm.s32 $0xFFFFFFFF;
	p2 =	slt.u32 s8, $0xFFFFF086  }
0x1c: {  	p1 =	slt.u32 s9, $0xF7A;
	s5 =	simm.s32 @!p2 $0x0  }
0x1d: {  	s5 =	simm.s32 @p1 $0x1;
	p0 =	seq.s32 s7, s2  }
0x1e: {  	s7 =	smul.u32 @!p0 $0xF7A, s2;
	p2 =	seq.s32 @!p0 s5, $0x0  }
0x1f: {  	s9 =	smul.u32 $0xF7A, s1;
	s8 =	simm.s32 @!p0 $0x1BF5;
	p2 =	por !p2, p0  }
0x20: {  	[sflag:s8] =	ssyncset.s32 @!p0 $0xFFFFF086;
	s6 =	sadd.s32 @!p0 s3, s7;
	s7 =	simm.s32 @!p0 $0x108  }
0x21: {  	s3 =	sadd.s32 s3, s9;
	s6 =	sadd.s32 @!p0 $0x88, s6;
	s7 =	simm.s32 @p2 $0x1082  }
0x22: {  	[simem:s7], [sflag:s8] =	dma.local @!p0 [hbm:s6], $0xF7A  }
0x23: {  	s9 =	sor.u32 $0xD0000000, s2;
	s6 =	simm.s32 $0x108;
	_ =	swait.ge @!p0 [sflag:s8], $0x0  }
0x24: {  	s3 =	sadd.s32 $0x88, s3;
	s6 =	simm.s32 @!p1 $0x1082;
	[sflag:s4] =	ssyncset.s32 $0xFFFFF086  }
0x25: {  	[simem:s6], [sflag:s4] =	dma.local [hbm:s3], $0xF7A  }
0x26: {  	[smem:$0x3F98] =	sst s1;
	(tag) =	ssettag s2;
	_ =	strace s9  }
0x27: {  	s1 =	sld [smem:$0x3FA8]  }
0x28: {  	s2 =	sld [smem:$0x3FA9]  }
0x29: {  	s4 =	sld [smem:$0x3FAB]  }
0x2a: {  	p0 =	seq.s32 s5, $0x0;
	s5 =	sld [smem:$0x3FAC]  }
0x2b: {  	s6 =	sld [smem:$0x3FAD]  }
0x2c: {  	s7 =	sld [smem:$0x3FAE]  }
0x2d: {  	s3 =	simm.s32 $0x108;
	s8 =	sld [smem:$0x3FAF]  }
0x2e: {  	s3 =	simm.s32 @!p0 $0x1082;
	s9 =	sld [smem:$0x3FB0]  }
0x2f: {  	lr =	sadd.s32 s0, s3;
	s0 =	sld [smem:$0x3FA7]  }
0x30: {  	s3 =	sld [smem:$0x3FAA]  }
0x31: {  	[smem:$0x3FB3] =	sst s10  }
0x32: {  	s10 =	sld [smem:$0x3FB1];
	_ =	sdelay $0x3  }
0x33: {  	p0 =	seq.s32 s10, $0x1;
	s10 =	sld [smem:$0x3FB3];
	_ =	sdelay $0x3  }
0x34: {  	[smem:$0x3FB3] =	sst s10  }
0x35: {  	s10 =	sld [smem:$0x3FB2];
	_ =	sdelay $0x3  }
0x36: {  	p1 =	seq.s32 s10, $0x1;
	s10 =	sld [smem:$0x3FB3];
	_ =	sdelay $0x3  }
0x37: {  	[smem:$0x3FB3] =	sst s10  }
0x38: {  	s10 =	sld [smem:$0x3FB4]  }
0x39: {  	_ = 	snop;
	(pc) =	sbr.ind lr, $3  }
0x3a: {  	_ = 	snop  }
0x3b: {  	_ = 	snop  }
0x3c: {  	p2 =	seq.s32 s10, $0x1;
	s10 =	sld [smem:$0x3FB3]  }
0x3d: {  	_ =	shalt  }
0x3e: {  	_ =	shalt  }
0x3f: {  	_ =	shalt  }
0x40: {  	_ =	shalt  }
0x41: {  	_ =	shalt  }
0x42: {  	_ =	shalt  }
0x43: {  	_ =	shalt  }
0x44: {  	_ =	shalt  }
0x45: {  	_ =	shalt  }
0x46: {  	_ =	shalt  }
0x47: {  	_ =	shalt  }
0x48: {  	_ =	shalt  }
0x49: {  	_ =	shalt  }
0x4a: {  	_ =	shalt  }
0x4b: {  	_ =	shalt  }
0x4c: {  	_ =	shalt  }
0x4d: {  	_ =	shalt  }
0x4e: {  	_ =	shalt  }
0x4f: {  	_ =	shalt  }
0x50: {  	_ =	shalt  }
0x51: {  	_ =	shalt  }
0x52: {  	_ =	shalt  }
0x53: {  	_ =	shalt  }
0x54: {  	_ =	shalt  }
0x55: {  	_ =	shalt  }
0x56: {  	_ =	shalt  }
0x57: {  	_ =	shalt  }
0x58: {  	_ =	shalt  }
0x59: {  	_ =	shalt  }
0x5a: {  	_ =	shalt  }
0x5b: {  	_ =	shalt  }
0x5c: {  	_ =	shalt  }
0x5d: {  	_ =	shalt  }
0x5e: {  	_ =	shalt  }
0x5f: {  	_ =	shalt  }
0x60: {  	_ =	shalt  }
0x61: {  	_ =	shalt  }
0x62: {  	_ =	shalt  }
0x63: {  	_ =	shalt  }
0x64: {  	_ =	shalt  }
0x65: {  	_ =	shalt  }
0x66: {  	_ =	shalt  }
0x67: {  	_ =	shalt  }
0x68: {  	_ =	shalt  }
0x69: {  	_ =	shalt  }
0x6a: {  	_ =	shalt  }
0x6b: {  	_ =	shalt  }
0x6c: {  	_ =	shalt  }
0x6d: {  	_ =	shalt  }
0x6e: {  	_ =	shalt  }
0x6f: {  	_ =	shalt  }
0x70: {  	_ =	shalt  }
0x71: {  	_ =	shalt  }
0x72: {  	_ =	shalt  }
0x73: {  	_ =	shalt  }
0x74: {  	_ =	shalt  }
0x75: {  	_ =	shalt  }
0x76: {  	_ =	shalt  }
0x77: {  	_ =	shalt  }
0x78: {  	_ =	shalt  }
0x79: {  	_ =	shalt  }
0x7a: {  	_ =	shalt  }
0x7b: {  	_ =	shalt  }
0x7c: {  	_ =	shalt  }
0x7d: {  	_ =	shalt  }
0x7e: {  	_ =	shalt  }
0x7f: {  	_ =	shalt  }
0x80: {  	_ =	shalt  }
0x81: {  	_ =	shalt  }
0x82: {  	_ =	shalt  }
0x83: {  	_ =	shalt  }
0x84: {  	_ =	shalt  }
0x85: {  	_ =	shalt  }
0x86: {  	_ =	shalt  }
0x87: {  	_ =	shalt  }
.Lfunc_end0:
.L_simem_size_0:
called_computation.1_lowered:
.L_overlay_start_0:
0x88: {  	s2 =	sld [smem:$0x3FD9]  }
0x89: {  	s3 =	sld [smem:$0x3FFE];
	_ =	sdelay $0x1  }
0x8a: {  	s1 =	srdreg.scid  }
0x8b: {  	s0 =	sand.u32 $0x1, s1  }
0x8c: {  	s16 =	sshll.u32 s0, $0xA;
	s2 =	sadd.s32 s3, s2  }
0x8d: {  	s2 =	sadd.s32 s2, s16  }
0x8e: {  	[smem:$0x3FBF] =	sst s2  }
0x8f: {  	_ = 	snop  }
0x90: {  	(tm) =	ssettm $0x1  }
0x91: {  	s17 =	sld [smem:$0x3FFB];
	_ =	sdelay $0x3  }
0x92: {  	_ =	strace s17  }
0x93: {  	s2 =	sld [smem:$0x3FFC];
	_ =	sdelay $0x3  }
0x94: {  	_ =	strace s2  }
0x95: {  	s2 =	sld [smem:$0x3FFD];
	_ =	sdelay $0x3  }
0x96: {  	_ =	strace s2  }
0x97: {  	_ =	strace $0x8FFFFFFF  }
0x98: {  	s18 =	sld [smem:$0x3FDB];
	_ =	sdelay $0x1  }
0x99: {  	s19 =	simm.s32 $_scs_section_size  }
0x9a: {  	s4 =	simm.s32 $_size__tile_overlayer_lowered;
	s5 =	simm.s32 $_tile_overlayer_lowered  }
0x9b: {  	s22 =	simm.s32 $0x1BFF;
	s21 =	sshll.u32 s5, $0x1;
	s2 =	sadd.s32 s19, s18  }
0x9c: {  	s6 =	simm.s32 $0x0;
	s20 =	sshll.u32 s4, $0x1;
	s4 =	sadd.s32 s21, s2  }
0x9d: {  	[timem:s6], [sflag:s22] =	dma.local [hbm:s4], s20  }
0x9e: {  	_ =	swait.ge [sflag:s22], s20  }
0x9f: {  	s3 =	ssub.s32 $0x0, s20;
	[sflag:s22] =	ssyncset.done $0x0  }
0xa0: {  	[sflag:s22] =	ssyncadd.s32 s3;
	_ =	sdelay $0x1  }
0xa1: {  	s23 =	simm.s32 $0x1B8B  }
0xa2: {  	_ =	swait.ge [sflag:s23], $0x1  }
0xa3: {  	[sflag:s23] =	ssyncset.done $0x0  }
0xa4: {  	s25 =	simm.s32 $0x1B8E;
	s24 =	sld [smem:$0x3FFE];
	[sflag:s23] =	ssyncadd.s32 $0xFFFFFFFF  }
0xa5: {  	s26 =	simm.s32 $execute0_lowered;
	[smem:$0x3FD2] =	sst s25  }
0xa6: {  	s4 =	sshll.u32 s26, $0x1;
	_ =	strace $0x80000049;
	[dreg:$0x1] =	wrdreg $0xFFFFFFFF  }
0xa7: {  	s28 =	simm.s32 $_size_execute0_lowered;
	s2 =	sadd.s32 s2, s4;
	[dreg:$0x0] =	wrdreg $0x0  }
0xa8: {  	s4 =	sshll.u32 s28, $0x1;
	[dreg:$0x2] =	wrdreg s2  }
0xa9: {  	[dreg:$0x3] =	wrdreg s4  }
0xaa: {  	[dreg:$0x4] =	wrdreg $0xC0  }
0xab: {  	_ =	task [dreg:s6], $0x5FFFF  }
0xac: {  	[dreg:$0x1] =	wrdreg $0xFFFFFFFF  }
0xad: {  	[dreg:$0x0] =	wrdreg $0x60  }
0xae: {  	[dreg:$0x2] =	wrdreg s24  }
0xaf: {  	[dreg:$0x3] =	wrdreg $0x0  }
0xb0: {  	[dreg:$0x4] =	wrdreg $0x9  }
0xb1: {  	_ =	task.clear_ibuf [dreg:s6], $0x5FFFF;
	_ =	strace $0x90000049  }
0xb2: {  	s29 =	simm.s32 $0x9;
	_ =	strace $0x8000004B  }
0xb3: {  	_ =	swait.ge [sflag:s29], $0x1  }
0xb4: {  	[sflag:s29] =	ssyncadd.s32 $0xFFFFFFFF  }
0xb5: {  	_ =	strace $0x9000004B  }
0xb6: {  	_ =	sfence  }
0xb7: {  	s30 =	sld [smem:$0x0];
	_ =	sdelay $0x2  }
0xb8: {  	s31 =	sshll.u32 s1, $0xD;
	s1 =	sshrl.u32 s1, $0x2  }
0xb9: {  	s3 =	sand.u32 $0x4000, s31;
	s1 =	sadd.s32 s1, s30  }
0xba: {  	s0 =	sor.u32 s3, s0;
	s1 =	sshll.u32 s1, $0x11  }
0xbb: {  	s0 =	sor.u32 s1, s0  }
0xbc: {  	s0 =	sadd.s32 $0x8F2B, s0  }
0xbd: {  	[sflag:s0] =	ssyncadd.remote.s32 $0x1  }
0xbe: {  	_ =	sfence.sel $0xFFFF  }
0xbf: {  	[dreg:$0x0] =	wrdreg $0xFFFFFFFF;
	(pc) =	sbr.abs _section_cstart, $3  }
0xc0: {  	[dreg:$0x1] =	wrdreg $0xFFFFFFFF  }
0xc1: {  	_ =	task.clear_ibuf [dreg:s6], $0x2FFFF;
	_ =	strace $0x9FFFFFFF  }
0xc2: {  	(tm) =	ssettm $0x7FFFFFFF  }
0xc3: {  	_ =	shalt  }
tec
execute0_lowered:
.L_overlay_start_1:
0x0: {  	(tag) =	ssettag $0x1  }
0x1: {  	s0 =	rddreg [dreg:$0x0]  }
0x2: {  	s2 =	srdreg.scid;
	s1 =	stileid.u32  }
0x3: {  	s4 =	simm.s32 $0x0;
	s3 =	sand.u32 $0x1, s2;
	s6 =	smul.u32 $0x14000, s1  }
0x4: {  	[smem:$0x7FF] =	sst s4;
	s20 =	sshll.u32 s1, $0x1;
	s18 =	smul.u32 $0x14, s1  }
0x5: {  	s7 =	sadd.s32 $0x66600, s0;
	s2 =	ssub.s32 $0x2, s3;
	s9 =	smul.u32 $0x140000, s3  }
0x6: {  	s4 =	sor.u32 s3, s20;
	s3 =	smul.u32 $0xA, s3;
	s5 =	sshrl.u32 s2, $0x1  }
0x7: {  	s4 =	smul.u32 $0x500, s4;
	s8 =	sadd.s32 $0x4000, s6;
	s10 =	sadd.s32 $0x6000, s6  }
0x8: {  	s11 =	sadd.s32 $0x8000, s6;
	s12 =	sadd.s32 $0xA000, s6;
	s13 =	sadd.s32 $0xC000, s6  }
0x9: {  	s14 =	sadd.s32 $0xE000, s6;
	s25 =	sadd.s32 $0x10000, s6;
	s2 =	ssub.s32 s2, s5  }
0xa: {  	s5 =	sor.u32 $0x2000, s6;
	s15 =	sadd.s32 s6, s9;
	s6 =	sadd.s32 $0x12000, s6  }
0xb: {  	s22 =	sadd.s32 s9, s8;
	s23 =	sadd.s32 s9, s10;
	s17 =	sadd.s32 s9, s11  }
0xc: {  	s28 =	sadd.s32 s9, s12;
	s29 =	sadd.s32 s9, s13;
	s3 =	sadd.s32 s3, s18  }
0xd: {  	s19 =	sadd.s32 s9, s25;
	s15 =	sshrl.u32 s15, $0x3;
	s16 =	sadd.s32 s9, s5  }
0xe: {  	s26 =	sshrl.u32 s17, $0x3;
	s17 =	sshrl.u32 s29, $0x3;
	s3 =	sshll.u32 s3, $0x7  }
0xf: {  	s15 =	sadd.s32 s7, s15;
	s21 =	sshrl.u32 s16, $0x3;
	s16 =	sshrl.u32 s23, $0x3  }
0x10: {  	[dreg:$0x3] =	wrdreg s15;
	s15 =	sadd.s32 s7, s21;
	s24 =	sadd.s32 s7, s16  }
0x11: {  	s16 =	sshrl.u32 s28, $0x3;
	s21 =	sadd.s32 $0x5C600, s0;
	[dreg:$0x4] =	wrdreg s15  }
0x12: {  	s15 =	sshrl.u32 s22, $0x3;
	[dreg:$0x6] =	wrdreg s24;
	s31 =	sadd.s32 s7, s16  }
0x13: {  	s16 =	sadd.s32 s7, s17;
	s17 =	sadd.s32 s9, s14;
	s9 =	sadd.s32 s9, s6  }
0x14: {  	s22 =	sadd.s32 $0x2600, s0;
	s23 =	sadd.s32 s21, s4;
	s24 =	smul.u32 $0x50000, s1  }
0x15: {  	s28 =	sadd.s32 s3, s21;
	s15 =	sadd.s32 s7, s15;
	[dreg:$0x8] =	wrdreg s31  }
0x16: {  	[dreg:$0x9] =	wrdreg s16;
	s16 =	sshrl.u32 s19, $0x3;
	s9 =	sshrl.u32 s9, $0x3  }
0x17: {  	[dreg:$0xd] =	wrdreg s23;
	s3 =	sadd.s32 s3, s22;
	s31 =	smax.u32 s2, $0x1  }
0x18: {  	s2 =	simm.s32 $0x15800;
	[dreg:$0x5] =	wrdreg s15;
	s15 =	sadd.s32 s7, s26  }
0x19: {  	s20 =	sadd.s32 s7, s16;
	s26 =	sadd.s32 s22, s4;
	[dreg:$0x7] =	wrdreg s15  }
0x1a: {  	s29 =	sshrl.u32 s24, $0x2;
	s15 =	sshrl.u32 s17, $0x3;
	[dreg:$0xb] =	wrdreg s20  }
0x1b: {  	s16 =	sadd.s32 $0xC600, s0;
	[dreg:$0xe] =	wrdreg s26;
	s15 =	sadd.s32 s7, s15  }
0x1c: {  	s30 =	sadd.s32 $0x80, s3;
	s7 =	sadd.s32 s7, s9;
	[dreg:$0xa] =	wrdreg s15  }
0x1d: {  	s0 =	simm.s32 $0x7D;
	s3 =	simm.s32 $0x19800;
	[dreg:$0xc] =	wrdreg s7  }
0x1e: {  	s4 =	simm.s32 $0x1;
	s9 =	sadd.s32 $0x80, s28;
	s15 =	rddreg [dreg:$0x1]  }
0x1f: {  	_ =	strace $0x8000004A;
	s17 =	sadd.s32 s29, s15;
	s18 =	sadd.s32 s5, s15  }
0x20: {  	s19 =	sadd.s32 s8, s15;
	s20 =	sadd.s32 s10, s15;
	s21 =	sadd.s32 s11, s15  }
0x21: {  	s22 =	sadd.s32 s12, s15;
	s23 =	sadd.s32 s13, s15;
	s24 =	sadd.s32 s14, s15  }
0x22: {  	s25 =	sadd.s32 s25, s15;
	s26 =	sadd.s32 s6, s15;
	[dreg:$0xf] =	wrdreg s31  }
0x23: {  	v0 =	vimm.f32 $0.0e+00;
	s13 =	simm.s32 $0x3;
	s5 =	simm.s32 $0x2;
	s6 =	simm.s32 $0x0  }
.LBB2_1:
0x24: {  	s1 =	simm.s32 $0x0;
	s7 =	rddreg [dreg:$0xd];
	s8 =	simm.s32 $0x14000  }
0x25: {  	[tilespmem:s8], [sflag:$0x3] =	stream.linear.gather [hbm4b:s7+s1], $0x400, $0x38;
	[tilespmem:$0x1D800] =	vst v63  }
0x26: {  	_ =	swait.ge [sflag:s13], $0x400  }
0x27: {  	[sflag:s13] =	ssyncset.done $0x0  }
0x28: {  	s10 =	simm.s32 $0x14C00;
	s14 =	rddreg [dreg:$0xe];
	[sflag:s13] =	ssyncadd.s32 $0xFFFFFC00  }
0x29: {  	[tilespmem:s10], [sflag:$0x3] =	stream.linear.gather [hbm4b:s14+s1], $0x400, $0x38;
	[tilespmem:$0x1D800] =	vst v63  }
0x2a: {  	_ =	swait.ge [sflag:s13], $0x400  }
0x2b: {  	s28 =	sand.u32 $0x7E00, s1;
	[sflag:s13] =	ssyncset.done $0x0  }
0x2c: {  	s29 =	sand.u32 $0x70, s1;
	s31 =	sshrl.u32 s28, $0x2;
	[sflag:s13] =	ssyncadd.s32 $0xFFFFFC00  }
0x2d: {  	[tilespmem:s2], [sflag:$0x1] =	stream.indirect.gather [hbm4b:s16+s0], $0x80, s8, s0, $0xb8;
	[tilespmem:$0x1D800] =	vst v63  }
0x2e: {  	s7 =	simm.s32 $0x40;
	s10 =	sor.u32 s29, s31;
	s8 =	simm.s32 $0x0  }
.LBB2_2:
0x2f: {  	p0 =	sne.s32 s7, $0x7FC0  }
0x30: {  	[tilespmem:s10+$0x19800] =	vst v0;
	s8 =	sadd.s32 $0x10, s8;
	s10 =	smov.u32 s7;
	s7 =	sadd.s32 $0x40, s7  }
.Ltmp0:
0x31: {  	(pc) =	sbr.rel @p0 .LBB2_2-.Ltmp0, $4  }
0x32: {  	_ = 	snop  }
0x33: {  	s10 =	sand.u32 $0x7E00, s10  }
0x34: {  	s11 =	sand.u32 $0x70, s8;
	s10 =	sshrl.u32 s10, $0x2  }
0x35: {  	s10 =	sor.u32 s11, s10  }
0x36: {  	[tilespmem:s10+$0x19800] =	vst v0  }
0x37: {  	[spmem:s17] =	stream.linear.scatter [tilespmem:s3], [sflag:$0x3], $0x2000, $0x38;
	[tilespmem:$0x1D800] =	vst v63  }
0x38: {  	_ =	swait.ge [sflag:s13], $0x2000  }
0x39: {  	[sflag:s13] =	ssyncset.done $0x0  }
0x3a: {  	[sflag:s13] =	ssyncadd.s32 $0xFFFFE000  }
0x3b: {  	[spmem:s18] =	stream.linear.scatter [tilespmem:s3], [sflag:$0x3], $0x2000, $0x38;
	[tilespmem:$0x1D800] =	vst v63  }
0x3c: {  	_ =	swait.ge [sflag:s13], $0x2000  }
0x3d: {  	[sflag:s13] =	ssyncset.done $0x0  }
0x3e: {  	[sflag:s13] =	ssyncadd.s32 $0xFFFFE000  }
0x3f: {  	[spmem:s19] =	stream.linear.scatter [tilespmem:s3], [sflag:$0x3], $0x2000, $0x38;
	[tilespmem:$0x1D800] =	vst v63  }
0x40: {  	_ =	swait.ge [sflag:s13], $0x2000  }
0x41: {  	[sflag:s13] =	ssyncset.done $0x0  }
0x42: {  	[sflag:s13] =	ssyncadd.s32 $0xFFFFE000  }
0x43: {  	[spmem:s20] =	stream.linear.scatter [tilespmem:s3], [sflag:$0x3], $0x2000, $0x38;
	[tilespmem:$0x1D800] =	vst v63  }
0x44: {  	_ =	swait.ge [sflag:s13], $0x2000  }
0x45: {  	[sflag:s13] =	ssyncset.done $0x0  }
0x46: {  	[sflag:s13] =	ssyncadd.s32 $0xFFFFE000  }
0x47: {  	[spmem:s21] =	stream.linear.scatter [tilespmem:s3], [sflag:$0x3], $0x2000, $0x38;
	[tilespmem:$0x1D800] =	vst v63  }
0x48: {  	_ =	swait.ge [sflag:s13], $0x2000  }
0x49: {  	[sflag:s13] =	ssyncset.done $0x0  }
0x4a: {  	[sflag:s13] =	ssyncadd.s32 $0xFFFFE000  }
0x4b: {  	[spmem:s22] =	stream.linear.scatter [tilespmem:s3], [sflag:$0x3], $0x2000, $0x38;
	[tilespmem:$0x1D800] =	vst v63  }
0x4c: {  	_ =	swait.ge [sflag:s13], $0x2000  }
0x4d: {  	[sflag:s13] =	ssyncset.done $0x0  }
0x4e: {  	[sflag:s13] =	ssyncadd.s32 $0xFFFFE000  }
0x4f: {  	[spmem:s23] =	stream.linear.scatter [tilespmem:s3], [sflag:$0x3], $0x2000, $0x38;
	[tilespmem:$0x1D800] =	vst v63  }
0x50: {  	_ =	swait.ge [sflag:s13], $0x2000  }
0x51: {  	[sflag:s13] =	ssyncset.done $0x0  }
0x52: {  	s7 =	simm.s32 $0x0;
	[sflag:s13] =	ssyncadd.s32 $0xFFFFE000  }
0x53: {  	[spmem:s24] =	stream.linear.scatter [tilespmem:s3], [sflag:$0x3], $0x2000, $0x38;
	[tilespmem:$0x1D800] =	vst v63  }
0x54: {  	s7 =	smul.u32 $0xAB, s7;
	_ =	swait.ge [sflag:s13], $0x2000  }
0x55: {  	[sflag:s13] =	ssyncset.done $0x0  }
0x56: {  	s8 =	sadd.s32 $0xAB, s7;
	[sflag:s13] =	ssyncadd.s32 $0xFFFFE000  }
0x57: {  	[spmem:s25] =	stream.linear.scatter [tilespmem:s3], [sflag:$0x3], $0x2000, $0x38;
	[tilespmem:$0x1D800] =	vst v63  }
0x58: {  	s8 =	sshrl.u32 s8, $0x9;
	_ =	swait.ge [sflag:s13], $0x2000  }
0x59: {  	s8 =	sand.u32 $0x7F, s8;
	[sflag:s13] =	ssyncset.done $0x0  }
0x5a: {  	p0 =	por $0x0, $0x0;
	s8 =	smul.u32 $0x3, s8;
	[sflag:s13] =	ssyncadd.s32 $0xFFFFE000  }
0x5b: {  	[spmem:s26] =	stream.linear.scatter [tilespmem:s3], [sflag:$0x3], $0x2000, $0x38;
	[tilespmem:$0x1D800] =	vst v63  }
0x5c: {  	s11 =	simm.s32 @!p0 $0x3;
	s8 =	ssub.s32 $0x1, s8;
	_ =	swait.ge [sflag:s13], $0x2000  }
0x5d: {  	s14 =	simm.s32 @!p0 $0x0;
	s8 =	sand.u32 $0xFF, s8;
	[sflag:s13] =	ssyncset.done $0x0  }
0x5e: {  	s7 =	sshrl.u32 s7, $0x9;
	s10 =	sshll.u32 @!p0 s8, $0xA;
	[sflag:s13] =	ssyncadd.s32 $0xFFFFE000  }
0x5f: {  	s7 =	sand.u32 $0x7F, s7;
	s12 =	sadd.s32 @!p0 $0x14000, s10;
	[bflag:$0x0] =	sbarrier.arrive $0xFFFF  }
0x60: {  	[tilespmem:s12], [sflag:$0x3] =	stream.linear.gather @!p0 [hbm4b:s9+s14], $0x400, $0x38;
	[tilespmem:$0x1D800] =	vst v63  }
0x61: {  	s7 =	smul.u32 $0x3, s7;
	_ =	swait.ge @!p0 [sflag:s11], $0x400  }
0x62: {  	[sflag:s11] =	ssyncset.done @!p0 $0x0  }
0x63: {  	s7 =	ssub.s32 $0x0, s7;
	s10 =	sadd.s32 @!p0 $0x14C00, s10;
	[sflag:s11] =	ssyncadd.s32 @!p0 $0xFFFFFC00  }
0x64: {  	[tilespmem:s10], [sflag:$0x3] =	stream.linear.gather @!p0 [hbm4b:s30+s14], $0x400, $0x38;
	[tilespmem:$0x1D800] =	vst v63  }
0x65: {  	s7 =	sand.u32 $0xFF, s7;
	_ =	swait.ge @!p0 [sflag:s11], $0x400  }
0x66: {  	s12 =	sshll.u32 s7, $0xA;
	[sflag:s11] =	ssyncset.done @!p0 $0x0  }
0x67: {  	s7 =	sadd.s32 $0x14080, s12;
	[sflag:s11] =	ssyncadd.s32 @!p0 $0xFFFFFC00  }
0x68: {  	[tilespmem:s3], [sflag:$0x2] =	stream.indirect.gather [hbm4b:s16+s0], $0x80, s7, s0, $0xb8;
	[tilespmem:$0x1D800] =	vst v63  }
0x69: {  	_ =	swait.ge [sflag:s4], $0x3E80  }
0x6a: {  	[sflag:s4] =	ssyncset.done $0x0  }
0x6b: {  	s14 =	sadd.s32 $0x14C00, s12;
	[sflag:s4] =	ssyncadd.s32 $0xFFFFC180  }
0x6c: {  	[spmem:s15] =	stream.indirect.scatter.add.f32 [tilespmem:s2], [sflag:$0x3], $0x80, s14, s0, $0xb8;
	[tilespmem:$0x1D800] =	vst v63  }
0x6d: {  	_ =	swait.ge [sflag:s13], $0x3E80  }
0x6e: {  	[sflag:s13] =	ssyncset.done $0x0  }
0x6f: {  	s28 =	sadd.s32 $0x14100, s12;
	[sflag:s13] =	ssyncadd.s32 $0xFFFFC180  }
0x70: {  	[tilespmem:s2], [sflag:$0x1] =	stream.indirect.gather [hbm4b:s16+s0], $0x80, s28, s0, $0xb8;
	[tilespmem:$0x1D800] =	vst v63  }
0x71: {  	_ =	swait.ge [sflag:s5], $0x3E80  }
0x72: {  	[sflag:s5] =	ssyncset.done $0x0  }
0x73: {  	s1 =	sadd.s32 $0x14C80, s12;
	[sflag:s5] =	ssyncadd.s32 $0xFFFFC180  }
0x74: {  	[spmem:s15] =	stream.indirect.scatter.add.f32 [tilespmem:s3], [sflag:$0x3], $0x80, s1, s0, $0xb8;
	[tilespmem:$0x1D800] =	vst v63  }
0x75: {  	_ =	swait.ge [sflag:s13], $0x3E80  }
0x76: {  	[sflag:s13] =	ssyncset.done $0x0  }
0x77: {  	s10 =	sadd.s32 $0x14180, s12;
	[sflag:s13] =	ssyncadd.s32 $0xFFFFC180  }
0x78: {  	[tilespmem:s3], [sflag:$0x2] =	stream.indirect.gather [hbm4b:s16+s0], $0x80, s10, s0, $0xb8;
	[tilespmem:$0x1D800] =	vst v63  }
0x79: {  	_ =	swait.ge [sflag:s4], $0x3E80  }
0x7a: {  	[sflag:s4] =	ssyncset.done $0x0  }
0x7b: {  	s11 =	sadd.s32 $0x14D00, s12;
	[sflag:s4] =	ssyncadd.s32 $0xFFFFC180  }
0x7c: {  	[spmem:s15] =	stream.indirect.scatter.add.f32 [tilespmem:s2], [sflag:$0x3], $0x80, s11, s0, $0xb8;
	[tilespmem:$0x1D800] =	vst v63  }
0x7d: {  	_ =	swait.ge [sflag:s13], $0x3E80  }
0x7e: {  	[sflag:s13] =	ssyncset.done $0x0  }
0x7f: {  	s14 =	sadd.s32 $0x14200, s12;
	[sflag:s13] =	ssyncadd.s32 $0xFFFFC180  }
0x80: {  	[tilespmem:s2], [sflag:$0x1] =	stream.indirect.gather [hbm4b:s16+s0], $0x80, s14, s0, $0xb8;
	[tilespmem:$0x1D800] =	vst v63  }
0x81: {  	_ =	swait.ge [sflag:s5], $0x3E80  }
0x82: {  	[sflag:s5] =	ssyncset.done $0x0  }
0x83: {  	s28 =	sadd.s32 $0x14D80, s12;
	[sflag:s5] =	ssyncadd.s32 $0xFFFFC180  }
0x84: {  	[spmem:s15] =	stream.indirect.scatter.add.f32 [tilespmem:s3], [sflag:$0x3], $0x80, s28, s0, $0xb8;
	[tilespmem:$0x1D800] =	vst v63  }
0x85: {  	_ =	swait.ge [sflag:s13], $0x3E80  }
0x86: {  	[sflag:s13] =	ssyncset.done $0x0  }
0x87: {  	s1 =	sadd.s32 $0x14280, s12;
	[sflag:s13] =	ssyncadd.s32 $0xFFFFC180  }
0x88: {  	[tilespmem:s3], [sflag:$0x2] =	stream.indirect.gather [hbm4b:s16+s0], $0x80, s1, s0, $0xb8;
	[tilespmem:$0x1D800] =	vst v63  }
0x89: {  	_ =	swait.ge [sflag:s4], $0x3E80  }
0x8a: {  	[sflag:s4] =	ssyncset.done $0x0  }
0x8b: {  	s10 =	sadd.s32 $0x14E00, s12;
	[sflag:s4] =	ssyncadd.s32 $0xFFFFC180  }
0x8c: {  	[spmem:s15] =	stream.indirect.scatter.add.f32 [tilespmem:s2], [sflag:$0x3], $0x80, s10, s0, $0xb8;
	[tilespmem:$0x1D800] =	vst v63  }
0x8d: {  	_ =	swait.ge [sflag:s13], $0x3E80  }
0x8e: {  	[sflag:s13] =	ssyncset.done $0x0  }
0x8f: {  	s11 =	sadd.s32 $0x14300, s12;
	[sflag:s13] =	ssyncadd.s32 $0xFFFFC180  }
0x90: {  	[tilespmem:s2], [sflag:$0x1] =	stream.indirect.gather [hbm4b:s16+s0], $0x80, s11, s0, $0xb8;
	[tilespmem:$0x1D800] =	vst v63  }
0x91: {  	_ =	swait.ge [sflag:s5], $0x3E80  }
0x92: {  	[sflag:s5] =	ssyncset.done $0x0  }
0x93: {  	s8 =	sshll.u32 s8, $0xC;
	s14 =	sadd.s32 $0x14E80, s12;
	[sflag:s5] =	ssyncadd.s32 $0xFFFFC180  }
0x94: {  	[spmem:s15] =	stream.indirect.scatter.add.f32 [tilespmem:s3], [sflag:$0x3], $0x80, s14, s0, $0xb8;
	[tilespmem:$0x1D800] =	vst v63  }
0x95: {  	s29 =	smov.u32 s9;
	s8 =	sshrl.u32 @!p0 s8, $0x2;
	_ =	swait.ge [sflag:s13], $0x3E80  }
0x96: {  	s31 =	sadd.s32 $0x14F00, s12;
	s7 =	simm.s32 $0x1;
	[sflag:s13] =	ssyncset.done $0x0  }
0x97: {  	s28 =	sadd.s32 $0x14380, s12;
	s10 =	sor.u32 $0x380, s12;
	[sflag:s13] =	ssyncadd.s32 $0xFFFFC180  }
0x98: {  	[tilespmem:s3], [sflag:$0x2] =	stream.indirect.gather [hbm4b:s16+s0], $0x80, s28, s0, $0xb8;
	[tilespmem:$0x1D800] =	vst v63  }
0x99: {  	s12 =	simm.s32 @!p0 $0x7D;
	s11 =	sadd.s32 @!p0 $0x14000, s8;
	_ =	swait.ge [sflag:s4], $0x3E80  }
0x9a: {  	s8 =	sadd.s32 $0x80, s30;
	s14 =	simm.s32 @!p0 $0x15800;
	[sflag:s4] =	ssyncset.done $0x0  }
.LBB2_4:
0x9b: {  	s28 =	smul.u32 $0xAB, s7  }
0x9c: {  	[sflag:s4] =	ssyncadd.s32 $0xFFFFC180;
	s1 =	smov.u32 s7;
	s7 =	sadd.s32 $0x1, s7  }
0x9d: {  	[spmem:s15] =	stream.indirect.scatter.add.f32 [tilespmem:s2], [sflag:$0x3], $0x80, s31, s0, $0xb8;
	[tilespmem:$0x1D800] =	vst v63  }
0x9e: {  	s31 =	sshrl.u32 s28, $0x9;
	s28 =	sadd.s32 $0xAB, s28;
	_ =	swait.ge [sflag:s13], $0x3E80  }
0x9f: {  	s31 =	sand.u32 $0x7F, s31;
	s28 =	sshrl.u32 s28, $0x9;
	[sflag:s13] =	ssyncset.done $0x0  }
0xa0: {  	s31 =	smul.u32 $0x3, s31;
	s28 =	sand.u32 $0x7F, s28;
	[sflag:s13] =	ssyncadd.s32 $0xFFFFC180  }
0xa1: {  	s10 =	sadd.s32 $0x14C00, s10;
	s29 =	sadd.s32 $0x80, s29;
	s28 =	smul.u32 $0x3, s28  }
0xa2: {  	[tilespmem:s14], [sflag:$0x1] =	stream.indirect.gather @!p0 [hbm4b:s16+s12], $0x80, s11, s12, $0xb8;
	[tilespmem:$0x1D800] =	vst v63  }
0xa3: {  	s11 =	ssub.s32 s1, s31;
	s12 =	ssub.s32 s7, s28;
	_ =	swait.ge [sflag:s5], $0x3E80  }
0xa4: {  	p0 =	seq.s32 s1, $0x9;
	s14 =	sand.u32 $0xFF, s12;
	[sflag:s5] =	ssyncset.done $0x0  }
0xa5: {  	s1 =	sand.u32 $0xFF, s11;
	s28 =	sshll.u32 @!p0 s14, $0xA;
	[sflag:s5] =	ssyncadd.s32 $0xFFFFC180  }
0xa6: {  	[spmem:s15] =	stream.indirect.scatter.add.f32 [tilespmem:s3], [sflag:$0x3], $0x80, s10, s0, $0xb8;
	[tilespmem:$0x1D800] =	vst v63  }
0xa7: {  	s12 =	sshll.u32 s1, $0xA;
	s1 =	sshll.u32 s14, $0xC;
	_ =	swait.ge [sflag:s13], $0x3E80  }
0xa8: {  	s14 =	simm.s32 @!p0 $0x3;
	s1 =	sshrl.u32 @!p0 s1, $0x2;
	[sflag:s13] =	ssyncset.done $0x0  }
0xa9: {  	s31 =	simm.s32 @!p0 $0x0;
	s10 =	sadd.s32 @!p0 $0x14000, s28;
	[sflag:s13] =	ssyncadd.s32 $0xFFFFC180  }
0xaa: {  	[tilespmem:s10], [sflag:$0x3] =	stream.linear.gather @!p0 [hbm4b:s29+s31], $0x400, $0x38;
	[tilespmem:$0x1D800] =	vst v63  }
0xab: {  	s11 =	sadd.s32 @!p0 $0x14000, s1;
	s10 =	sor.u32 $0x380, s12;
	_ =	swait.ge @!p0 [sflag:s14], $0x400  }
0xac: {  	p1 =	sne.s32 s7, $0xA;
	[sflag:s14] =	ssyncset.done @!p0 $0x0  }
0xad: {  	s1 =	sadd.s32 @!p0 $0x14C00, s28;
	[sflag:s14] =	ssyncadd.s32 @!p0 $0xFFFFFC00  }
0xae: {  	[tilespmem:s1], [sflag:$0x3] =	stream.linear.gather @!p0 [hbm4b:s8+s31], $0x400, $0x38;
	[tilespmem:$0x1D800] =	vst v63  }
0xaf: {  	_ =	swait.ge @!p0 [sflag:s14], $0x400  }
0xb0: {  	[sflag:s14] =	ssyncset.done @!p0 $0x0  }
0xb1: {  	s1 =	sadd.s32 $0x14080, s12;
	[sflag:s14] =	ssyncadd.s32 @!p0 $0xFFFFFC00  }
0xb2: {  	[tilespmem:s3], [sflag:$0x2] =	stream.indirect.gather [hbm4b:s16+s0], $0x80, s1, s0, $0xb8;
	[tilespmem:$0x1D800] =	vst v63  }
0xb3: {  	_ =	swait.ge [sflag:s4], $0x3E80  }
0xb4: {  	[sflag:s4] =	ssyncset.done $0x0  }
0xb5: {  	s1 =	sadd.s32 $0x14C00, s12;
	[sflag:s4] =	ssyncadd.s32 $0xFFFFC180  }
0xb6: {  	[spmem:s15] =	stream.indirect.scatter.add.f32 [tilespmem:s2], [sflag:$0x3], $0x80, s1, s0, $0xb8;
	[tilespmem:$0x1D800] =	vst v63  }
0xb7: {  	_ =	swait.ge [sflag:s13], $0x3E80  }
0xb8: {  	[sflag:s13] =	ssyncset.done $0x0  }
0xb9: {  	s1 =	sadd.s32 $0x14100, s12;
	[sflag:s13] =	ssyncadd.s32 $0xFFFFC180  }
0xba: {  	[tilespmem:s2], [sflag:$0x1] =	stream.indirect.gather [hbm4b:s16+s0], $0x80, s1, s0, $0xb8;
	[tilespmem:$0x1D800] =	vst v63  }
0xbb: {  	_ =	swait.ge [sflag:s5], $0x3E80  }
0xbc: {  	[sflag:s5] =	ssyncset.done $0x0  }
0xbd: {  	s1 =	sadd.s32 $0x14C80, s12;
	[sflag:s5] =	ssyncadd.s32 $0xFFFFC180  }
0xbe: {  	[spmem:s15] =	stream.indirect.scatter.add.f32 [tilespmem:s3], [sflag:$0x3], $0x80, s1, s0, $0xb8;
	[tilespmem:$0x1D800] =	vst v63  }
0xbf: {  	_ =	swait.ge [sflag:s13], $0x3E80  }
0xc0: {  	[sflag:s13] =	ssyncset.done $0x0  }
0xc1: {  	s1 =	sadd.s32 $0x14180, s12;
	[sflag:s13] =	ssyncadd.s32 $0xFFFFC180  }
0xc2: {  	[tilespmem:s3], [sflag:$0x2] =	stream.indirect.gather [hbm4b:s16+s0], $0x80, s1, s0, $0xb8;
	[tilespmem:$0x1D800] =	vst v63  }
0xc3: {  	_ =	swait.ge [sflag:s4], $0x3E80  }
0xc4: {  	[sflag:s4] =	ssyncset.done $0x0  }
0xc5: {  	s1 =	sadd.s32 $0x14D00, s12;
	[sflag:s4] =	ssyncadd.s32 $0xFFFFC180  }
0xc6: {  	[spmem:s15] =	stream.indirect.scatter.add.f32 [tilespmem:s2], [sflag:$0x3], $0x80, s1, s0, $0xb8;
	[tilespmem:$0x1D800] =	vst v63  }
0xc7: {  	_ =	swait.ge [sflag:s13], $0x3E80  }
0xc8: {  	[sflag:s13] =	ssyncset.done $0x0  }
0xc9: {  	s1 =	sadd.s32 $0x14200, s12;
	[sflag:s13] =	ssyncadd.s32 $0xFFFFC180  }
0xca: {  	[tilespmem:s2], [sflag:$0x1] =	stream.indirect.gather [hbm4b:s16+s0], $0x80, s1, s0, $0xb8;
	[tilespmem:$0x1D800] =	vst v63  }
0xcb: {  	_ =	swait.ge [sflag:s5], $0x3E80  }
0xcc: {  	[sflag:s5] =	ssyncset.done $0x0  }
0xcd: {  	s1 =	sadd.s32 $0x14D80, s12;
	[sflag:s5] =	ssyncadd.s32 $0xFFFFC180  }
0xce: {  	[spmem:s15] =	stream.indirect.scatter.add.f32 [tilespmem:s3], [sflag:$0x3], $0x80, s1, s0, $0xb8;
	[tilespmem:$0x1D800] =	vst v63  }
0xcf: {  	_ =	swait.ge [sflag:s13], $0x3E80  }
0xd0: {  	[sflag:s13] =	ssyncset.done $0x0  }
0xd1: {  	s1 =	sadd.s32 $0x14280, s12;
	[sflag:s13] =	ssyncadd.s32 $0xFFFFC180  }
0xd2: {  	[tilespmem:s3], [sflag:$0x2] =	stream.indirect.gather [hbm4b:s16+s0], $0x80, s1, s0, $0xb8;
	[tilespmem:$0x1D800] =	vst v63  }
0xd3: {  	s1 =	sadd.s32 $0x14E00, s12;
	_ =	swait.ge [sflag:s4], $0x3E80  }
0xd4: {  	[sflag:s4] =	ssyncset.done $0x0  }
0xd5: {  	[sflag:s4] =	ssyncadd.s32 $0xFFFFC180  }
0xd6: {  	[spmem:s15] =	stream.indirect.scatter.add.f32 [tilespmem:s2], [sflag:$0x3], $0x80, s1, s0, $0xb8;
	[tilespmem:$0x1D800] =	vst v63  }
0xd7: {  	s1 =	sadd.s32 $0x14300, s12;
	_ =	swait.ge [sflag:s13], $0x3E80  }
0xd8: {  	[sflag:s13] =	ssyncset.done $0x0  }
0xd9: {  	[sflag:s13] =	ssyncadd.s32 $0xFFFFC180  }
0xda: {  	[tilespmem:s2], [sflag:$0x1] =	stream.indirect.gather [hbm4b:s16+s0], $0x80, s1, s0, $0xb8;
	[tilespmem:$0x1D800] =	vst v63  }
0xdb: {  	s1 =	sadd.s32 $0x14E80, s12;
	_ =	swait.ge [sflag:s5], $0x3E80  }
0xdc: {  	[sflag:s5] =	ssyncset.done $0x0  }
0xdd: {  	[sflag:s5] =	ssyncadd.s32 $0xFFFFC180  }
0xde: {  	[spmem:s15] =	stream.indirect.scatter.add.f32 [tilespmem:s3], [sflag:$0x3], $0x80, s1, s0, $0xb8;
	[tilespmem:$0x1D800] =	vst v63  }
0xdf: {  	s1 =	sadd.s32 $0x14380, s12;
	_ =	swait.ge [sflag:s13], $0x3E80  }
.Ltmp1:
0xe0: {  	[sflag:s13] =	ssyncset.done $0x0;
	(pc) =	sbr.rel @p1 .LBB2_4-.Ltmp1, $4  }
0xe1: {  	[sflag:s13] =	ssyncadd.s32 $0xFFFFC180  }
0xe2: {  	[tilespmem:s3], [sflag:$0x2] =	stream.indirect.gather [hbm4b:s16+s0], $0x80, s1, s0, $0xb8;
	[tilespmem:$0x1D800] =	vst v63  }
0xe3: {  	s31 =	sadd.s32 $0x14F00, s12;
	s8 =	sadd.s32 $0x80, s8;
	_ =	swait.ge [sflag:s4], $0x3E80  }
0xe4: {  	s14 =	simm.s32 @!p0 $0x15800;
	s12 =	simm.s32 @!p0 $0x7D;
	[sflag:s4] =	ssyncset.done $0x0  }
0xe5: {  	[sflag:s4] =	ssyncadd.s32 $0xFFFFC180  }
0xe6: {  	[spmem:s15] =	stream.indirect.scatter.add.f32 [tilespmem:s2], [sflag:$0x3], $0x80, s31, s0, $0xb8;
	[tilespmem:$0x1D800] =	vst v63  }
0xe7: {  	_ =	swait.ge [sflag:s13], $0x3E80  }
0xe8: {  	[sflag:s13] =	ssyncset.done $0x0  }
0xe9: {  	[sflag:s13] =	ssyncadd.s32 $0xFFFFC180  }
0xea: {  	[tilespmem:s14], [sflag:$0x1] =	stream.indirect.gather @!p0 [hbm4b:s16+s12], $0x80, s11, s12, $0xb8;
	[tilespmem:$0x1D800] =	vst v63  }
0xeb: {  	_ =	swait.ge [sflag:s5], $0x3E80  }
0xec: {  	[sflag:s5] =	ssyncset.done $0x0  }
0xed: {  	s1 =	sadd.s32 $0x14C00, s10;
	[sflag:s5] =	ssyncadd.s32 $0xFFFFC180  }
0xee: {  	[spmem:s15] =	stream.indirect.scatter.add.f32 [tilespmem:s3], [sflag:$0x3], $0x80, s1, s0, $0xb8;
	[tilespmem:$0x1D800] =	vst v63  }
0xef: {  	_ =	swait.ge [sflag:s13], $0x3E80  }
0xf0: {  	[sflag:s13] =	ssyncset.done $0x0  }
0xf1: {  	s12 =	stileid.u32;
	[sflag:s13] =	ssyncadd.s32 $0xFFFFC180  }
0xf2: {  	s1 =	sshll.u32 s12, $0x6;
	[bflag:$0x0] =	sbarrier.arrive $0xFFFF  }
0xf3: {  	s7 =	sshrl.u32 s17, $0x3;
	s1 =	sor.u32 $0x1C03, s1;
	s8 =	rddreg [dreg:$0x3]  }
0xf4: {  	[hbm:s8], [sflag:s1] =	dma.local [spmem:s7], $0x400  }
0xf5: {  	_ =	swait.ge [sflag:s13], $0x400  }
0xf6: {  	[sflag:s13] =	ssyncset.done $0x0  }
0xf7: {  	s14 =	sshrl.u32 s18, $0x3;
	s28 =	rddreg [dreg:$0x4];
	[sflag:s13] =	ssyncadd.s32 $0xFFFFFC00  }
0xf8: {  	[hbm:s28], [sflag:s1] =	dma.local [spmem:s14], $0x400  }
0xf9: {  	_ =	swait.ge [sflag:s13], $0x400  }
0xfa: {  	[sflag:s13] =	ssyncset.done $0x0  }
0xfb: {  	s29 =	sshrl.u32 s19, $0x3;
	s31 =	rddreg [dreg:$0x5];
	[sflag:s13] =	ssyncadd.s32 $0xFFFFFC00  }
0xfc: {  	[hbm:s31], [sflag:s1] =	dma.local [spmem:s29], $0x400  }
0xfd: {  	_ =	swait.ge [sflag:s13], $0x400  }
0xfe: {  	[sflag:s13] =	ssyncset.done $0x0  }
0xff: {  	s8 =	sshrl.u32 s20, $0x3;
	s10 =	rddreg [dreg:$0x6];
	[sflag:s13] =	ssyncadd.s32 $0xFFFFFC00  }
0x100: {  	[hbm:s10], [sflag:s1] =	dma.local [spmem:s8], $0x400  }
0x101: {  	_ =	swait.ge [sflag:s13], $0x400  }
0x102: {  	[sflag:s13] =	ssyncset.done $0x0  }
0x103: {  	s11 =	sshrl.u32 s21, $0x3;
	s12 =	rddreg [dreg:$0x7];
	[sflag:s13] =	ssyncadd.s32 $0xFFFFFC00  }
0x104: {  	[hbm:s12], [sflag:s1] =	dma.local [spmem:s11], $0x400  }
0x105: {  	_ =	swait.ge [sflag:s13], $0x400  }
0x106: {  	[sflag:s13] =	ssyncset.done $0x0  }
0x107: {  	s14 =	sshrl.u32 s22, $0x3;
	s28 =	rddreg [dreg:$0x8];
	[sflag:s13] =	ssyncadd.s32 $0xFFFFFC00  }
0x108: {  	[hbm:s28], [sflag:s1] =	dma.local [spmem:s14], $0x400  }
0x109: {  	_ =	swait.ge [sflag:s13], $0x400  }
0x10a: {  	[sflag:s13] =	ssyncset.done $0x0  }
0x10b: {  	s29 =	sshrl.u32 s23, $0x3;
	s31 =	rddreg [dreg:$0x9];
	[sflag:s13] =	ssyncadd.s32 $0xFFFFFC00  }
0x10c: {  	[hbm:s31], [sflag:s1] =	dma.local [spmem:s29], $0x400  }
0x10d: {  	_ =	swait.ge [sflag:s13], $0x400  }
0x10e: {  	[sflag:s13] =	ssyncset.done $0x0  }
0x10f: {  	s10 =	sshrl.u32 s24, $0x3;
	s11 =	rddreg [dreg:$0xa];
	[sflag:s13] =	ssyncadd.s32 $0xFFFFFC00  }
0x110: {  	[hbm:s11], [sflag:s1] =	dma.local [spmem:s10], $0x400  }
0x111: {  	_ =	swait.ge [sflag:s13], $0x400  }
0x112: {  	[sflag:s13] =	ssyncset.done $0x0  }
0x113: {  	s12 =	sshrl.u32 s25, $0x3;
	s14 =	rddreg [dreg:$0xb];
	[sflag:s13] =	ssyncadd.s32 $0xFFFFFC00  }
0x114: {  	[hbm:s14], [sflag:s1] =	dma.local [spmem:s12], $0x400  }
0x115: {  	_ =	swait.ge [sflag:s13], $0x400  }
0x116: {  	[sflag:s13] =	ssyncset.done $0x0  }
0x117: {  	s28 =	sshrl.u32 s26, $0x3;
	s29 =	rddreg [dreg:$0xc];
	[sflag:s13] =	ssyncadd.s32 $0xFFFFFC00  }
0x118: {  	[hbm:s29], [sflag:s1] =	dma.local [spmem:s28], $0x400  }
0x119: {  	_ =	swait.ge [sflag:s13], $0x400  }
0x11a: {  	s6 =	sadd.s32 $0x1, s6;
	s31 =	rddreg [dreg:$0xf]  }
0x11b: {  	p0 =	sne.s32 s6, s31  }
.Ltmp2:
0x11c: {  	_ = 	snop;
	(pc) =	sbr.rel @p0 .LBB2_1-.Ltmp2, $3  }
0x11d: {  	_ =	sdelay $0x1  }
0x11e: {  	[sflag:s13] =	ssyncset.done $0x0  }
0x11f: {  	[sflag:s13] =	ssyncadd.s32 $0xFFFFFC00  }
0x120: {  	_ =	sfence.sel $0x180000  }
0x121: {  	[bflag:$0x0] =	sbarrier.arrive $0xFFFF  }
0x122: {  	_ =	strace $0x9000004A  }
0x123: {  	s0 =	stileid.u32;
	[bflag:$0x2] =	sbarrier.arrive $0xFFFF  }
0x124: {  	p0 =	sne.s32 s0, $0x0;
	s0 =	rddreg [dreg:$0x2]  }
0x125: {  	s0 =	sadd.s32 @!p0 $0x100000, s0  }
0x126: {  	[sflag:s0] =	ssyncadd.tile.s32 @!p0 $0x1;
	_ =	shalt  }
.Lfunc_end2:
_tile_overlayer_lowered:
.L_overlay_start_2:
0x127: {  	(tag) =	ssettag $0x2  }
0x128: {  	s0 =	rddreg [dreg:$0x0];
	s2 =	stileid.u32  }
0x129: {  	s1 =	rddreg [dreg:$0x1];
	p0 =	sne.s32 s2, $0x0  }
0x12a: {  	s3 =	rddreg [dreg:$0x2];
	[bflag:$0x3] =	sbarrier.arrive $0xFFFF;
	s2 =	simm.s32 @!p0 $0x1C03  }
0x12b: {  	[timem:s3], [sflag:s2] =	dma.local @!p0 [hbm:s0], s1  }
0x12c: {  	s0 =	simm.s32 @!p0 $0x3  }
0x12d: {  	_ =	swait.ge @!p0 [sflag:s0], s1  }
0x12e: {  	s1 =	ssub.s32 @!p0 $0x0, s1;
	[sflag:s0] =	ssyncset.done @!p0 $0x0  }
0x12f: {  	[sflag:s0] =	ssyncadd.s32 @!p0 s1  }
0x130: {  	[bflag:$0x3] =	sbarrier.arrive $0xFFFF  }
0x131: {  	_ =	shalt  }

</sc_bundles>
